<compile_context>
chip_gen: v7x
topology: tpu7x:2x2x1
jax: 0.10.2.dev20260603
libtpu: 0.0.44.dev20260713+nightly
codegen_flags: <defaults>
</compile_context>

<pallas_src>
import functools

import jax
import jax.numpy as jnp
from jax import lax
from jax.experimental import pallas as pl
from jax.experimental.pallas import tpu as pltpu
from jax.experimental.pallas import tpu_sc as plsc

EMBED = 128
CH = 128
NBUF = 6
LANES = 16


def _pretransform(cons_table, univ_table, fusion_W, fusion_b):
    n_c, n_u = cons_table.shape[0], univ_table.shape[0]

    def body(ct, ut, fw, fb, oc, ou):
        dn = (((1,), (1,)), ((), ()))
        oc[...] = lax.dot_general(ct[...], fw[:, 1 * EMBED:2 * EMBED], dn,
                                  preferred_element_type=jnp.float32) + fb[...]
        ou[...] = lax.dot_general(ut[...], fw[:, 2 * EMBED:3 * EMBED], dn,
                                  preferred_element_type=jnp.float32)

    full = lambda r, c: pl.BlockSpec((r, c), lambda: (0, 0))
    return pl.pallas_call(
        body,
        in_specs=[full(n_c, EMBED), full(n_u, EMBED),
                  full(EMBED, 3 * EMBED), full(1, EMBED)],
        out_specs=(full(n_c, EMBED), full(n_u, EMBED)),
        out_shape=(jax.ShapeDtypeStruct((n_c, EMBED), jnp.float32),
                   jax.ShapeDtypeStruct((n_u, EMBED), jnp.float32)),
    )(cons_table, univ_table, fusion_W, fusion_b.reshape(1, EMBED))


def _sc_gather(li2, ci2, ui2, lang_tab, cons_t, univ_t):
    B = li2.size
    info = plsc.get_sparse_core_info()
    nc, ns = info.num_cores, info.num_subcores
    nw = nc * ns
    b_per_w = B // nw
    n_ch = b_per_w // CH
    mesh = plsc.VectorSubcoreMesh(core_axis_name="c", subcore_axis_name="s")

    @functools.partial(
        pl.kernel,
        mesh=mesh,
        out_type=(
            jax.ShapeDtypeStruct((B, EMBED), jnp.float32),
            jax.ShapeDtypeStruct((B, EMBED), jnp.float32),
        ),
        scratch_types=[
            pltpu.VMEM((n_ch, CH), jnp.int32),
            pltpu.VMEM((n_ch, CH), jnp.int32),
            pltpu.VMEM((n_ch, CH), jnp.int32),
            pltpu.VMEM((NBUF, CH, EMBED), jnp.float32),
            pltpu.VMEM_SHARED((cons_t.shape[0], EMBED), jnp.float32),
            pltpu.VMEM_SHARED((univ_t.shape[0], EMBED), jnp.float32),
            pltpu.SemaphoreType.DMA((NBUF,)),
            pltpu.SemaphoreType.DMA((NBUF,)),
            pltpu.SemaphoreType.DMA,
        ],
    )
    def k(li, ci, ui, lt, ct, ut, ol, ocomb, ixl, ixc, ixu, rows,
          shc, shu, sem_g, sem_w, sem_i):
        wid = lax.axis_index("s") * nc + lax.axis_index("c")
        base = wid * b_per_w
        row0 = wid * n_ch
        for src, dst in ((li, ixl), (ci, ixc), (ui, ixu)):
            pltpu.async_copy(src.at[pl.ds(row0, n_ch)], dst, sem_i).wait()

        def add_chunk(dst_ref, src_ref):
            def body(r, carry):
                for g in range(EMBED // LANES):
                    c = g * LANES
                    dst_ref[r, pl.ds(c, LANES)] = (
                        dst_ref[r, pl.ds(c, LANES)]
                        + src_ref[r, pl.ds(c, LANES)])
                return carry
            lax.fori_loop(0, CH, body, 0)

        pending_w = {}

        def writeout(s, out_slc):
            pending_w[s] = pltpu.async_copy(rows.at[s], out_slc, sem_w.at[s])

        def free_slot(s):
            h = pending_w.pop(s, None)
            if h is not None:
                h.wait()

        gh = {}

        def gather_lang(j):
            s = j % NBUF
            free_slot(s)
            gh[j] = pltpu.async_copy(lt.at[ixl.at[j]], rows.at[s],
                                     sem_g.at[s])

        for j in range(min(NBUF, n_ch)):
            gather_lang(j)

        @pl.when(lax.axis_index("s") == 0)
        def _stage():
            pltpu.sync_copy(ct, shc)
            pltpu.sync_copy(ut, shu)

        for j in range(n_ch):
            gh[j].wait()
            writeout(j % NBUF, ol.at[pl.ds(base + j * CH, CH)])
            if j + NBUF < n_ch:
                gather_lang(j + NBUF)

        plsc.subcore_barrier()

        npair = NBUF // 2
        ph = {}

        def start_pair(j):
            a, b = (2 * j) % NBUF, (2 * j + 1) % NBUF
            free_slot(a)
            free_slot(b)
            ph[j] = (
                pltpu.async_copy(shc.at[ixc.at[j]], rows.at[a], sem_g.at[a]),
                pltpu.async_copy(shu.at[ixu.at[j]], rows.at[b], sem_g.at[b]),
            )

        for j in range(min(npair, n_ch)):
            start_pair(j)
        for j in range(n_ch):
            ga, gb = ph[j]
            ga.wait()
            gb.wait()
            a, b = (2 * j) % NBUF, (2 * j + 1) % NBUF
            add_chunk(rows.at[a], rows.at[b])
            writeout(a, ocomb.at[pl.ds(base + j * CH, CH)])
            if j + npair < n_ch:
                start_pair(j + npair)
        for s in list(pending_w):
            free_slot(s)

    return k(li2, ci2, ui2, lang_tab, cons_t, univ_t)


def _dense_body(le, ce, fw, g, bt, ow, ob, o):
    dn = (((1,), (1,)), ((), ()))
    x = lax.dot_general(le[...], fw[:, 0 * EMBED:1 * EMBED], dn,
                        preferred_element_type=jnp.float32)
    x += ce[...]
    mean = jnp.mean(x, axis=1, keepdims=True)
    xc = x - mean
    var = jnp.mean(xc * xc, axis=1, keepdims=True)
    xn = xc * lax.rsqrt(var + 1e-5) * g[...] + bt[...]
    o[...] = lax.dot_general(xn, ow[...], dn,
                             preferred_element_type=jnp.float32) + ob[...]


def _tc_dense(lang_e, comb_e, fusion_W, ln_gamma, ln_beta, out_W, out_b):
    B = lang_e.shape[0]
    blk = 4096
    grid = (B // blk,)
    emb_spec = pl.BlockSpec((blk, EMBED), lambda i: (i, 0))
    full = lambda r, c: pl.BlockSpec((r, c), lambda i: (0, 0))
    return pl.pallas_call(
        _dense_body,
        grid=grid,
        in_specs=[
            emb_spec, emb_spec,
            full(EMBED, 3 * EMBED),
            full(1, EMBED), full(1, EMBED),
            full(EMBED, EMBED), full(1, EMBED),
        ],
        out_specs=emb_spec,
        out_shape=jax.ShapeDtypeStruct((B, EMBED), jnp.float32),
    )(lang_e, comb_e, fusion_W,
      ln_gamma.reshape(1, EMBED), ln_beta.reshape(1, EMBED),
      out_W, out_b.reshape(1, EMBED))


def kernel(language_input, consciousness_input, universe_input, lang_table,
           cons_table, univ_table, fusion_W, fusion_b, ln_gamma, ln_beta,
           out_W, out_b):
    B = language_input.shape[0]
    li2 = language_input.astype(jnp.int32).reshape(B // CH, CH)
    ci2 = consciousness_input.astype(jnp.int32).reshape(B // CH, CH)
    ui2 = universe_input.astype(jnp.int32).reshape(B // CH, CH)
    cons_t, univ_t = _pretransform(cons_table, univ_table, fusion_W, fusion_b)
    lang_e, comb_e = _sc_gather(li2, ci2, ui2, lang_table, cons_t, univ_t)
    return _tc_dense(lang_e, comb_e, fusion_W, ln_gamma, ln_beta, out_W, out_b)

# --- scband reference (transcript-rebuilt; emitter-appended) ---
"""Pipeline reference for scband-multimodal-atlas-73426760892580 (READ-ONLY COPY).

The authoritative reference and input builder live on the scoring server;
editing this copy changes nothing except your own understanding.
"""

import jax, jax.numpy as jnp
import numpy as np

NUM_LANGUAGES = 100000
NUM_CONSCIOUSNESS = 1000
NUM_UNIVERSE = 1000
EMBED_DIM = 128
BATCH = 16384


def setup_inputs(seed: int = 0) -> dict:
    key = jax.random.key(seed)
    ks = jax.random.split(key, 12)
    language_input = jax.random.randint(ks[0], (BATCH,), 0, NUM_LANGUAGES, dtype=jnp.int64 if jax.config.jax_enable_x64 else jnp.int32)
    consciousness_input = jax.random.randint(ks[1], (BATCH,), 0, NUM_CONSCIOUSNESS)
    universe_input = jax.random.randint(ks[2], (BATCH,), 0, NUM_UNIVERSE)
    lang_table = jax.random.normal(ks[3], (NUM_LANGUAGES, EMBED_DIM), dtype=jnp.float32)
    cons_table = jax.random.normal(ks[4], (NUM_CONSCIOUSNESS, EMBED_DIM), dtype=jnp.float32)
    univ_table = jax.random.normal(ks[5], (NUM_UNIVERSE, EMBED_DIM), dtype=jnp.float32)
    fusion_W = jax.random.normal(ks[6], (EMBED_DIM, EMBED_DIM * 3), dtype=jnp.float32) * (1.0 / np.sqrt(EMBED_DIM * 3))
    fusion_b = jax.random.normal(ks[7], (EMBED_DIM,), dtype=jnp.float32) * 0.01
    ln_gamma = jnp.ones((EMBED_DIM,), dtype=jnp.float32)
    ln_beta = jnp.zeros((EMBED_DIM,), dtype=jnp.float32)
    out_W = jax.random.normal(ks[8], (EMBED_DIM, EMBED_DIM), dtype=jnp.float32) * (1.0 / np.sqrt(EMBED_DIM))
    out_b = jax.random.normal(ks[9], (EMBED_DIM,), dtype=jnp.float32) * 0.01
    return {
        "language_input": language_input,
        "consciousness_input": consciousness_input,
        "universe_input": universe_input,
        "lang_table": lang_table,
        "cons_table": cons_table,
        "univ_table": univ_table,
        "fusion_W": fusion_W,
        "fusion_b": fusion_b,
        "ln_gamma": ln_gamma,
        "ln_beta": ln_beta,
        "out_W": out_W,
        "out_b": out_b,
    }


def _layer_norm(x, gamma, beta, eps=1e-5):
    mean = jnp.mean(x, axis=-1, keepdims=True)
    var = jnp.var(x, axis=-1, keepdims=True)
    return (x - mean) / jnp.sqrt(var + eps) * gamma + beta


def reference(language_input, consciousness_input, universe_input,
              lang_table, cons_table, univ_table,
              fusion_W, fusion_b, ln_gamma, ln_beta, out_W, out_b):
    lang_emb = jnp.take(lang_table, language_input, axis=0)
    cons_emb = jnp.take(cons_table, consciousness_input, axis=0)
    univ_emb = jnp.take(univ_table, universe_input, axis=0)
    fused = jnp.concatenate((lang_emb, cons_emb, univ_emb), axis=1)
    fused = fused @ fusion_W.T + fusion_b
    fused = _layer_norm(fused, ln_gamma, ln_beta)
    out = fused @ out_W.T + out_b
    return out

if __name__ == "__main__":
    import jax
    _d = setup_inputs()
    print(jax.jit(kernel)(*tuple(_d.values())))

</pallas_src>

<mosaic_0001>
#map = affine_map<(d0, d1) -> (0, 0)>
module attributes {stable_mosaic.version = 14 : i64} {
  func.func @k(%arg0: i32, %arg1: i32, %arg2: memref<128x128xi32, #tpu.memory_space<hbm>>, %arg3: memref<128x128xi32, #tpu.memory_space<hbm>>, %arg4: memref<128x128xi32, #tpu.memory_space<hbm>>, %arg5: memref<100000x128xf32, #tpu.memory_space<hbm>>, %arg6: memref<1000x128xf32, #tpu.memory_space<hbm>>, %arg7: memref<1000x128xf32, #tpu.memory_space<hbm>>, %arg8: memref<16384x128xf32, #tpu.memory_space<hbm>>, %arg9: memref<16384x128xf32, #tpu.memory_space<hbm>>, %arg10: memref<4x128xi32, #tpu.memory_space<vmem>>, %arg11: memref<4x128xi32, #tpu.memory_space<vmem>>, %arg12: memref<4x128xi32, #tpu.memory_space<vmem>>, %arg13: memref<6x128x128xf32, #tpu.memory_space<vmem>>, %arg14: memref<1000x128xf32, #tpu.memory_space<vmem_shared>>, %arg15: memref<1000x128xf32, #tpu.memory_space<vmem_shared>>, %arg16: memref<6x!tpu.dma_semaphore, #tpu.memory_space<semaphore_mem>>, %arg17: memref<6x!tpu.dma_semaphore, #tpu.memory_space<semaphore_mem>>, %arg18: memref<!tpu.dma_semaphore, #tpu.memory_space<semaphore_mem>>) attributes {dimension_semantics = [#tpu.dimension_semantics<core_parallel>, #tpu.dimension_semantics<subcore_parallel>], iteration_bounds = array<i64: 2, 16>, scalar_prefetch = 0 : i64, scratch_operands = 9 : i64, tpu.core_type = #tpu.core_type<sc_vector_subcore>, window_params = [{transform_indices = #map}, {transform_indices = #map}, {transform_indices = #map}, {transform_indices = #map}, {transform_indices = #map}, {transform_indices = #map}, {transform_indices = #map}, {transform_indices = #map}]} {
    %mul3A = arith.constant 2 : i32
    %mul3A_0 = arith.muli %arg1, %mul3A : i32
    %add3A = arith.addi %mul3A_0, %arg0 : i32
    %mul3A_1 = arith.constant 512 : i32
    %mul3A_2 = arith.muli %add3A, %mul3A_1 : i32
    %mul3A_3 = arith.constant 4 : i32
    %mul3A_4 = arith.muli %add3A, %mul3A_3 : i32
    %dma_start3A = arith.constant 0 : i32
    %dma_start3A_5 = tpu.memref_slice %arg2[%mul3A_4, %dma_start3A] : memref<128x128xi32, #tpu.memory_space<hbm>> -> memref<4x128xi32, #tpu.memory_space<hbm>>
    %dma_start3A_6 = arith.constant 0 : i32
    %dma_start3A_7 = tpu.memref_slice %arg2[%mul3A_4, %dma_start3A_6] : memref<128x128xi32, #tpu.memory_space<hbm>> -> memref<4x128xi32, #tpu.memory_space<hbm>>
    tpu.enqueue_dma source(%dma_start3A_7 : memref<4x128xi32, #tpu.memory_space<hbm>>) target(%arg10 : memref<4x128xi32, #tpu.memory_space<vmem>>) target_semaphore(%arg18 : memref<!tpu.dma_semaphore, #tpu.memory_space<semaphore_mem>>)
    %dma_wait3A = arith.constant 0 : i32
    %dma_wait3A_8 = tpu.memref_slice %arg2[%mul3A_4, %dma_wait3A] : memref<128x128xi32, #tpu.memory_space<hbm>> -> memref<4x128xi32, #tpu.memory_space<hbm>>
    %dma_wait3A_9 = arith.constant 0 : i32
    %dma_wait3A_10 = tpu.memref_slice %arg2[%mul3A_4, %dma_wait3A_9] : memref<128x128xi32, #tpu.memory_space<hbm>> -> memref<4x128xi32, #tpu.memory_space<hbm>>
    tpu.wait_dma2 semaphore(%arg18 : memref<!tpu.dma_semaphore, #tpu.memory_space<semaphore_mem>>) src(%dma_wait3A_10 : memref<4x128xi32, #tpu.memory_space<hbm>>) dst(%arg10 : memref<4x128xi32, #tpu.memory_space<vmem>>)
    %dma_start3A_11 = arith.constant 0 : i32
    %dma_start3A_12 = tpu.memref_slice %arg3[%mul3A_4, %dma_start3A_11] : memref<128x128xi32, #tpu.memory_space<hbm>> -> memref<4x128xi32, #tpu.memory_space<hbm>>
    %dma_start3A_13 = arith.constant 0 : i32
    %dma_start3A_14 = tpu.memref_slice %arg3[%mul3A_4, %dma_start3A_13] : memref<128x128xi32, #tpu.memory_space<hbm>> -> memref<4x128xi32, #tpu.memory_space<hbm>>
    tpu.enqueue_dma source(%dma_start3A_14 : memref<4x128xi32, #tpu.memory_space<hbm>>) target(%arg11 : memref<4x128xi32, #tpu.memory_space<vmem>>) target_semaphore(%arg18 : memref<!tpu.dma_semaphore, #tpu.memory_space<semaphore_mem>>)
    %dma_wait3A_15 = arith.constant 0 : i32
    %dma_wait3A_16 = tpu.memref_slice %arg3[%mul3A_4, %dma_wait3A_15] : memref<128x128xi32, #tpu.memory_space<hbm>> -> memref<4x128xi32, #tpu.memory_space<hbm>>
    %dma_wait3A_17 = arith.constant 0 : i32
    %dma_wait3A_18 = tpu.memref_slice %arg3[%mul3A_4, %dma_wait3A_17] : memref<128x128xi32, #tpu.memory_space<hbm>> -> memref<4x128xi32, #tpu.memory_space<hbm>>
    tpu.wait_dma2 semaphore(%arg18 : memref<!tpu.dma_semaphore, #tpu.memory_space<semaphore_mem>>) src(%dma_wait3A_18 : memref<4x128xi32, #tpu.memory_space<hbm>>) dst(%arg11 : memref<4x128xi32, #tpu.memory_space<vmem>>)
    %dma_start3A_19 = arith.constant 0 : i32
    %dma_start3A_20 = tpu.memref_slice %arg4[%mul3A_4, %dma_start3A_19] : memref<128x128xi32, #tpu.memory_space<hbm>> -> memref<4x128xi32, #tpu.memory_space<hbm>>
    %dma_start3A_21 = arith.constant 0 : i32
    %dma_start3A_22 = tpu.memref_slice %arg4[%mul3A_4, %dma_start3A_21] : memref<128x128xi32, #tpu.memory_space<hbm>> -> memref<4x128xi32, #tpu.memory_space<hbm>>
    tpu.enqueue_dma source(%dma_start3A_22 : memref<4x128xi32, #tpu.memory_space<hbm>>) target(%arg12 : memref<4x128xi32, #tpu.memory_space<vmem>>) target_semaphore(%arg18 : memref<!tpu.dma_semaphore, #tpu.memory_space<semaphore_mem>>)
    %dma_wait3A_23 = arith.constant 0 : i32
    %dma_wait3A_24 = tpu.memref_slice %arg4[%mul3A_4, %dma_wait3A_23] : memref<128x128xi32, #tpu.memory_space<hbm>> -> memref<4x128xi32, #tpu.memory_space<hbm>>
    %dma_wait3A_25 = arith.constant 0 : i32
    %dma_wait3A_26 = tpu.memref_slice %arg4[%mul3A_4, %dma_wait3A_25] : memref<128x128xi32, #tpu.memory_space<hbm>> -> memref<4x128xi32, #tpu.memory_space<hbm>>
    tpu.wait_dma2 semaphore(%arg18 : memref<!tpu.dma_semaphore, #tpu.memory_space<semaphore_mem>>) src(%dma_wait3A_26 : memref<4x128xi32, #tpu.memory_space<hbm>>) dst(%arg12 : memref<4x128xi32, #tpu.memory_space<vmem>>)
    %dma_start3A_27 = arith.constant 0 : i32
    %dma_start3A_28 = arith.constant 0 : i32
    %dma_start3A_29 = arith.constant 0 : i32
    %dma_start3A_30 = arith.constant 0 : i32
    %dma_start3A_31 = arith.constant 0 : i32
    %dma_start3A_32 = tpu.memref_slice %arg13[%dma_start3A_28, %dma_start3A_30, %dma_start3A_31] : memref<6x128x128xf32, #tpu.memory_space<vmem>> -> memref<1x128x128xf32, #tpu.memory_space<vmem>>
    %dma_start3A_33 = tpu.memref_squeeze %dma_start3A_32 : memref<1x128x128xf32, #tpu.memory_space<vmem>> -> memref<128x128xf32, #tpu.memory_space<vmem>>
    %dma_start3A_34 = arith.constant 0 : i32
    %dma_start3A_35 = tpu.memref_slice %arg10[%dma_start3A_27, %dma_start3A_34] : memref<4x128xi32, #tpu.memory_space<vmem>> -> memref<1x128xi32, #tpu.memory_space<vmem>>
    %dma_start3A_36 = tpu.memref_squeeze %dma_start3A_35 : memref<1x128xi32, #tpu.memory_space<vmem>> -> memref<128xi32, #tpu.memory_space<vmem>>
    %dma_start3A_37 = arith.constant 0 : i32
    %dma_start3A_38 = arith.constant 0 : i32
    %dma_start3A_39 = tpu.memref_slice %arg5[%dma_start3A_37, %dma_start3A_38] : memref<100000x128xf32, #tpu.memory_space<hbm>> -> memref<100000x128xf32, #tpu.memory_space<hbm>>
    %dma_start3A_40 = tpu.memref_slice %arg16[%dma_start3A_29] : memref<6x!tpu.dma_semaphore, #tpu.memory_space<semaphore_mem>> -> memref<1x!tpu.dma_semaphore, #tpu.memory_space<semaphore_mem>>
    %dma_start3A_41 = tpu.memref_squeeze %dma_start3A_40 : memref<1x!tpu.dma_semaphore, #tpu.memory_space<semaphore_mem>> -> memref<!tpu.dma_semaphore, #tpu.memory_space<semaphore_mem>>
    tpu.enqueue_indirect_dma source(%dma_start3A_39 : memref<100000x128xf32, #tpu.memory_space<hbm>>) target(%dma_start3A_33 : memref<128x128xf32, #tpu.memory_space<vmem>>) offsets(%dma_start3A_36 : memref<128xi32, #tpu.memory_space<vmem>>) semaphore(%dma_start3A_41 : memref<!tpu.dma_semaphore, #tpu.memory_space<semaphore_mem>>)
    %dma_start3A_42 = arith.constant 1 : i32
    %dma_start3A_43 = arith.constant 1 : i32
    %dma_start3A_44 = arith.constant 1 : i32
    %dma_start3A_45 = arith.constant 0 : i32
    %dma_start3A_46 = arith.constant 0 : i32
    %dma_start3A_47 = tpu.memref_slice %arg13[%dma_start3A_43, %dma_start3A_45, %dma_start3A_46] : memref<6x128x128xf32, #tpu.memory_space<vmem>> -> memref<1x128x128xf32, #tpu.memory_space<vmem>>
    %dma_start3A_48 = tpu.memref_squeeze %dma_start3A_47 : memref<1x128x128xf32, #tpu.memory_space<vmem>> -> memref<128x128xf32, #tpu.memory_space<vmem>>
    %dma_start3A_49 = arith.constant 0 : i32
    %dma_start3A_50 = tpu.memref_slice %arg10[%dma_start3A_42, %dma_start3A_49] : memref<4x128xi32, #tpu.memory_space<vmem>> -> memref<1x128xi32, #tpu.memory_space<vmem>>
    %dma_start3A_51 = tpu.memref_squeeze %dma_start3A_50 : memref<1x128xi32, #tpu.memory_space<vmem>> -> memref<128xi32, #tpu.memory_space<vmem>>
    %dma_start3A_52 = arith.constant 0 : i32
    %dma_start3A_53 = arith.constant 0 : i32
    %dma_start3A_54 = tpu.memref_slice %arg5[%dma_start3A_52, %dma_start3A_53] : memref<100000x128xf32, #tpu.memory_space<hbm>> -> memref<100000x128xf32, #tpu.memory_space<hbm>>
    %dma_start3A_55 = tpu.memref_slice %arg16[%dma_start3A_44] : memref<6x!tpu.dma_semaphore, #tpu.memory_space<semaphore_mem>> -> memref<1x!tpu.dma_semaphore, #tpu.memory_space<semaphore_mem>>
    %dma_start3A_56 = tpu.memref_squeeze %dma_start3A_55 : memref<1x!tpu.dma_semaphore, #tpu.memory_space<semaphore_mem>> -> memref<!tpu.dma_semaphore, #tpu.memory_space<semaphore_mem>>
    tpu.enqueue_indirect_dma source(%dma_start3A_54 : memref<100000x128xf32, #tpu.memory_space<hbm>>) target(%dma_start3A_48 : memref<128x128xf32, #tpu.memory_space<vmem>>) offsets(%dma_start3A_51 : memref<128xi32, #tpu.memory_space<vmem>>) semaphore(%dma_start3A_56 : memref<!tpu.dma_semaphore, #tpu.memory_space<semaphore_mem>>)
    %dma_start3A_57 = arith.constant 2 : i32
    %dma_start3A_58 = arith.constant 2 : i32
    %dma_start3A_59 = arith.constant 2 : i32
    %dma_start3A_60 = arith.constant 0 : i32
    %dma_start3A_61 = arith.constant 0 : i32
    %dma_start3A_62 = tpu.memref_slice %arg13[%dma_start3A_58, %dma_start3A_60, %dma_start3A_61] : memref<6x128x128xf32, #tpu.memory_space<vmem>> -> memref<1x128x128xf32, #tpu.memory_space<vmem>>
    %dma_start3A_63 = tpu.memref_squeeze %dma_start3A_62 : memref<1x128x128xf32, #tpu.memory_space<vmem>> -> memref<128x128xf32, #tpu.memory_space<vmem>>
    %dma_start3A_64 = arith.constant 0 : i32
    %dma_start3A_65 = tpu.memref_slice %arg10[%dma_start3A_57, %dma_start3A_64] : memref<4x128xi32, #tpu.memory_space<vmem>> -> memref<1x128xi32, #tpu.memory_space<vmem>>
    %dma_start3A_66 = tpu.memref_squeeze %dma_start3A_65 : memref<1x128xi32, #tpu.memory_space<vmem>> -> memref<128xi32, #tpu.memory_space<vmem>>
    %dma_start3A_67 = arith.constant 0 : i32
    %dma_start3A_68 = arith.constant 0 : i32
    %dma_start3A_69 = tpu.memref_slice %arg5[%dma_start3A_67, %dma_start3A_68] : memref<100000x128xf32, #tpu.memory_space<hbm>> -> memref<100000x128xf32, #tpu.memory_space<hbm>>
    %dma_start3A_70 = tpu.memref_slice %arg16[%dma_start3A_59] : memref<6x!tpu.dma_semaphore, #tpu.memory_space<semaphore_mem>> -> memref<1x!tpu.dma_semaphore, #tpu.memory_space<semaphore_mem>>
    %dma_start3A_71 = tpu.memref_squeeze %dma_start3A_70 : memref<1x!tpu.dma_semaphore, #tpu.memory_space<semaphore_mem>> -> memref<!tpu.dma_semaphore, #tpu.memory_space<semaphore_mem>>
    tpu.enqueue_indirect_dma source(%dma_start3A_69 : memref<100000x128xf32, #tpu.memory_space<hbm>>) target(%dma_start3A_63 : memref<128x128xf32, #tpu.memory_space<vmem>>) offsets(%dma_start3A_66 : memref<128xi32, #tpu.memory_space<vmem>>) semaphore(%dma_start3A_71 : memref<!tpu.dma_semaphore, #tpu.memory_space<semaphore_mem>>)
    %dma_start3A_72 = arith.constant 3 : i32
    %dma_start3A_73 = arith.constant 3 : i32
    %dma_start3A_74 = arith.constant 3 : i32
    %dma_start3A_75 = arith.constant 0 : i32
    %dma_start3A_76 = arith.constant 0 : i32
    %dma_start3A_77 = tpu.memref_slice %arg13[%dma_start3A_73, %dma_start3A_75, %dma_start3A_76] : memref<6x128x128xf32, #tpu.memory_space<vmem>> -> memref<1x128x128xf32, #tpu.memory_space<vmem>>
    %dma_start3A_78 = tpu.memref_squeeze %dma_start3A_77 : memref<1x128x128xf32, #tpu.memory_space<vmem>> -> memref<128x128xf32, #tpu.memory_space<vmem>>
    %dma_start3A_79 = arith.constant 0 : i32
    %dma_start3A_80 = tpu.memref_slice %arg10[%dma_start3A_72, %dma_start3A_79] : memref<4x128xi32, #tpu.memory_space<vmem>> -> memref<1x128xi32, #tpu.memory_space<vmem>>
    %dma_start3A_81 = tpu.memref_squeeze %dma_start3A_80 : memref<1x128xi32, #tpu.memory_space<vmem>> -> memref<128xi32, #tpu.memory_space<vmem>>
    %dma_start3A_82 = arith.constant 0 : i32
    %dma_start3A_83 = arith.constant 0 : i32
    %dma_start3A_84 = tpu.memref_slice %arg5[%dma_start3A_82, %dma_start3A_83] : memref<100000x128xf32, #tpu.memory_space<hbm>> -> memref<100000x128xf32, #tpu.memory_space<hbm>>
    %dma_start3A_85 = tpu.memref_slice %arg16[%dma_start3A_74] : memref<6x!tpu.dma_semaphore, #tpu.memory_space<semaphore_mem>> -> memref<1x!tpu.dma_semaphore, #tpu.memory_space<semaphore_mem>>
    %dma_start3A_86 = tpu.memref_squeeze %dma_start3A_85 : memref<1x!tpu.dma_semaphore, #tpu.memory_space<semaphore_mem>> -> memref<!tpu.dma_semaphore, #tpu.memory_space<semaphore_mem>>
    tpu.enqueue_indirect_dma source(%dma_start3A_84 : memref<100000x128xf32, #tpu.memory_space<hbm>>) target(%dma_start3A_78 : memref<128x128xf32, #tpu.memory_space<vmem>>) offsets(%dma_start3A_81 : memref<128xi32, #tpu.memory_space<vmem>>) semaphore(%dma_start3A_86 : memref<!tpu.dma_semaphore, #tpu.memory_space<semaphore_mem>>)
    %eq3A = arith.constant 0 : i32
    %eq3A_87 = arith.cmpi eq, %arg1, %eq3A : i32
    %convert_element_type3A = arith.extui %eq3A_87 : i1 to i32
    %cond3A = arith.constant 0 : i32
    %cond3A_88 = arith.cmpi ne, %convert_element_type3A, %cond3A : i32
    scf.if %cond3A_88 {
      "tpu.region"() ({
        %run_scoped3A = tpu.sem_alloc : memref<!tpu.dma_semaphore, #tpu.memory_space<semaphore_mem>>
        tpu.enqueue_dma source(%arg6 : memref<1000x128xf32, #tpu.memory_space<hbm>>) target(%arg14 : memref<1000x128xf32, #tpu.memory_space<vmem_shared>>) target_semaphore(%run_scoped3A : memref<!tpu.dma_semaphore, #tpu.memory_space<semaphore_mem>>)
        tpu.wait_dma2 semaphore(%run_scoped3A : memref<!tpu.dma_semaphore, #tpu.memory_space<semaphore_mem>>) src(%arg6 : memref<1000x128xf32, #tpu.memory_space<hbm>>) dst(%arg14 : memref<1000x128xf32, #tpu.memory_space<vmem_shared>>)
        tpu.yield
      }) : () -> ()
      "tpu.region"() ({
        %run_scoped3A = tpu.sem_alloc : memref<!tpu.dma_semaphore, #tpu.memory_space<semaphore_mem>>
        tpu.enqueue_dma source(%arg7 : memref<1000x128xf32, #tpu.memory_space<hbm>>) target(%arg15 : memref<1000x128xf32, #tpu.memory_space<vmem_shared>>) target_semaphore(%run_scoped3A : memref<!tpu.dma_semaphore, #tpu.memory_space<semaphore_mem>>)
        tpu.wait_dma2 semaphore(%run_scoped3A : memref<!tpu.dma_semaphore, #tpu.memory_space<semaphore_mem>>) src(%arg7 : memref<1000x128xf32, #tpu.memory_space<hbm>>) dst(%arg15 : memref<1000x128xf32, #tpu.memory_space<vmem_shared>>)
        tpu.yield
      }) : () -> ()
    } else {
    }
    %dma_wait3A_89 = arith.constant 0 : i32
    %dma_wait3A_90 = arith.constant 0 : i32
    %dma_wait3A_91 = arith.constant 0 : i32
    %dma_wait3A_92 = arith.constant 0 : i32
    %dma_wait3A_93 = arith.constant 0 : i32
    %dma_wait3A_94 = tpu.memref_slice %arg13[%dma_wait3A_90, %dma_wait3A_92, %dma_wait3A_93] : memref<6x128x128xf32, #tpu.memory_space<vmem>> -> memref<1x128x128xf32, #tpu.memory_space<vmem>>
    %dma_wait3A_95 = tpu.memref_squeeze %dma_wait3A_94 : memref<1x128x128xf32, #tpu.memory_space<vmem>> -> memref<128x128xf32, #tpu.memory_space<vmem>>
    %dma_wait3A_96 = arith.constant 0 : i32
    %dma_wait3A_97 = tpu.memref_slice %arg10[%dma_wait3A_89, %dma_wait3A_96] : memref<4x128xi32, #tpu.memory_space<vmem>> -> memref<1x128xi32, #tpu.memory_space<vmem>>
    %dma_wait3A_98 = tpu.memref_squeeze %dma_wait3A_97 : memref<1x128xi32, #tpu.memory_space<vmem>> -> memref<128xi32, #tpu.memory_space<vmem>>
    %dma_wait3A_99 = arith.constant 0 : i32
    %dma_wait3A_100 = arith.constant 0 : i32
    %dma_wait3A_101 = tpu.memref_slice %arg5[%dma_wait3A_99, %dma_wait3A_100] : memref<100000x128xf32, #tpu.memory_space<hbm>> -> memref<100000x128xf32, #tpu.memory_space<hbm>>
    %dma_wait3A_102 = tpu.memref_slice %arg16[%dma_wait3A_91] : memref<6x!tpu.dma_semaphore, #tpu.memory_space<semaphore_mem>> -> memref<1x!tpu.dma_semaphore, #tpu.memory_space<semaphore_mem>>
    %dma_wait3A_103 = tpu.memref_squeeze %dma_wait3A_102 : memref<1x!tpu.dma_semaphore, #tpu.memory_space<semaphore_mem>> -> memref<!tpu.dma_semaphore, #tpu.memory_space<semaphore_mem>>
    tpu.wait_indirect_dma semaphore(%dma_wait3A_103 : memref<!tpu.dma_semaphore, #tpu.memory_space<semaphore_mem>>) src(%dma_wait3A_101 : memref<100000x128xf32, #tpu.memory_space<hbm>>) dst(%dma_wait3A_95 : memref<128x128xf32, #tpu.memory_space<vmem>>)
    %add3A_104 = arith.constant 0 : i32
    %add3A_105 = arith.addi %mul3A_2, %add3A_104 : i32
    %dma_start3A_106 = arith.constant 0 : i32
    %dma_start3A_107 = arith.constant 0 : i32
    %dma_start3A_108 = arith.constant 0 : i32
    %dma_start3A_109 = arith.constant 0 : i32
    %dma_start3A_110 = tpu.memref_slice %arg13[%dma_start3A_106, %dma_start3A_108, %dma_start3A_109] : memref<6x128x128xf32, #tpu.memory_space<vmem>> -> memref<1x128x128xf32, #tpu.memory_space<vmem>>
    %dma_start3A_111 = tpu.memref_squeeze %dma_start3A_110 : memref<1x128x128xf32, #tpu.memory_space<vmem>> -> memref<128x128xf32, #tpu.memory_space<vmem>>
    %dma_start3A_112 = arith.constant 0 : i32
    %dma_start3A_113 = tpu.memref_slice %arg8[%add3A_105, %dma_start3A_112] : memref<16384x128xf32, #tpu.memory_space<hbm>> -> memref<128x128xf32, #tpu.memory_space<hbm>>
    %dma_start3A_114 = tpu.memref_slice %arg17[%dma_start3A_107] : memref<6x!tpu.dma_semaphore, #tpu.memory_space<semaphore_mem>> -> memref<1x!tpu.dma_semaphore, #tpu.memory_space<semaphore_mem>>
    %dma_start3A_115 = tpu.memref_squeeze %dma_start3A_114 : memref<1x!tpu.dma_semaphore, #tpu.memory_space<semaphore_mem>> -> memref<!tpu.dma_semaphore, #tpu.memory_space<semaphore_mem>>
    %dma_start3A_116 = arith.constant 0 : i32
    %dma_start3A_117 = tpu.memref_slice %arg8[%add3A_105, %dma_start3A_116] : memref<16384x128xf32, #tpu.memory_space<hbm>> -> memref<128x128xf32, #tpu.memory_space<hbm>>
    %dma_start3A_118 = arith.constant 0 : i32
    %dma_start3A_119 = arith.constant 0 : i32
    %dma_start3A_120 = tpu.memref_slice %arg13[%dma_start3A_106, %dma_start3A_118, %dma_start3A_119] : memref<6x128x128xf32, #tpu.memory_space<vmem>> -> memref<1x128x128xf32, #tpu.memory_space<vmem>>
    %dma_start3A_121 = tpu.memref_squeeze %dma_start3A_120 : memref<1x128x128xf32, #tpu.memory_space<vmem>> -> memref<128x128xf32, #tpu.memory_space<vmem>>
    tpu.enqueue_dma source(%dma_start3A_121 : memref<128x128xf32, #tpu.memory_space<vmem>>) target(%dma_start3A_117 : memref<128x128xf32, #tpu.memory_space<hbm>>) target_semaphore(%dma_start3A_115 : memref<!tpu.dma_semaphore, #tpu.memory_space<semaphore_mem>>)
    %dma_wait3A_122 = arith.constant 1 : i32
    %dma_wait3A_123 = arith.constant 1 : i32
    %dma_wait3A_124 = arith.constant 1 : i32
    %dma_wait3A_125 = arith.constant 0 : i32
    %dma_wait3A_126 = arith.constant 0 : i32
    %dma_wait3A_127 = tpu.memref_slice %arg13[%dma_wait3A_123, %dma_wait3A_125, %dma_wait3A_126] : memref<6x128x128xf32, #tpu.memory_space<vmem>> -> memref<1x128x128xf32, #tpu.memory_space<vmem>>
    %dma_wait3A_128 = tpu.memref_squeeze %dma_wait3A_127 : memref<1x128x128xf32, #tpu.memory_space<vmem>> -> memref<128x128xf32, #tpu.memory_space<vmem>>
    %dma_wait3A_129 = arith.constant 0 : i32
    %dma_wait3A_130 = tpu.memref_slice %arg10[%dma_wait3A_122, %dma_wait3A_129] : memref<4x128xi32, #tpu.memory_space<vmem>> -> memref<1x128xi32, #tpu.memory_space<vmem>>
    %dma_wait3A_131 = tpu.memref_squeeze %dma_wait3A_130 : memref<1x128xi32, #tpu.memory_space<vmem>> -> memref<128xi32, #tpu.memory_space<vmem>>
    %dma_wait3A_132 = arith.constant 0 : i32
    %dma_wait3A_133 = arith.constant 0 : i32
    %dma_wait3A_134 = tpu.memref_slice %arg5[%dma_wait3A_132, %dma_wait3A_133] : memref<100000x128xf32, #tpu.memory_space<hbm>> -> memref<100000x128xf32, #tpu.memory_space<hbm>>
    %dma_wait3A_135 = tpu.memref_slice %arg16[%dma_wait3A_124] : memref<6x!tpu.dma_semaphore, #tpu.memory_space<semaphore_mem>> -> memref<1x!tpu.dma_semaphore, #tpu.memory_space<semaphore_mem>>
    %dma_wait3A_136 = tpu.memref_squeeze %dma_wait3A_135 : memref<1x!tpu.dma_semaphore, #tpu.memory_space<semaphore_mem>> -> memref<!tpu.dma_semaphore, #tpu.memory_space<semaphore_mem>>
    tpu.wait_indirect_dma semaphore(%dma_wait3A_136 : memref<!tpu.dma_semaphore, #tpu.memory_space<semaphore_mem>>) src(%dma_wait3A_134 : memref<100000x128xf32, #tpu.memory_space<hbm>>) dst(%dma_wait3A_128 : memref<128x128xf32, #tpu.memory_space<vmem>>)
    %add3A_137 = arith.constant 128 : i32
    %add3A_138 = arith.addi %mul3A_2, %add3A_137 : i32
    %dma_start3A_139 = arith.constant 1 : i32
    %dma_start3A_140 = arith.constant 1 : i32
    %dma_start3A_141 = arith.constant 0 : i32
    %dma_start3A_142 = arith.constant 0 : i32
    %dma_start3A_143 = tpu.memref_slice %arg13[%dma_start3A_139, %dma_start3A_141, %dma_start3A_142] : memref<6x128x128xf32, #tpu.memory_space<vmem>> -> memref<1x128x128xf32, #tpu.memory_space<vmem>>
    %dma_start3A_144 = tpu.memref_squeeze %dma_start3A_143 : memref<1x128x128xf32, #tpu.memory_space<vmem>> -> memref<128x128xf32, #tpu.memory_space<vmem>>
    %dma_start3A_145 = arith.constant 0 : i32
    %dma_start3A_146 = tpu.memref_slice %arg8[%add3A_138, %dma_start3A_145] : memref<16384x128xf32, #tpu.memory_space<hbm>> -> memref<128x128xf32, #tpu.memory_space<hbm>>
    %dma_start3A_147 = tpu.memref_slice %arg17[%dma_start3A_140] : memref<6x!tpu.dma_semaphore, #tpu.memory_space<semaphore_mem>> -> memref<1x!tpu.dma_semaphore, #tpu.memory_space<semaphore_mem>>
    %dma_start3A_148 = tpu.memref_squeeze %dma_start3A_147 : memref<1x!tpu.dma_semaphore, #tpu.memory_space<semaphore_mem>> -> memref<!tpu.dma_semaphore, #tpu.memory_space<semaphore_mem>>
    %dma_start3A_149 = arith.constant 0 : i32
    %dma_start3A_150 = tpu.memref_slice %arg8[%add3A_138, %dma_start3A_149] : memref<16384x128xf32, #tpu.memory_space<hbm>> -> memref<128x128xf32, #tpu.memory_space<hbm>>
    %dma_start3A_151 = arith.constant 0 : i32
    %dma_start3A_152 = arith.constant 0 : i32
    %dma_start3A_153 = tpu.memref_slice %arg13[%dma_start3A_139, %dma_start3A_151, %dma_start3A_152] : memref<6x128x128xf32, #tpu.memory_space<vmem>> -> memref<1x128x128xf32, #tpu.memory_space<vmem>>
    %dma_start3A_154 = tpu.memref_squeeze %dma_start3A_153 : memref<1x128x128xf32, #tpu.memory_space<vmem>> -> memref<128x128xf32, #tpu.memory_space<vmem>>
    tpu.enqueue_dma source(%dma_start3A_154 : memref<128x128xf32, #tpu.memory_space<vmem>>) target(%dma_start3A_150 : memref<128x128xf32, #tpu.memory_space<hbm>>) target_semaphore(%dma_start3A_148 : memref<!tpu.dma_semaphore, #tpu.memory_space<semaphore_mem>>)
    %dma_wait3A_155 = arith.constant 2 : i32
    %dma_wait3A_156 = arith.constant 2 : i32
    %dma_wait3A_157 = arith.constant 2 : i32
    %dma_wait3A_158 = arith.constant 0 : i32
    %dma_wait3A_159 = arith.constant 0 : i32
    %dma_wait3A_160 = tpu.memref_slice %arg13[%dma_wait3A_156, %dma_wait3A_158, %dma_wait3A_159] : memref<6x128x128xf32, #tpu.memory_space<vmem>> -> memref<1x128x128xf32, #tpu.memory_space<vmem>>
    %dma_wait3A_161 = tpu.memref_squeeze %dma_wait3A_160 : memref<1x128x128xf32, #tpu.memory_space<vmem>> -> memref<128x128xf32, #tpu.memory_space<vmem>>
    %dma_wait3A_162 = arith.constant 0 : i32
    %dma_wait3A_163 = tpu.memref_slice %arg10[%dma_wait3A_155, %dma_wait3A_162] : memref<4x128xi32, #tpu.memory_space<vmem>> -> memref<1x128xi32, #tpu.memory_space<vmem>>
    %dma_wait3A_164 = tpu.memref_squeeze %dma_wait3A_163 : memref<1x128xi32, #tpu.memory_space<vmem>> -> memref<128xi32, #tpu.memory_space<vmem>>
    %dma_wait3A_165 = arith.constant 0 : i32
    %dma_wait3A_166 = arith.constant 0 : i32
    %dma_wait3A_167 = tpu.memref_slice %arg5[%dma_wait3A_165, %dma_wait3A_166] : memref<100000x128xf32, #tpu.memory_space<hbm>> -> memref<100000x128xf32, #tpu.memory_space<hbm>>
    %dma_wait3A_168 = tpu.memref_slice %arg16[%dma_wait3A_157] : memref<6x!tpu.dma_semaphore, #tpu.memory_space<semaphore_mem>> -> memref<1x!tpu.dma_semaphore, #tpu.memory_space<semaphore_mem>>
    %dma_wait3A_169 = tpu.memref_squeeze %dma_wait3A_168 : memref<1x!tpu.dma_semaphore, #tpu.memory_space<semaphore_mem>> -> memref<!tpu.dma_semaphore, #tpu.memory_space<semaphore_mem>>
    tpu.wait_indirect_dma semaphore(%dma_wait3A_169 : memref<!tpu.dma_semaphore, #tpu.memory_space<semaphore_mem>>) src(%dma_wait3A_167 : memref<100000x128xf32, #tpu.memory_space<hbm>>) dst(%dma_wait3A_161 : memref<128x128xf32, #tpu.memory_space<vmem>>)
    %add3A_170 = arith.constant 256 : i32
    %add3A_171 = arith.addi %mul3A_2, %add3A_170 : i32
    %dma_start3A_172 = arith.constant 2 : i32
    %dma_start3A_173 = arith.constant 2 : i32
    %dma_start3A_174 = arith.constant 0 : i32
    %dma_start3A_175 = arith.constant 0 : i32
    %dma_start3A_176 = tpu.memref_slice %arg13[%dma_start3A_172, %dma_start3A_174, %dma_start3A_175] : memref<6x128x128xf32, #tpu.memory_space<vmem>> -> memref<1x128x128xf32, #tpu.memory_space<vmem>>
    %dma_start3A_177 = tpu.memref_squeeze %dma_start3A_176 : memref<1x128x128xf32, #tpu.memory_space<vmem>> -> memref<128x128xf32, #tpu.memory_space<vmem>>
    %dma_start3A_178 = arith.constant 0 : i32
    %dma_start3A_179 = tpu.memref_slice %arg8[%add3A_171, %dma_start3A_178] : memref<16384x128xf32, #tpu.memory_space<hbm>> -> memref<128x128xf32, #tpu.memory_space<hbm>>
    %dma_start3A_180 = tpu.memref_slice %arg17[%dma_start3A_173] : memref<6x!tpu.dma_semaphore, #tpu.memory_space<semaphore_mem>> -> memref<1x!tpu.dma_semaphore, #tpu.memory_space<semaphore_mem>>
    %dma_start3A_181 = tpu.memref_squeeze %dma_start3A_180 : memref<1x!tpu.dma_semaphore, #tpu.memory_space<semaphore_mem>> -> memref<!tpu.dma_semaphore, #tpu.memory_space<semaphore_mem>>
    %dma_start3A_182 = arith.constant 0 : i32
    %dma_start3A_183 = tpu.memref_slice %arg8[%add3A_171, %dma_start3A_182] : memref<16384x128xf32, #tpu.memory_space<hbm>> -> memref<128x128xf32, #tpu.memory_space<hbm>>
    %dma_start3A_184 = arith.constant 0 : i32
    %dma_start3A_185 = arith.constant 0 : i32
    %dma_start3A_186 = tpu.memref_slice %arg13[%dma_start3A_172, %dma_start3A_184, %dma_start3A_185] : memref<6x128x128xf32, #tpu.memory_space<vmem>> -> memref<1x128x128xf32, #tpu.memory_space<vmem>>
    %dma_start3A_187 = tpu.memref_squeeze %dma_start3A_186 : memref<1x128x128xf32, #tpu.memory_space<vmem>> -> memref<128x128xf32, #tpu.memory_space<vmem>>
    tpu.enqueue_dma source(%dma_start3A_187 : memref<128x128xf32, #tpu.memory_space<vmem>>) target(%dma_start3A_183 : memref<128x128xf32, #tpu.memory_space<hbm>>) target_semaphore(%dma_start3A_181 : memref<!tpu.dma_semaphore, #tpu.memory_space<semaphore_mem>>)
    %dma_wait3A_188 = arith.constant 3 : i32
    %dma_wait3A_189 = arith.constant 3 : i32
    %dma_wait3A_190 = arith.constant 3 : i32
    %dma_wait3A_191 = arith.constant 0 : i32
    %dma_wait3A_192 = arith.constant 0 : i32
    %dma_wait3A_193 = tpu.memref_slice %arg13[%dma_wait3A_189, %dma_wait3A_191, %dma_wait3A_192] : memref<6x128x128xf32, #tpu.memory_space<vmem>> -> memref<1x128x128xf32, #tpu.memory_space<vmem>>
    %dma_wait3A_194 = tpu.memref_squeeze %dma_wait3A_193 : memref<1x128x128xf32, #tpu.memory_space<vmem>> -> memref<128x128xf32, #tpu.memory_space<vmem>>
    %dma_wait3A_195 = arith.constant 0 : i32
    %dma_wait3A_196 = tpu.memref_slice %arg10[%dma_wait3A_188, %dma_wait3A_195] : memref<4x128xi32, #tpu.memory_space<vmem>> -> memref<1x128xi32, #tpu.memory_space<vmem>>
    %dma_wait3A_197 = tpu.memref_squeeze %dma_wait3A_196 : memref<1x128xi32, #tpu.memory_space<vmem>> -> memref<128xi32, #tpu.memory_space<vmem>>
    %dma_wait3A_198 = arith.constant 0 : i32
    %dma_wait3A_199 = arith.constant 0 : i32
    %dma_wait3A_200 = tpu.memref_slice %arg5[%dma_wait3A_198, %dma_wait3A_199] : memref<100000x128xf32, #tpu.memory_space<hbm>> -> memref<100000x128xf32, #tpu.memory_space<hbm>>
    %dma_wait3A_201 = tpu.memref_slice %arg16[%dma_wait3A_190] : memref<6x!tpu.dma_semaphore, #tpu.memory_space<semaphore_mem>> -> memref<1x!tpu.dma_semaphore, #tpu.memory_space<semaphore_mem>>
    %dma_wait3A_202 = tpu.memref_squeeze %dma_wait3A_201 : memref<1x!tpu.dma_semaphore, #tpu.memory_space<semaphore_mem>> -> memref<!tpu.dma_semaphore, #tpu.memory_space<semaphore_mem>>
    tpu.wait_indirect_dma semaphore(%dma_wait3A_202 : memref<!tpu.dma_semaphore, #tpu.memory_space<semaphore_mem>>) src(%dma_wait3A_200 : memref<100000x128xf32, #tpu.memory_space<hbm>>) dst(%dma_wait3A_194 : memref<128x128xf32, #tpu.memory_space<vmem>>)
    %add3A_203 = arith.constant 384 : i32
    %add3A_204 = arith.addi %mul3A_2, %add3A_203 : i32
    %dma_start3A_205 = arith.constant 3 : i32
    %dma_start3A_206 = arith.constant 3 : i32
    %dma_start3A_207 = arith.constant 0 : i32
    %dma_start3A_208 = arith.constant 0 : i32
    %dma_start3A_209 = tpu.memref_slice %arg13[%dma_start3A_205, %dma_start3A_207, %dma_start3A_208] : memref<6x128x128xf32, #tpu.memory_space<vmem>> -> memref<1x128x128xf32, #tpu.memory_space<vmem>>
    %dma_start3A_210 = tpu.memref_squeeze %dma_start3A_209 : memref<1x128x128xf32, #tpu.memory_space<vmem>> -> memref<128x128xf32, #tpu.memory_space<vmem>>
    %dma_start3A_211 = arith.constant 0 : i32
    %dma_start3A_212 = tpu.memref_slice %arg8[%add3A_204, %dma_start3A_211] : memref<16384x128xf32, #tpu.memory_space<hbm>> -> memref<128x128xf32, #tpu.memory_space<hbm>>
    %dma_start3A_213 = tpu.memref_slice %arg17[%dma_start3A_206] : memref<6x!tpu.dma_semaphore, #tpu.memory_space<semaphore_mem>> -> memref<1x!tpu.dma_semaphore, #tpu.memory_space<semaphore_mem>>
    %dma_start3A_214 = tpu.memref_squeeze %dma_start3A_213 : memref<1x!tpu.dma_semaphore, #tpu.memory_space<semaphore_mem>> -> memref<!tpu.dma_semaphore, #tpu.memory_space<semaphore_mem>>
    %dma_start3A_215 = arith.constant 0 : i32
    %dma_start3A_216 = tpu.memref_slice %arg8[%add3A_204, %dma_start3A_215] : memref<16384x128xf32, #tpu.memory_space<hbm>> -> memref<128x128xf32, #tpu.memory_space<hbm>>
    %dma_start3A_217 = arith.constant 0 : i32
    %dma_start3A_218 = arith.constant 0 : i32
    %dma_start3A_219 = tpu.memref_slice %arg13[%dma_start3A_205, %dma_start3A_217, %dma_start3A_218] : memref<6x128x128xf32, #tpu.memory_space<vmem>> -> memref<1x128x128xf32, #tpu.memory_space<vmem>>
    %dma_start3A_220 = tpu.memref_squeeze %dma_start3A_219 : memref<1x128x128xf32, #tpu.memory_space<vmem>> -> memref<128x128xf32, #tpu.memory_space<vmem>>
    tpu.enqueue_dma source(%dma_start3A_220 : memref<128x128xf32, #tpu.memory_space<vmem>>) target(%dma_start3A_216 : memref<128x128xf32, #tpu.memory_space<hbm>>) target_semaphore(%dma_start3A_214 : memref<!tpu.dma_semaphore, #tpu.memory_space<semaphore_mem>>)
    %barrier3A = arith.constant 0 : index
    tpu.barrier barrier_id(%barrier3A)
    %dma_wait3A_221 = arith.constant 0 : i32
    %dma_wait3A_222 = arith.constant 0 : i32
    %dma_wait3A_223 = arith.constant 0 : i32
    %dma_wait3A_224 = arith.constant 0 : i32
    %dma_wait3A_225 = tpu.memref_slice %arg13[%dma_wait3A_221, %dma_wait3A_223, %dma_wait3A_224] : memref<6x128x128xf32, #tpu.memory_space<vmem>> -> memref<1x128x128xf32, #tpu.memory_space<vmem>>
    %dma_wait3A_226 = tpu.memref_squeeze %dma_wait3A_225 : memref<1x128x128xf32, #tpu.memory_space<vmem>> -> memref<128x128xf32, #tpu.memory_space<vmem>>
    %dma_wait3A_227 = arith.constant 0 : i32
    %dma_wait3A_228 = tpu.memref_slice %arg8[%add3A_105, %dma_wait3A_227] : memref<16384x128xf32, #tpu.memory_space<hbm>> -> memref<128x128xf32, #tpu.memory_space<hbm>>
    %dma_wait3A_229 = tpu.memref_slice %arg17[%dma_wait3A_222] : memref<6x!tpu.dma_semaphore, #tpu.memory_space<semaphore_mem>> -> memref<1x!tpu.dma_semaphore, #tpu.memory_space<semaphore_mem>>
    %dma_wait3A_230 = tpu.memref_squeeze %dma_wait3A_229 : memref<1x!tpu.dma_semaphore, #tpu.memory_space<semaphore_mem>> -> memref<!tpu.dma_semaphore, #tpu.memory_space<semaphore_mem>>
    %dma_wait3A_231 = arith.constant 0 : i32
    %dma_wait3A_232 = tpu.memref_slice %arg8[%add3A_105, %dma_wait3A_231] : memref<16384x128xf32, #tpu.memory_space<hbm>> -> memref<128x128xf32, #tpu.memory_space<hbm>>
    %dma_wait3A_233 = arith.constant 0 : i32
    %dma_wait3A_234 = arith.constant 0 : i32
    %dma_wait3A_235 = tpu.memref_slice %arg13[%dma_wait3A_221, %dma_wait3A_233, %dma_wait3A_234] : memref<6x128x128xf32, #tpu.memory_space<vmem>> -> memref<1x128x128xf32, #tpu.memory_space<vmem>>
    %dma_wait3A_236 = tpu.memref_squeeze %dma_wait3A_235 : memref<1x128x128xf32, #tpu.memory_space<vmem>> -> memref<128x128xf32, #tpu.memory_space<vmem>>
    tpu.wait_dma2 semaphore(%dma_wait3A_230 : memref<!tpu.dma_semaphore, #tpu.memory_space<semaphore_mem>>) src(%dma_wait3A_236 : memref<128x128xf32, #tpu.memory_space<vmem>>) dst(%dma_wait3A_232 : memref<128x128xf32, #tpu.memory_space<hbm>>)
    %dma_wait3A_237 = arith.constant 1 : i32
    %dma_wait3A_238 = arith.constant 1 : i32
    %dma_wait3A_239 = arith.constant 0 : i32
    %dma_wait3A_240 = arith.constant 0 : i32
    %dma_wait3A_241 = tpu.memref_slice %arg13[%dma_wait3A_237, %dma_wait3A_239, %dma_wait3A_240] : memref<6x128x128xf32, #tpu.memory_space<vmem>> -> memref<1x128x128xf32, #tpu.memory_space<vmem>>
    %dma_wait3A_242 = tpu.memref_squeeze %dma_wait3A_241 : memref<1x128x128xf32, #tpu.memory_space<vmem>> -> memref<128x128xf32, #tpu.memory_space<vmem>>
    %dma_wait3A_243 = arith.constant 0 : i32
    %dma_wait3A_244 = tpu.memref_slice %arg8[%add3A_138, %dma_wait3A_243] : memref<16384x128xf32, #tpu.memory_space<hbm>> -> memref<128x128xf32, #tpu.memory_space<hbm>>
    %dma_wait3A_245 = tpu.memref_slice %arg17[%dma_wait3A_238] : memref<6x!tpu.dma_semaphore, #tpu.memory_space<semaphore_mem>> -> memref<1x!tpu.dma_semaphore, #tpu.memory_space<semaphore_mem>>
    %dma_wait3A_246 = tpu.memref_squeeze %dma_wait3A_245 : memref<1x!tpu.dma_semaphore, #tpu.memory_space<semaphore_mem>> -> memref<!tpu.dma_semaphore, #tpu.memory_space<semaphore_mem>>
    %dma_wait3A_247 = arith.constant 0 : i32
    %dma_wait3A_248 = tpu.memref_slice %arg8[%add3A_138, %dma_wait3A_247] : memref<16384x128xf32, #tpu.memory_space<hbm>> -> memref<128x128xf32, #tpu.memory_space<hbm>>
    %dma_wait3A_249 = arith.constant 0 : i32
    %dma_wait3A_250 = arith.constant 0 : i32
    %dma_wait3A_251 = tpu.memref_slice %arg13[%dma_wait3A_237, %dma_wait3A_249, %dma_wait3A_250] : memref<6x128x128xf32, #tpu.memory_space<vmem>> -> memref<1x128x128xf32, #tpu.memory_space<vmem>>
    %dma_wait3A_252 = tpu.memref_squeeze %dma_wait3A_251 : memref<1x128x128xf32, #tpu.memory_space<vmem>> -> memref<128x128xf32, #tpu.memory_space<vmem>>
    tpu.wait_dma2 semaphore(%dma_wait3A_246 : memref<!tpu.dma_semaphore, #tpu.memory_space<semaphore_mem>>) src(%dma_wait3A_252 : memref<128x128xf32, #tpu.memory_space<vmem>>) dst(%dma_wait3A_248 : memref<128x128xf32, #tpu.memory_space<hbm>>)
    %dma_start3A_253 = arith.constant 0 : i32
    %dma_start3A_254 = arith.constant 0 : i32
    %dma_start3A_255 = arith.constant 0 : i32
    %dma_start3A_256 = arith.constant 0 : i32
    %dma_start3A_257 = arith.constant 0 : i32
    %dma_start3A_258 = tpu.memref_slice %arg13[%dma_start3A_254, %dma_start3A_256, %dma_start3A_257] : memref<6x128x128xf32, #tpu.memory_space<vmem>> -> memref<1x128x128xf32, #tpu.memory_space<vmem>>
    %dma_start3A_259 = tpu.memref_squeeze %dma_start3A_258 : memref<1x128x128xf32, #tpu.memory_space<vmem>> -> memref<128x128xf32, #tpu.memory_space<vmem>>
    %dma_start3A_260 = arith.constant 0 : i32
    %dma_start3A_261 = tpu.memref_slice %arg11[%dma_start3A_253, %dma_start3A_260] : memref<4x128xi32, #tpu.memory_space<vmem>> -> memref<1x128xi32, #tpu.memory_space<vmem>>
    %dma_start3A_262 = tpu.memref_squeeze %dma_start3A_261 : memref<1x128xi32, #tpu.memory_space<vmem>> -> memref<128xi32, #tpu.memory_space<vmem>>
    %dma_start3A_263 = arith.constant 0 : i32
    %dma_start3A_264 = arith.constant 0 : i32
    %dma_start3A_265 = tpu.memref_slice %arg14[%dma_start3A_263, %dma_start3A_264] : memref<1000x128xf32, #tpu.memory_space<vmem_shared>> -> memref<1000x128xf32, #tpu.memory_space<vmem_shared>>
    %dma_start3A_266 = tpu.memref_slice %arg16[%dma_start3A_255] : memref<6x!tpu.dma_semaphore, #tpu.memory_space<semaphore_mem>> -> memref<1x!tpu.dma_semaphore, #tpu.memory_space<semaphore_mem>>
    %dma_start3A_267 = tpu.memref_squeeze %dma_start3A_266 : memref<1x!tpu.dma_semaphore, #tpu.memory_space<semaphore_mem>> -> memref<!tpu.dma_semaphore, #tpu.memory_space<semaphore_mem>>
    tpu.enqueue_indirect_dma source(%dma_start3A_265 : memref<1000x128xf32, #tpu.memory_space<vmem_shared>>) target(%dma_start3A_259 : memref<128x128xf32, #tpu.memory_space<vmem>>) offsets(%dma_start3A_262 : memref<128xi32, #tpu.memory_space<vmem>>) semaphore(%dma_start3A_267 : memref<!tpu.dma_semaphore, #tpu.memory_space<semaphore_mem>>)
    %dma_start3A_268 = arith.constant 0 : i32
    %dma_start3A_269 = arith.constant 1 : i32
    %dma_start3A_270 = arith.constant 1 : i32
    %dma_start3A_271 = arith.constant 0 : i32
    %dma_start3A_272 = arith.constant 0 : i32
    %dma_start3A_273 = tpu.memref_slice %arg13[%dma_start3A_269, %dma_start3A_271, %dma_start3A_272] : memref<6x128x128xf32, #tpu.memory_space<vmem>> -> memref<1x128x128xf32, #tpu.memory_space<vmem>>
    %dma_start3A_274 = tpu.memref_squeeze %dma_start3A_273 : memref<1x128x128xf32, #tpu.memory_space<vmem>> -> memref<128x128xf32, #tpu.memory_space<vmem>>
    %dma_start3A_275 = arith.constant 0 : i32
    %dma_start3A_276 = tpu.memref_slice %arg12[%dma_start3A_268, %dma_start3A_275] : memref<4x128xi32, #tpu.memory_space<vmem>> -> memref<1x128xi32, #tpu.memory_space<vmem>>
    %dma_start3A_277 = tpu.memref_squeeze %dma_start3A_276 : memref<1x128xi32, #tpu.memory_space<vmem>> -> memref<128xi32, #tpu.memory_space<vmem>>
    %dma_start3A_278 = arith.constant 0 : i32
    %dma_start3A_279 = arith.constant 0 : i32
    %dma_start3A_280 = tpu.memref_slice %arg15[%dma_start3A_278, %dma_start3A_279] : memref<1000x128xf32, #tpu.memory_space<vmem_shared>> -> memref<1000x128xf32, #tpu.memory_space<vmem_shared>>
    %dma_start3A_281 = tpu.memref_slice %arg16[%dma_start3A_270] : memref<6x!tpu.dma_semaphore, #tpu.memory_space<semaphore_mem>> -> memref<1x!tpu.dma_semaphore, #tpu.memory_space<semaphore_mem>>
    %dma_start3A_282 = tpu.memref_squeeze %dma_start3A_281 : memref<1x!tpu.dma_semaphore, #tpu.memory_space<semaphore_mem>> -> memref<!tpu.dma_semaphore, #tpu.memory_space<semaphore_mem>>
    tpu.enqueue_indirect_dma source(%dma_start3A_280 : memref<1000x128xf32, #tpu.memory_space<vmem_shared>>) target(%dma_start3A_274 : memref<128x128xf32, #tpu.memory_space<vmem>>) offsets(%dma_start3A_277 : memref<128xi32, #tpu.memory_space<vmem>>) semaphore(%dma_start3A_282 : memref<!tpu.dma_semaphore, #tpu.memory_space<semaphore_mem>>)
    %dma_wait3A_283 = arith.constant 2 : i32
    %dma_wait3A_284 = arith.constant 2 : i32
    %dma_wait3A_285 = arith.constant 0 : i32
    %dma_wait3A_286 = arith.constant 0 : i32
    %dma_wait3A_287 = tpu.memref_slice %arg13[%dma_wait3A_283, %dma_wait3A_285, %dma_wait3A_286] : memref<6x128x128xf32, #tpu.memory_space<vmem>> -> memref<1x128x128xf32, #tpu.memory_space<vmem>>
    %dma_wait3A_288 = tpu.memref_squeeze %dma_wait3A_287 : memref<1x128x128xf32, #tpu.memory_space<vmem>> -> memref<128x128xf32, #tpu.memory_space<vmem>>
    %dma_wait3A_289 = arith.constant 0 : i32
    %dma_wait3A_290 = tpu.memref_slice %arg8[%add3A_171, %dma_wait3A_289] : memref<16384x128xf32, #tpu.memory_space<hbm>> -> memref<128x128xf32, #tpu.memory_space<hbm>>
    %dma_wait3A_291 = tpu.memref_slice %arg17[%dma_wait3A_284] : memref<6x!tpu.dma_semaphore, #tpu.memory_space<semaphore_mem>> -> memref<1x!tpu.dma_semaphore, #tpu.memory_space<semaphore_mem>>
    %dma_wait3A_292 = tpu.memref_squeeze %dma_wait3A_291 : memref<1x!tpu.dma_semaphore, #tpu.memory_space<semaphore_mem>> -> memref<!tpu.dma_semaphore, #tpu.memory_space<semaphore_mem>>
    %dma_wait3A_293 = arith.constant 0 : i32
    %dma_wait3A_294 = tpu.memref_slice %arg8[%add3A_171, %dma_wait3A_293] : memref<16384x128xf32, #tpu.memory_space<hbm>> -> memref<128x128xf32, #tpu.memory_space<hbm>>
    %dma_wait3A_295 = arith.constant 0 : i32
    %dma_wait3A_296 = arith.constant 0 : i32
    %dma_wait3A_297 = tpu.memref_slice %arg13[%dma_wait3A_283, %dma_wait3A_295, %dma_wait3A_296] : memref<6x128x128xf32, #tpu.memory_space<vmem>> -> memref<1x128x128xf32, #tpu.memory_space<vmem>>
    %dma_wait3A_298 = tpu.memref_squeeze %dma_wait3A_297 : memref<1x128x128xf32, #tpu.memory_space<vmem>> -> memref<128x128xf32, #tpu.memory_space<vmem>>
    tpu.wait_dma2 semaphore(%dma_wait3A_292 : memref<!tpu.dma_semaphore, #tpu.memory_space<semaphore_mem>>) src(%dma_wait3A_298 : memref<128x128xf32, #tpu.memory_space<vmem>>) dst(%dma_wait3A_294 : memref<128x128xf32, #tpu.memory_space<hbm>>)
    %dma_wait3A_299 = arith.constant 3 : i32
    %dma_wait3A_300 = arith.constant 3 : i32
    %dma_wait3A_301 = arith.constant 0 : i32
    %dma_wait3A_302 = arith.constant 0 : i32
    %dma_wait3A_303 = tpu.memref_slice %arg13[%dma_wait3A_299, %dma_wait3A_301, %dma_wait3A_302] : memref<6x128x128xf32, #tpu.memory_space<vmem>> -> memref<1x128x128xf32, #tpu.memory_space<vmem>>
    %dma_wait3A_304 = tpu.memref_squeeze %dma_wait3A_303 : memref<1x128x128xf32, #tpu.memory_space<vmem>> -> memref<128x128xf32, #tpu.memory_space<vmem>>
    %dma_wait3A_305 = arith.constant 0 : i32
    %dma_wait3A_306 = tpu.memref_slice %arg8[%add3A_204, %dma_wait3A_305] : memref<16384x128xf32, #tpu.memory_space<hbm>> -> memref<128x128xf32, #tpu.memory_space<hbm>>
    %dma_wait3A_307 = tpu.memref_slice %arg17[%dma_wait3A_300] : memref<6x!tpu.dma_semaphore, #tpu.memory_space<semaphore_mem>> -> memref<1x!tpu.dma_semaphore, #tpu.memory_space<semaphore_mem>>
    %dma_wait3A_308 = tpu.memref_squeeze %dma_wait3A_307 : memref<1x!tpu.dma_semaphore, #tpu.memory_space<semaphore_mem>> -> memref<!tpu.dma_semaphore, #tpu.memory_space<semaphore_mem>>
    %dma_wait3A_309 = arith.constant 0 : i32
    %dma_wait3A_310 = tpu.memref_slice %arg8[%add3A_204, %dma_wait3A_309] : memref<16384x128xf32, #tpu.memory_space<hbm>> -> memref<128x128xf32, #tpu.memory_space<hbm>>
    %dma_wait3A_311 = arith.constant 0 : i32
    %dma_wait3A_312 = arith.constant 0 : i32
    %dma_wait3A_313 = tpu.memref_slice %arg13[%dma_wait3A_299, %dma_wait3A_311, %dma_wait3A_312] : memref<6x128x128xf32, #tpu.memory_space<vmem>> -> memref<1x128x128xf32, #tpu.memory_space<vmem>>
    %dma_wait3A_314 = tpu.memref_squeeze %dma_wait3A_313 : memref<1x128x128xf32, #tpu.memory_space<vmem>> -> memref<128x128xf32, #tpu.memory_space<vmem>>
    tpu.wait_dma2 semaphore(%dma_wait3A_308 : memref<!tpu.dma_semaphore, #tpu.memory_space<semaphore_mem>>) src(%dma_wait3A_314 : memref<128x128xf32, #tpu.memory_space<vmem>>) dst(%dma_wait3A_310 : memref<128x128xf32, #tpu.memory_space<hbm>>)
    %dma_start3A_315 = arith.constant 1 : i32
    %dma_start3A_316 = arith.constant 2 : i32
    %dma_start3A_317 = arith.constant 2 : i32
    %dma_start3A_318 = arith.constant 0 : i32
    %dma_start3A_319 = arith.constant 0 : i32
    %dma_start3A_320 = tpu.memref_slice %arg13[%dma_start3A_316, %dma_start3A_318, %dma_start3A_319] : memref<6x128x128xf32, #tpu.memory_space<vmem>> -> memref<1x128x128xf32, #tpu.memory_space<vmem>>
    %dma_start3A_321 = tpu.memref_squeeze %dma_start3A_320 : memref<1x128x128xf32, #tpu.memory_space<vmem>> -> memref<128x128xf32, #tpu.memory_space<vmem>>
    %dma_start3A_322 = arith.constant 0 : i32
    %dma_start3A_323 = tpu.memref_slice %arg11[%dma_start3A_315, %dma_start3A_322] : memref<4x128xi32, #tpu.memory_space<vmem>> -> memref<1x128xi32, #tpu.memory_space<vmem>>
    %dma_start3A_324 = tpu.memref_squeeze %dma_start3A_323 : memref<1x128xi32, #tpu.memory_space<vmem>> -> memref<128xi32, #tpu.memory_space<vmem>>
    %dma_start3A_325 = arith.constant 0 : i32
    %dma_start3A_326 = arith.constant 0 : i32
    %dma_start3A_327 = tpu.memref_slice %arg14[%dma_start3A_325, %dma_start3A_326] : memref<1000x128xf32, #tpu.memory_space<vmem_shared>> -> memref<1000x128xf32, #tpu.memory_space<vmem_shared>>
    %dma_start3A_328 = tpu.memref_slice %arg16[%dma_start3A_317] : memref<6x!tpu.dma_semaphore, #tpu.memory_space<semaphore_mem>> -> memref<1x!tpu.dma_semaphore, #tpu.memory_space<semaphore_mem>>
    %dma_start3A_329 = tpu.memref_squeeze %dma_start3A_328 : memref<1x!tpu.dma_semaphore, #tpu.memory_space<semaphore_mem>> -> memref<!tpu.dma_semaphore, #tpu.memory_space<semaphore_mem>>
    tpu.enqueue_indirect_dma source(%dma_start3A_327 : memref<1000x128xf32, #tpu.memory_space<vmem_shared>>) target(%dma_start3A_321 : memref<128x128xf32, #tpu.memory_space<vmem>>) offsets(%dma_start3A_324 : memref<128xi32, #tpu.memory_space<vmem>>) semaphore(%dma_start3A_329 : memref<!tpu.dma_semaphore, #tpu.memory_space<semaphore_mem>>)
    %dma_start3A_330 = arith.constant 1 : i32
    %dma_start3A_331 = arith.constant 3 : i32
    %dma_start3A_332 = arith.constant 3 : i32
    %dma_start3A_333 = arith.constant 0 : i32
    %dma_start3A_334 = arith.constant 0 : i32
    %dma_start3A_335 = tpu.memref_slice %arg13[%dma_start3A_331, %dma_start3A_333, %dma_start3A_334] : memref<6x128x128xf32, #tpu.memory_space<vmem>> -> memref<1x128x128xf32, #tpu.memory_space<vmem>>
    %dma_start3A_336 = tpu.memref_squeeze %dma_start3A_335 : memref<1x128x128xf32, #tpu.memory_space<vmem>> -> memref<128x128xf32, #tpu.memory_space<vmem>>
    %dma_start3A_337 = arith.constant 0 : i32
    %dma_start3A_338 = tpu.memref_slice %arg12[%dma_start3A_330, %dma_start3A_337] : memref<4x128xi32, #tpu.memory_space<vmem>> -> memref<1x128xi32, #tpu.memory_space<vmem>>
    %dma_start3A_339 = tpu.memref_squeeze %dma_start3A_338 : memref<1x128xi32, #tpu.memory_space<vmem>> -> memref<128xi32, #tpu.memory_space<vmem>>
    %dma_start3A_340 = arith.constant 0 : i32
    %dma_start3A_341 = arith.constant 0 : i32
    %dma_start3A_342 = tpu.memref_slice %arg15[%dma_start3A_340, %dma_start3A_341] : memref<1000x128xf32, #tpu.memory_space<vmem_shared>> -> memref<1000x128xf32, #tpu.memory_space<vmem_shared>>
    %dma_start3A_343 = tpu.memref_slice %arg16[%dma_start3A_332] : memref<6x!tpu.dma_semaphore, #tpu.memory_space<semaphore_mem>> -> memref<1x!tpu.dma_semaphore, #tpu.memory_space<semaphore_mem>>
    %dma_start3A_344 = tpu.memref_squeeze %dma_start3A_343 : memref<1x!tpu.dma_semaphore, #tpu.memory_space<semaphore_mem>> -> memref<!tpu.dma_semaphore, #tpu.memory_space<semaphore_mem>>
    tpu.enqueue_indirect_dma source(%dma_start3A_342 : memref<1000x128xf32, #tpu.memory_space<vmem_shared>>) target(%dma_start3A_336 : memref<128x128xf32, #tpu.memory_space<vmem>>) offsets(%dma_start3A_339 : memref<128xi32, #tpu.memory_space<vmem>>) semaphore(%dma_start3A_344 : memref<!tpu.dma_semaphore, #tpu.memory_space<semaphore_mem>>)
    %dma_start3A_345 = arith.constant 2 : i32
    %dma_start3A_346 = arith.constant 4 : i32
    %dma_start3A_347 = arith.constant 4 : i32
    %dma_start3A_348 = arith.constant 0 : i32
    %dma_start3A_349 = arith.constant 0 : i32
    %dma_start3A_350 = tpu.memref_slice %arg13[%dma_start3A_346, %dma_start3A_348, %dma_start3A_349] : memref<6x128x128xf32, #tpu.memory_space<vmem>> -> memref<1x128x128xf32, #tpu.memory_space<vmem>>
    %dma_start3A_351 = tpu.memref_squeeze %dma_start3A_350 : memref<1x128x128xf32, #tpu.memory_space<vmem>> -> memref<128x128xf32, #tpu.memory_space<vmem>>
    %dma_start3A_352 = arith.constant 0 : i32
    %dma_start3A_353 = tpu.memref_slice %arg11[%dma_start3A_345, %dma_start3A_352] : memref<4x128xi32, #tpu.memory_space<vmem>> -> memref<1x128xi32, #tpu.memory_space<vmem>>
    %dma_start3A_354 = tpu.memref_squeeze %dma_start3A_353 : memref<1x128xi32, #tpu.memory_space<vmem>> -> memref<128xi32, #tpu.memory_space<vmem>>
    %dma_start3A_355 = arith.constant 0 : i32
    %dma_start3A_356 = arith.constant 0 : i32
    %dma_start3A_357 = tpu.memref_slice %arg14[%dma_start3A_355, %dma_start3A_356] : memref<1000x128xf32, #tpu.memory_space<vmem_shared>> -> memref<1000x128xf32, #tpu.memory_space<vmem_shared>>
    %dma_start3A_358 = tpu.memref_slice %arg16[%dma_start3A_347] : memref<6x!tpu.dma_semaphore, #tpu.memory_space<semaphore_mem>> -> memref<1x!tpu.dma_semaphore, #tpu.memory_space<semaphore_mem>>
    %dma_start3A_359 = tpu.memref_squeeze %dma_start3A_358 : memref<1x!tpu.dma_semaphore, #tpu.memory_space<semaphore_mem>> -> memref<!tpu.dma_semaphore, #tpu.memory_space<semaphore_mem>>
    tpu.enqueue_indirect_dma source(%dma_start3A_357 : memref<1000x128xf32, #tpu.memory_space<vmem_shared>>) target(%dma_start3A_351 : memref<128x128xf32, #tpu.memory_space<vmem>>) offsets(%dma_start3A_354 : memref<128xi32, #tpu.memory_space<vmem>>) semaphore(%dma_start3A_359 : memref<!tpu.dma_semaphore, #tpu.memory_space<semaphore_mem>>)
    %dma_start3A_360 = arith.constant 2 : i32
    %dma_start3A_361 = arith.constant 5 : i32
    %dma_start3A_362 = arith.constant 5 : i32
    %dma_start3A_363 = arith.constant 0 : i32
    %dma_start3A_364 = arith.constant 0 : i32
    %dma_start3A_365 = tpu.memref_slice %arg13[%dma_start3A_361, %dma_start3A_363, %dma_start3A_364] : memref<6x128x128xf32, #tpu.memory_space<vmem>> -> memref<1x128x128xf32, #tpu.memory_space<vmem>>
    %dma_start3A_366 = tpu.memref_squeeze %dma_start3A_365 : memref<1x128x128xf32, #tpu.memory_space<vmem>> -> memref<128x128xf32, #tpu.memory_space<vmem>>
    %dma_start3A_367 = arith.constant 0 : i32
    %dma_start3A_368 = tpu.memref_slice %arg12[%dma_start3A_360, %dma_start3A_367] : memref<4x128xi32, #tpu.memory_space<vmem>> -> memref<1x128xi32, #tpu.memory_space<vmem>>
    %dma_start3A_369 = tpu.memref_squeeze %dma_start3A_368 : memref<1x128xi32, #tpu.memory_space<vmem>> -> memref<128xi32, #tpu.memory_space<vmem>>
    %dma_start3A_370 = arith.constant 0 : i32
    %dma_start3A_371 = arith.constant 0 : i32
    %dma_start3A_372 = tpu.memref_slice %arg15[%dma_start3A_370, %dma_start3A_371] : memref<1000x128xf32, #tpu.memory_space<vmem_shared>> -> memref<1000x128xf32, #tpu.memory_space<vmem_shared>>
    %dma_start3A_373 = tpu.memref_slice %arg16[%dma_start3A_362] : memref<6x!tpu.dma_semaphore, #tpu.memory_space<semaphore_mem>> -> memref<1x!tpu.dma_semaphore, #tpu.memory_space<semaphore_mem>>
    %dma_start3A_374 = tpu.memref_squeeze %dma_start3A_373 : memref<1x!tpu.dma_semaphore, #tpu.memory_space<semaphore_mem>> -> memref<!tpu.dma_semaphore, #tpu.memory_space<semaphore_mem>>
    tpu.enqueue_indirect_dma source(%dma_start3A_372 : memref<1000x128xf32, #tpu.memory_space<vmem_shared>>) target(%dma_start3A_366 : memref<128x128xf32, #tpu.memory_space<vmem>>) offsets(%dma_start3A_369 : memref<128xi32, #tpu.memory_space<vmem>>) semaphore(%dma_start3A_374 : memref<!tpu.dma_semaphore, #tpu.memory_space<semaphore_mem>>)
    %dma_wait3A_375 = arith.constant 0 : i32
    %dma_wait3A_376 = arith.constant 0 : i32
    %dma_wait3A_377 = arith.constant 0 : i32
    %dma_wait3A_378 = arith.constant 0 : i32
    %dma_wait3A_379 = arith.constant 0 : i32
    %dma_wait3A_380 = tpu.memref_slice %arg13[%dma_wait3A_376, %dma_wait3A_378, %dma_wait3A_379] : memref<6x128x128xf32, #tpu.memory_space<vmem>> -> memref<1x128x128xf32, #tpu.memory_space<vmem>>
    %dma_wait3A_381 = tpu.memref_squeeze %dma_wait3A_380 : memref<1x128x128xf32, #tpu.memory_space<vmem>> -> memref<128x128xf32, #tpu.memory_space<vmem>>
    %dma_wait3A_382 = arith.constant 0 : i32
    %dma_wait3A_383 = tpu.memref_slice %arg11[%dma_wait3A_375, %dma_wait3A_382] : memref<4x128xi32, #tpu.memory_space<vmem>> -> memref<1x128xi32, #tpu.memory_space<vmem>>
    %dma_wait3A_384 = tpu.memref_squeeze %dma_wait3A_383 : memref<1x128xi32, #tpu.memory_space<vmem>> -> memref<128xi32, #tpu.memory_space<vmem>>
    %dma_wait3A_385 = arith.constant 0 : i32
    %dma_wait3A_386 = arith.constant 0 : i32
    %dma_wait3A_387 = tpu.memref_slice %arg14[%dma_wait3A_385, %dma_wait3A_386] : memref<1000x128xf32, #tpu.memory_space<vmem_shared>> -> memref<1000x128xf32, #tpu.memory_space<vmem_shared>>
    %dma_wait3A_388 = tpu.memref_slice %arg16[%dma_wait3A_377] : memref<6x!tpu.dma_semaphore, #tpu.memory_space<semaphore_mem>> -> memref<1x!tpu.dma_semaphore, #tpu.memory_space<semaphore_mem>>
    %dma_wait3A_389 = tpu.memref_squeeze %dma_wait3A_388 : memref<1x!tpu.dma_semaphore, #tpu.memory_space<semaphore_mem>> -> memref<!tpu.dma_semaphore, #tpu.memory_space<semaphore_mem>>
    tpu.wait_indirect_dma semaphore(%dma_wait3A_389 : memref<!tpu.dma_semaphore, #tpu.memory_space<semaphore_mem>>) src(%dma_wait3A_387 : memref<1000x128xf32, #tpu.memory_space<vmem_shared>>) dst(%dma_wait3A_381 : memref<128x128xf32, #tpu.memory_space<vmem>>)
    %dma_wait3A_390 = arith.constant 0 : i32
    %dma_wait3A_391 = arith.constant 1 : i32
    %dma_wait3A_392 = arith.constant 1 : i32
    %dma_wait3A_393 = arith.constant 0 : i32
    %dma_wait3A_394 = arith.constant 0 : i32
    %dma_wait3A_395 = tpu.memref_slice %arg13[%dma_wait3A_391, %dma_wait3A_393, %dma_wait3A_394] : memref<6x128x128xf32, #tpu.memory_space<vmem>> -> memref<1x128x128xf32, #tpu.memory_space<vmem>>
    %dma_wait3A_396 = tpu.memref_squeeze %dma_wait3A_395 : memref<1x128x128xf32, #tpu.memory_space<vmem>> -> memref<128x128xf32, #tpu.memory_space<vmem>>
    %dma_wait3A_397 = arith.constant 0 : i32
    %dma_wait3A_398 = tpu.memref_slice %arg12[%dma_wait3A_390, %dma_wait3A_397] : memref<4x128xi32, #tpu.memory_space<vmem>> -> memref<1x128xi32, #tpu.memory_space<vmem>>
    %dma_wait3A_399 = tpu.memref_squeeze %dma_wait3A_398 : memref<1x128xi32, #tpu.memory_space<vmem>> -> memref<128xi32, #tpu.memory_space<vmem>>
    %dma_wait3A_400 = arith.constant 0 : i32
    %dma_wait3A_401 = arith.constant 0 : i32
    %dma_wait3A_402 = tpu.memref_slice %arg15[%dma_wait3A_400, %dma_wait3A_401] : memref<1000x128xf32, #tpu.memory_space<vmem_shared>> -> memref<1000x128xf32, #tpu.memory_space<vmem_shared>>
    %dma_wait3A_403 = tpu.memref_slice %arg16[%dma_wait3A_392] : memref<6x!tpu.dma_semaphore, #tpu.memory_space<semaphore_mem>> -> memref<1x!tpu.dma_semaphore, #tpu.memory_space<semaphore_mem>>
    %dma_wait3A_404 = tpu.memref_squeeze %dma_wait3A_403 : memref<1x!tpu.dma_semaphore, #tpu.memory_space<semaphore_mem>> -> memref<!tpu.dma_semaphore, #tpu.memory_space<semaphore_mem>>
    tpu.wait_indirect_dma semaphore(%dma_wait3A_404 : memref<!tpu.dma_semaphore, #tpu.memory_space<semaphore_mem>>) src(%dma_wait3A_402 : memref<1000x128xf32, #tpu.memory_space<vmem_shared>>) dst(%dma_wait3A_396 : memref<128x128xf32, #tpu.memory_space<vmem>>)
    %scan3A = arith.constant 0 : i32
    %scan3A_405 = arith.constant 0 : i32
    %scan3A_406 = arith.constant 1 : i32
    %scan3A_407 = arith.constant 0 : i32
    %scan3A_408 = arith.constant 128 : i32
    %scan3A_409 = arith.addi %scan3A_407, %scan3A_408 : i32
    %scan3A_410 = arith.constant 1 : i32
    scf.for %scan3A_692 = %scan3A_407 to %scan3A_409 step %scan3A_410  : i32 {
      %get3A = arith.constant 0 : i32
      %get3A_693 = arith.constant 0 : i32
      %get3A_694 = tpu.memref_slice %arg13[%scan3A_405, %get3A, %get3A_693] : memref<6x128x128xf32, #tpu.memory_space<vmem>> -> memref<1x128x128xf32, #tpu.memory_space<vmem>>
      %get3A_695 = tpu.memref_squeeze %get3A_694 : memref<1x128x128xf32, #tpu.memory_space<vmem>> -> memref<128x128xf32, #tpu.memory_space<vmem>>
      %get3A_696 = arith.index_cast %scan3A_692 : i32 to index
      %get3A_697 = arith.constant 0 : index
      %get3A_698 = tpu.vector_load %get3A_695[%get3A_696, %get3A_697] {strides = array<i32>} : memref<128x128xf32, #tpu.memory_space<vmem>>, vector<1x16xf32>,
      %get3A_699 = vector.shape_cast %get3A_698 : vector<1x16xf32> to vector<16xf32>
      %get3A_700 = arith.constant 0 : i32
      %get3A_701 = arith.constant 0 : i32
      %get3A_702 = tpu.memref_slice %arg13[%scan3A_406, %get3A_700, %get3A_701] : memref<6x128x128xf32, #tpu.memory_space<vmem>> -> memref<1x128x128xf32, #tpu.memory_space<vmem>>
      %get3A_703 = tpu.memref_squeeze %get3A_702 : memref<1x128x128xf32, #tpu.memory_space<vmem>> -> memref<128x128xf32, #tpu.memory_space<vmem>>
      %get3A_704 = arith.index_cast %scan3A_692 : i32 to index
      %get3A_705 = arith.constant 0 : index
      %get3A_706 = tpu.vector_load %get3A_703[%get3A_704, %get3A_705] {strides = array<i32>} : memref<128x128xf32, #tpu.memory_space<vmem>>, vector<1x16xf32>,
      %get3A_707 = vector.shape_cast %get3A_706 : vector<1x16xf32> to vector<16xf32>
      %add3A_708 = arith.addf %get3A_699, %get3A_707 : vector<16xf32>
      %swap3A = arith.constant 0 : i32
      %swap3A_709 = arith.constant 0 : i32
      %swap3A_710 = tpu.memref_slice %arg13[%scan3A_405, %swap3A, %swap3A_709] : memref<6x128x128xf32, #tpu.memory_space<vmem>> -> memref<1x128x128xf32, #tpu.memory_space<vmem>>
      %swap3A_711 = tpu.memref_squeeze %swap3A_710 : memref<1x128x128xf32, #tpu.memory_space<vmem>> -> memref<128x128xf32, #tpu.memory_space<vmem>>
      %swap3A_712 = arith.index_cast %scan3A_692 : i32 to index
      %swap3A_713 = arith.constant 0 : index
      %swap3A_714 = tpu.vector_load %swap3A_711[%swap3A_712, %swap3A_713] {strides = array<i32>} : memref<128x128xf32, #tpu.memory_space<vmem>>, vector<1x16xf32>,
      %swap3A_715 = vector.shape_cast %swap3A_714 : vector<1x16xf32> to vector<16xf32>
      %swap3A_716 = vector.shape_cast %add3A_708 : vector<16xf32> to vector<1x16xf32>
      tpu.vector_store %swap3A_711[%swap3A_712, %swap3A_713], %swap3A_716 {strides = array<i32>} : memref<128x128xf32, #tpu.memory_space<vmem>>, vector<1x16xf32>,
      %get3A_717 = arith.constant 0 : i32
      %get3A_718 = arith.constant 0 : i32
      %get3A_719 = tpu.memref_slice %arg13[%scan3A_405, %get3A_717, %get3A_718] : memref<6x128x128xf32, #tpu.memory_space<vmem>> -> memref<1x128x128xf32, #tpu.memory_space<vmem>>
      %get3A_720 = tpu.memref_squeeze %get3A_719 : memref<1x128x128xf32, #tpu.memory_space<vmem>> -> memref<128x128xf32, #tpu.memory_space<vmem>>
      %get3A_721 = arith.index_cast %scan3A_692 : i32 to index
      %get3A_722 = arith.constant 16 : index
      %get3A_723 = tpu.vector_load %get3A_720[%get3A_721, %get3A_722] {strides = array<i32>} : memref<128x128xf32, #tpu.memory_space<vmem>>, vector<1x16xf32>,
      %get3A_724 = vector.shape_cast %get3A_723 : vector<1x16xf32> to vector<16xf32>
      %get3A_725 = arith.constant 0 : i32
      %get3A_726 = arith.constant 0 : i32
      %get3A_727 = tpu.memref_slice %arg13[%scan3A_406, %get3A_725, %get3A_726] : memref<6x128x128xf32, #tpu.memory_space<vmem>> -> memref<1x128x128xf32, #tpu.memory_space<vmem>>
      %get3A_728 = tpu.memref_squeeze %get3A_727 : memref<1x128x128xf32, #tpu.memory_space<vmem>> -> memref<128x128xf32, #tpu.memory_space<vmem>>
      %get3A_729 = arith.index_cast %scan3A_692 : i32 to index
      %get3A_730 = arith.constant 16 : index
      %get3A_731 = tpu.vector_load %get3A_728[%get3A_729, %get3A_730] {strides = array<i32>} : memref<128x128xf32, #tpu.memory_space<vmem>>, vector<1x16xf32>,
      %get3A_732 = vector.shape_cast %get3A_731 : vector<1x16xf32> to vector<16xf32>
      %add3A_733 = arith.addf %get3A_724, %get3A_732 : vector<16xf32>
      %swap3A_734 = arith.constant 0 : i32
      %swap3A_735 = arith.constant 0 : i32
      %swap3A_736 = tpu.memref_slice %arg13[%scan3A_405, %swap3A_734, %swap3A_735] : memref<6x128x128xf32, #tpu.memory_space<vmem>> -> memref<1x128x128xf32, #tpu.memory_space<vmem>>
      %swap3A_737 = tpu.memref_squeeze %swap3A_736 : memref<1x128x128xf32, #tpu.memory_space<vmem>> -> memref<128x128xf32, #tpu.memory_space<vmem>>
      %swap3A_738 = arith.index_cast %scan3A_692 : i32 to index
      %swap3A_739 = arith.constant 16 : index
      %swap3A_740 = tpu.vector_load %swap3A_737[%swap3A_738, %swap3A_739] {strides = array<i32>} : memref<128x128xf32, #tpu.memory_space<vmem>>, vector<1x16xf32>,
      %swap3A_741 = vector.shape_cast %swap3A_740 : vector<1x16xf32> to vector<16xf32>
      %swap3A_742 = vector.shape_cast %add3A_733 : vector<16xf32> to vector<1x16xf32>
      tpu.vector_store %swap3A_737[%swap3A_738, %swap3A_739], %swap3A_742 {strides = array<i32>} : memref<128x128xf32, #tpu.memory_space<vmem>>, vector<1x16xf32>,
      %get3A_743 = arith.constant 0 : i32
      %get3A_744 = arith.constant 0 : i32
      %get3A_745 = tpu.memref_slice %arg13[%scan3A_405, %get3A_743, %get3A_744] : memref<6x128x128xf32, #tpu.memory_space<vmem>> -> memref<1x128x128xf32, #tpu.memory_space<vmem>>
      %get3A_746 = tpu.memref_squeeze %get3A_745 : memref<1x128x128xf32, #tpu.memory_space<vmem>> -> memref<128x128xf32, #tpu.memory_space<vmem>>
      %get3A_747 = arith.index_cast %scan3A_692 : i32 to index
      %get3A_748 = arith.constant 32 : index
      %get3A_749 = tpu.vector_load %get3A_746[%get3A_747, %get3A_748] {strides = array<i32>} : memref<128x128xf32, #tpu.memory_space<vmem>>, vector<1x16xf32>,
      %get3A_750 = vector.shape_cast %get3A_749 : vector<1x16xf32> to vector<16xf32>
      %get3A_751 = arith.constant 0 : i32
      %get3A_752 = arith.constant 0 : i32
      %get3A_753 = tpu.memref_slice %arg13[%scan3A_406, %get3A_751, %get3A_752] : memref<6x128x128xf32, #tpu.memory_space<vmem>> -> memref<1x128x128xf32, #tpu.memory_space<vmem>>
      %get3A_754 = tpu.memref_squeeze %get3A_753 : memref<1x128x128xf32, #tpu.memory_space<vmem>> -> memref<128x128xf32, #tpu.memory_space<vmem>>
      %get3A_755 = arith.index_cast %scan3A_692 : i32 to index
      %get3A_756 = arith.constant 32 : index
      %get3A_757 = tpu.vector_load %get3A_754[%get3A_755, %get3A_756] {strides = array<i32>} : memref<128x128xf32, #tpu.memory_space<vmem>>, vector<1x16xf32>,
      %get3A_758 = vector.shape_cast %get3A_757 : vector<1x16xf32> to vector<16xf32>
      %add3A_759 = arith.addf %get3A_750, %get3A_758 : vector<16xf32>
      %swap3A_760 = arith.constant 0 : i32
      %swap3A_761 = arith.constant 0 : i32
      %swap3A_762 = tpu.memref_slice %arg13[%scan3A_405, %swap3A_760, %swap3A_761] : memref<6x128x128xf32, #tpu.memory_space<vmem>> -> memref<1x128x128xf32, #tpu.memory_space<vmem>>
      %swap3A_763 = tpu.memref_squeeze %swap3A_762 : memref<1x128x128xf32, #tpu.memory_space<vmem>> -> memref<128x128xf32, #tpu.memory_space<vmem>>
      %swap3A_764 = arith.index_cast %scan3A_692 : i32 to index
      %swap3A_765 = arith.constant 32 : index
      %swap3A_766 = tpu.vector_load %swap3A_763[%swap3A_764, %swap3A_765] {strides = array<i32>} : memref<128x128xf32, #tpu.memory_space<vmem>>, vector<1x16xf32>,
      %swap3A_767 = vector.shape_cast %swap3A_766 : vector<1x16xf32> to vector<16xf32>
      %swap3A_768 = vector.shape_cast %add3A_759 : vector<16xf32> to vector<1x16xf32>
      tpu.vector_store %swap3A_763[%swap3A_764, %swap3A_765], %swap3A_768 {strides = array<i32>} : memref<128x128xf32, #tpu.memory_space<vmem>>, vector<1x16xf32>,
      %get3A_769 = arith.constant 0 : i32
      %get3A_770 = arith.constant 0 : i32
      %get3A_771 = tpu.memref_slice %arg13[%scan3A_405, %get3A_769, %get3A_770] : memref<6x128x128xf32, #tpu.memory_space<vmem>> -> memref<1x128x128xf32, #tpu.memory_space<vmem>>
      %get3A_772 = tpu.memref_squeeze %get3A_771 : memref<1x128x128xf32, #tpu.memory_space<vmem>> -> memref<128x128xf32, #tpu.memory_space<vmem>>
      %get3A_773 = arith.index_cast %scan3A_692 : i32 to index
      %get3A_774 = arith.constant 48 : index
      %get3A_775 = tpu.vector_load %get3A_772[%get3A_773, %get3A_774] {strides = array<i32>} : memref<128x128xf32, #tpu.memory_space<vmem>>, vector<1x16xf32>,
      %get3A_776 = vector.shape_cast %get3A_775 : vector<1x16xf32> to vector<16xf32>
      %get3A_777 = arith.constant 0 : i32
      %get3A_778 = arith.constant 0 : i32
      %get3A_779 = tpu.memref_slice %arg13[%scan3A_406, %get3A_777, %get3A_778] : memref<6x128x128xf32, #tpu.memory_space<vmem>> -> memref<1x128x128xf32, #tpu.memory_space<vmem>>
      %get3A_780 = tpu.memref_squeeze %get3A_779 : memref<1x128x128xf32, #tpu.memory_space<vmem>> -> memref<128x128xf32, #tpu.memory_space<vmem>>
      %get3A_781 = arith.index_cast %scan3A_692 : i32 to index
      %get3A_782 = arith.constant 48 : index
      %get3A_783 = tpu.vector_load %get3A_780[%get3A_781, %get3A_782] {strides = array<i32>} : memref<128x128xf32, #tpu.memory_space<vmem>>, vector<1x16xf32>,
      %get3A_784 = vector.shape_cast %get3A_783 : vector<1x16xf32> to vector<16xf32>
      %add3A_785 = arith.addf %get3A_776, %get3A_784 : vector<16xf32>
      %swap3A_786 = arith.constant 0 : i32
      %swap3A_787 = arith.constant 0 : i32
      %swap3A_788 = tpu.memref_slice %arg13[%scan3A_405, %swap3A_786, %swap3A_787] : memref<6x128x128xf32, #tpu.memory_space<vmem>> -> memref<1x128x128xf32, #tpu.memory_space<vmem>>
      %swap3A_789 = tpu.memref_squeeze %swap3A_788 : memref<1x128x128xf32, #tpu.memory_space<vmem>> -> memref<128x128xf32, #tpu.memory_space<vmem>>
      %swap3A_790 = arith.index_cast %scan3A_692 : i32 to index
      %swap3A_791 = arith.constant 48 : index
      %swap3A_792 = tpu.vector_load %swap3A_789[%swap3A_790, %swap3A_791] {strides = array<i32>} : memref<128x128xf32, #tpu.memory_space<vmem>>, vector<1x16xf32>,
      %swap3A_793 = vector.shape_cast %swap3A_792 : vector<1x16xf32> to vector<16xf32>
      %swap3A_794 = vector.shape_cast %add3A_785 : vector<16xf32> to vector<1x16xf32>
      tpu.vector_store %swap3A_789[%swap3A_790, %swap3A_791], %swap3A_794 {strides = array<i32>} : memref<128x128xf32, #tpu.memory_space<vmem>>, vector<1x16xf32>,
      %get3A_795 = arith.constant 0 : i32
      %get3A_796 = arith.constant 0 : i32
      %get3A_797 = tpu.memref_slice %arg13[%scan3A_405, %get3A_795, %get3A_796] : memref<6x128x128xf32, #tpu.memory_space<vmem>> -> memref<1x128x128xf32, #tpu.memory_space<vmem>>
      %get3A_798 = tpu.memref_squeeze %get3A_797 : memref<1x128x128xf32, #tpu.memory_space<vmem>> -> memref<128x128xf32, #tpu.memory_space<vmem>>
      %get3A_799 = arith.index_cast %scan3A_692 : i32 to index
      %get3A_800 = arith.constant 64 : index
      %get3A_801 = tpu.vector_load %get3A_798[%get3A_799, %get3A_800] {strides = array<i32>} : memref<128x128xf32, #tpu.memory_space<vmem>>, vector<1x16xf32>,
      %get3A_802 = vector.shape_cast %get3A_801 : vector<1x16xf32> to vector<16xf32>
      %get3A_803 = arith.constant 0 : i32
      %get3A_804 = arith.constant 0 : i32
      %get3A_805 = tpu.memref_slice %arg13[%scan3A_406, %get3A_803, %get3A_804] : memref<6x128x128xf32, #tpu.memory_space<vmem>> -> memref<1x128x128xf32, #tpu.memory_space<vmem>>
      %get3A_806 = tpu.memref_squeeze %get3A_805 : memref<1x128x128xf32, #tpu.memory_space<vmem>> -> memref<128x128xf32, #tpu.memory_space<vmem>>
      %get3A_807 = arith.index_cast %scan3A_692 : i32 to index
      %get3A_808 = arith.constant 64 : index
      %get3A_809 = tpu.vector_load %get3A_806[%get3A_807, %get3A_808] {strides = array<i32>} : memref<128x128xf32, #tpu.memory_space<vmem>>, vector<1x16xf32>,
      %get3A_810 = vector.shape_cast %get3A_809 : vector<1x16xf32> to vector<16xf32>
      %add3A_811 = arith.addf %get3A_802, %get3A_810 : vector<16xf32>
      %swap3A_812 = arith.constant 0 : i32
      %swap3A_813 = arith.constant 0 : i32
      %swap3A_814 = tpu.memref_slice %arg13[%scan3A_405, %swap3A_812, %swap3A_813] : memref<6x128x128xf32, #tpu.memory_space<vmem>> -> memref<1x128x128xf32, #tpu.memory_space<vmem>>
      %swap3A_815 = tpu.memref_squeeze %swap3A_814 : memref<1x128x128xf32, #tpu.memory_space<vmem>> -> memref<128x128xf32, #tpu.memory_space<vmem>>
      %swap3A_816 = arith.index_cast %scan3A_692 : i32 to index
      %swap3A_817 = arith.constant 64 : index
      %swap3A_818 = tpu.vector_load %swap3A_815[%swap3A_816, %swap3A_817] {strides = array<i32>} : memref<128x128xf32, #tpu.memory_space<vmem>>, vector<1x16xf32>,
      %swap3A_819 = vector.shape_cast %swap3A_818 : vector<1x16xf32> to vector<16xf32>
      %swap3A_820 = vector.shape_cast %add3A_811 : vector<16xf32> to vector<1x16xf32>
      tpu.vector_store %swap3A_815[%swap3A_816, %swap3A_817], %swap3A_820 {strides = array<i32>} : memref<128x128xf32, #tpu.memory_space<vmem>>, vector<1x16xf32>,
      %get3A_821 = arith.constant 0 : i32
      %get3A_822 = arith.constant 0 : i32
      %get3A_823 = tpu.memref_slice %arg13[%scan3A_405, %get3A_821, %get3A_822] : memref<6x128x128xf32, #tpu.memory_space<vmem>> -> memref<1x128x128xf32, #tpu.memory_space<vmem>>
      %get3A_824 = tpu.memref_squeeze %get3A_823 : memref<1x128x128xf32, #tpu.memory_space<vmem>> -> memref<128x128xf32, #tpu.memory_space<vmem>>
      %get3A_825 = arith.index_cast %scan3A_692 : i32 to index
      %get3A_826 = arith.constant 80 : index
      %get3A_827 = tpu.vector_load %get3A_824[%get3A_825, %get3A_826] {strides = array<i32>} : memref<128x128xf32, #tpu.memory_space<vmem>>, vector<1x16xf32>,
      %get3A_828 = vector.shape_cast %get3A_827 : vector<1x16xf32> to vector<16xf32>
      %get3A_829 = arith.constant 0 : i32
      %get3A_830 = arith.constant 0 : i32
      %get3A_831 = tpu.memref_slice %arg13[%scan3A_406, %get3A_829, %get3A_830] : memref<6x128x128xf32, #tpu.memory_space<vmem>> -> memref<1x128x128xf32, #tpu.memory_space<vmem>>
      %get3A_832 = tpu.memref_squeeze %get3A_831 : memref<1x128x128xf32, #tpu.memory_space<vmem>> -> memref<128x128xf32, #tpu.memory_space<vmem>>
      %get3A_833 = arith.index_cast %scan3A_692 : i32 to index
      %get3A_834 = arith.constant 80 : index
      %get3A_835 = tpu.vector_load %get3A_832[%get3A_833, %get3A_834] {strides = array<i32>} : memref<128x128xf32, #tpu.memory_space<vmem>>, vector<1x16xf32>,
      %get3A_836 = vector.shape_cast %get3A_835 : vector<1x16xf32> to vector<16xf32>
      %add3A_837 = arith.addf %get3A_828, %get3A_836 : vector<16xf32>
      %swap3A_838 = arith.constant 0 : i32
      %swap3A_839 = arith.constant 0 : i32
      %swap3A_840 = tpu.memref_slice %arg13[%scan3A_405, %swap3A_838, %swap3A_839] : memref<6x128x128xf32, #tpu.memory_space<vmem>> -> memref<1x128x128xf32, #tpu.memory_space<vmem>>
      %swap3A_841 = tpu.memref_squeeze %swap3A_840 : memref<1x128x128xf32, #tpu.memory_space<vmem>> -> memref<128x128xf32, #tpu.memory_space<vmem>>
      %swap3A_842 = arith.index_cast %scan3A_692 : i32 to index
      %swap3A_843 = arith.constant 80 : index
      %swap3A_844 = tpu.vector_load %swap3A_841[%swap3A_842, %swap3A_843] {strides = array<i32>} : memref<128x128xf32, #tpu.memory_space<vmem>>, vector<1x16xf32>,
      %swap3A_845 = vector.shape_cast %swap3A_844 : vector<1x16xf32> to vector<16xf32>
      %swap3A_846 = vector.shape_cast %add3A_837 : vector<16xf32> to vector<1x16xf32>
      tpu.vector_store %swap3A_841[%swap3A_842, %swap3A_843], %swap3A_846 {strides = array<i32>} : memref<128x128xf32, #tpu.memory_space<vmem>>, vector<1x16xf32>,
      %get3A_847 = arith.constant 0 : i32
      %get3A_848 = arith.constant 0 : i32
      %get3A_849 = tpu.memref_slice %arg13[%scan3A_405, %get3A_847, %get3A_848] : memref<6x128x128xf32, #tpu.memory_space<vmem>> -> memref<1x128x128xf32, #tpu.memory_space<vmem>>
      %get3A_850 = tpu.memref_squeeze %get3A_849 : memref<1x128x128xf32, #tpu.memory_space<vmem>> -> memref<128x128xf32, #tpu.memory_space<vmem>>
      %get3A_851 = arith.index_cast %scan3A_692 : i32 to index
      %get3A_852 = arith.constant 96 : index
      %get3A_853 = tpu.vector_load %get3A_850[%get3A_851, %get3A_852] {strides = array<i32>} : memref<128x128xf32, #tpu.memory_space<vmem>>, vector<1x16xf32>,
      %get3A_854 = vector.shape_cast %get3A_853 : vector<1x16xf32> to vector<16xf32>
      %get3A_855 = arith.constant 0 : i32
      %get3A_856 = arith.constant 0 : i32
      %get3A_857 = tpu.memref_slice %arg13[%scan3A_406, %get3A_855, %get3A_856] : memref<6x128x128xf32, #tpu.memory_space<vmem>> -> memref<1x128x128xf32, #tpu.memory_space<vmem>>
      %get3A_858 = tpu.memref_squeeze %get3A_857 : memref<1x128x128xf32, #tpu.memory_space<vmem>> -> memref<128x128xf32, #tpu.memory_space<vmem>>
      %get3A_859 = arith.index_cast %scan3A_692 : i32 to index
      %get3A_860 = arith.constant 96 : index
      %get3A_861 = tpu.vector_load %get3A_858[%get3A_859, %get3A_860] {strides = array<i32>} : memref<128x128xf32, #tpu.memory_space<vmem>>, vector<1x16xf32>,
      %get3A_862 = vector.shape_cast %get3A_861 : vector<1x16xf32> to vector<16xf32>
      %add3A_863 = arith.addf %get3A_854, %get3A_862 : vector<16xf32>
      %swap3A_864 = arith.constant 0 : i32
      %swap3A_865 = arith.constant 0 : i32
      %swap3A_866 = tpu.memref_slice %arg13[%scan3A_405, %swap3A_864, %swap3A_865] : memref<6x128x128xf32, #tpu.memory_space<vmem>> -> memref<1x128x128xf32, #tpu.memory_space<vmem>>
      %swap3A_867 = tpu.memref_squeeze %swap3A_866 : memref<1x128x128xf32, #tpu.memory_space<vmem>> -> memref<128x128xf32, #tpu.memory_space<vmem>>
      %swap3A_868 = arith.index_cast %scan3A_692 : i32 to index
      %swap3A_869 = arith.constant 96 : index
      %swap3A_870 = tpu.vector_load %swap3A_867[%swap3A_868, %swap3A_869] {strides = array<i32>} : memref<128x128xf32, #tpu.memory_space<vmem>>, vector<1x16xf32>,
      %swap3A_871 = vector.shape_cast %swap3A_870 : vector<1x16xf32> to vector<16xf32>
      %swap3A_872 = vector.shape_cast %add3A_863 : vector<16xf32> to vector<1x16xf32>
      tpu.vector_store %swap3A_867[%swap3A_868, %swap3A_869], %swap3A_872 {strides = array<i32>} : memref<128x128xf32, #tpu.memory_space<vmem>>, vector<1x16xf32>,
      %get3A_873 = arith.constant 0 : i32
      %get3A_874 = arith.constant 0 : i32
      %get3A_875 = tpu.memref_slice %arg13[%scan3A_405, %get3A_873, %get3A_874] : memref<6x128x128xf32, #tpu.memory_space<vmem>> -> memref<1x128x128xf32, #tpu.memory_space<vmem>>
      %get3A_876 = tpu.memref_squeeze %get3A_875 : memref<1x128x128xf32, #tpu.memory_space<vmem>> -> memref<128x128xf32, #tpu.memory_space<vmem>>
      %get3A_877 = arith.index_cast %scan3A_692 : i32 to index
      %get3A_878 = arith.constant 112 : index
      %get3A_879 = tpu.vector_load %get3A_876[%get3A_877, %get3A_878] {strides = array<i32>} : memref<128x128xf32, #tpu.memory_space<vmem>>, vector<1x16xf32>,
      %get3A_880 = vector.shape_cast %get3A_879 : vector<1x16xf32> to vector<16xf32>
      %get3A_881 = arith.constant 0 : i32
      %get3A_882 = arith.constant 0 : i32
      %get3A_883 = tpu.memref_slice %arg13[%scan3A_406, %get3A_881, %get3A_882] : memref<6x128x128xf32, #tpu.memory_space<vmem>> -> memref<1x128x128xf32, #tpu.memory_space<vmem>>
      %get3A_884 = tpu.memref_squeeze %get3A_883 : memref<1x128x128xf32, #tpu.memory_space<vmem>> -> memref<128x128xf32, #tpu.memory_space<vmem>>
      %get3A_885 = arith.index_cast %scan3A_692 : i32 to index
      %get3A_886 = arith.constant 112 : index
      %get3A_887 = tpu.vector_load %get3A_884[%get3A_885, %get3A_886] {strides = array<i32>} : memref<128x128xf32, #tpu.memory_space<vmem>>, vector<1x16xf32>,
      %get3A_888 = vector.shape_cast %get3A_887 : vector<1x16xf32> to vector<16xf32>
      %add3A_889 = arith.addf %get3A_880, %get3A_888 : vector<16xf32>
      %swap3A_890 = arith.constant 0 : i32
      %swap3A_891 = arith.constant 0 : i32
      %swap3A_892 = tpu.memref_slice %arg13[%scan3A_405, %swap3A_890, %swap3A_891] : memref<6x128x128xf32, #tpu.memory_space<vmem>> -> memref<1x128x128xf32, #tpu.memory_space<vmem>>
      %swap3A_893 = tpu.memref_squeeze %swap3A_892 : memref<1x128x128xf32, #tpu.memory_space<vmem>> -> memref<128x128xf32, #tpu.memory_space<vmem>>
      %swap3A_894 = arith.index_cast %scan3A_692 : i32 to index
      %swap3A_895 = arith.constant 112 : index
      %swap3A_896 = tpu.vector_load %swap3A_893[%swap3A_894, %swap3A_895] {strides = array<i32>} : memref<128x128xf32, #tpu.memory_space<vmem>>, vector<1x16xf32>,
      %swap3A_897 = vector.shape_cast %swap3A_896 : vector<1x16xf32> to vector<16xf32>
      %swap3A_898 = vector.shape_cast %add3A_889 : vector<16xf32> to vector<1x16xf32>
      tpu.vector_store %swap3A_893[%swap3A_894, %swap3A_895], %swap3A_898 {strides = array<i32>} : memref<128x128xf32, #tpu.memory_space<vmem>>, vector<1x16xf32>,
    }
    %scan3A_411 = arith.constant 128 : i32
    %add3A_412 = arith.constant 0 : i32
    %add3A_413 = arith.addi %mul3A_2, %add3A_412 : i32
    %dma_start3A_414 = arith.constant 0 : i32
    %dma_start3A_415 = arith.constant 0 : i32
    %dma_start3A_416 = arith.constant 0 : i32
    %dma_start3A_417 = arith.constant 0 : i32
    %dma_start3A_418 = tpu.memref_slice %arg13[%dma_start3A_414, %dma_start3A_416, %dma_start3A_417] : memref<6x128x128xf32, #tpu.memory_space<vmem>> -> memref<1x128x128xf32, #tpu.memory_space<vmem>>
    %dma_start3A_419 = tpu.memref_squeeze %dma_start3A_418 : memref<1x128x128xf32, #tpu.memory_space<vmem>> -> memref<128x128xf32, #tpu.memory_space<vmem>>
    %dma_start3A_420 = arith.constant 0 : i32
    %dma_start3A_421 = tpu.memref_slice %arg9[%add3A_413, %dma_start3A_420] : memref<16384x128xf32, #tpu.memory_space<hbm>> -> memref<128x128xf32, #tpu.memory_space<hbm>>
    %dma_start3A_422 = tpu.memref_slice %arg17[%dma_start3A_415] : memref<6x!tpu.dma_semaphore, #tpu.memory_space<semaphore_mem>> -> memref<1x!tpu.dma_semaphore, #tpu.memory_space<semaphore_mem>>
    %dma_start3A_423 = tpu.memref_squeeze %dma_start3A_422 : memref<1x!tpu.dma_semaphore, #tpu.memory_space<semaphore_mem>> -> memref<!tpu.dma_semaphore, #tpu.memory_space<semaphore_mem>>
    %dma_start3A_424 = arith.constant 0 : i32
    %dma_start3A_425 = tpu.memref_slice %arg9[%add3A_413, %dma_start3A_424] : memref<16384x128xf32, #tpu.memory_space<hbm>> -> memref<128x128xf32, #tpu.memory_space<hbm>>
    %dma_start3A_426 = arith.constant 0 : i32
    %dma_start3A_427 = arith.constant 0 : i32
    %dma_start3A_428 = tpu.memref_slice %arg13[%dma_start3A_414, %dma_start3A_426, %dma_start3A_427] : memref<6x128x128xf32, #tpu.memory_space<vmem>> -> memref<1x128x128xf32, #tpu.memory_space<vmem>>
    %dma_start3A_429 = tpu.memref_squeeze %dma_start3A_428 : memref<1x128x128xf32, #tpu.memory_space<vmem>> -> memref<128x128xf32, #tpu.memory_space<vmem>>
    tpu.enqueue_dma source(%dma_start3A_429 : memref<128x128xf32, #tpu.memory_space<vmem>>) target(%dma_start3A_425 : memref<128x128xf32, #tpu.memory_space<hbm>>) target_semaphore(%dma_start3A_423 : memref<!tpu.dma_semaphore, #tpu.memory_space<semaphore_mem>>)
    %dma_wait3A_430 = arith.constant 0 : i32
    %dma_wait3A_431 = arith.constant 0 : i32
    %dma_wait3A_432 = arith.constant 0 : i32
    %dma_wait3A_433 = arith.constant 0 : i32
    %dma_wait3A_434 = tpu.memref_slice %arg13[%dma_wait3A_430, %dma_wait3A_432, %dma_wait3A_433] : memref<6x128x128xf32, #tpu.memory_space<vmem>> -> memref<1x128x128xf32, #tpu.memory_space<vmem>>
    %dma_wait3A_435 = tpu.memref_squeeze %dma_wait3A_434 : memref<1x128x128xf32, #tpu.memory_space<vmem>> -> memref<128x128xf32, #tpu.memory_space<vmem>>
    %dma_wait3A_436 = arith.constant 0 : i32
    %dma_wait3A_437 = tpu.memref_slice %arg9[%add3A_413, %dma_wait3A_436] : memref<16384x128xf32, #tpu.memory_space<hbm>> -> memref<128x128xf32, #tpu.memory_space<hbm>>
    %dma_wait3A_438 = tpu.memref_slice %arg17[%dma_wait3A_431] : memref<6x!tpu.dma_semaphore, #tpu.memory_space<semaphore_mem>> -> memref<1x!tpu.dma_semaphore, #tpu.memory_space<semaphore_mem>>
    %dma_wait3A_439 = tpu.memref_squeeze %dma_wait3A_438 : memref<1x!tpu.dma_semaphore, #tpu.memory_space<semaphore_mem>> -> memref<!tpu.dma_semaphore, #tpu.memory_space<semaphore_mem>>
    %dma_wait3A_440 = arith.constant 0 : i32
    %dma_wait3A_441 = tpu.memref_slice %arg9[%add3A_413, %dma_wait3A_440] : memref<16384x128xf32, #tpu.memory_space<hbm>> -> memref<128x128xf32, #tpu.memory_space<hbm>>
    %dma_wait3A_442 = arith.constant 0 : i32
    %dma_wait3A_443 = arith.constant 0 : i32
    %dma_wait3A_444 = tpu.memref_slice %arg13[%dma_wait3A_430, %dma_wait3A_442, %dma_wait3A_443] : memref<6x128x128xf32, #tpu.memory_space<vmem>> -> memref<1x128x128xf32, #tpu.memory_space<vmem>>
    %dma_wait3A_445 = tpu.memref_squeeze %dma_wait3A_444 : memref<1x128x128xf32, #tpu.memory_space<vmem>> -> memref<128x128xf32, #tpu.memory_space<vmem>>
    tpu.wait_dma2 semaphore(%dma_wait3A_439 : memref<!tpu.dma_semaphore, #tpu.memory_space<semaphore_mem>>) src(%dma_wait3A_445 : memref<128x128xf32, #tpu.memory_space<vmem>>) dst(%dma_wait3A_441 : memref<128x128xf32, #tpu.memory_space<hbm>>)
    %dma_start3A_446 = arith.constant 3 : i32
    %dma_start3A_447 = arith.constant 0 : i32
    %dma_start3A_448 = arith.constant 0 : i32
    %dma_start3A_449 = arith.constant 0 : i32
    %dma_start3A_450 = arith.constant 0 : i32
    %dma_start3A_451 = tpu.memref_slice %arg13[%dma_start3A_447, %dma_start3A_449, %dma_start3A_450] : memref<6x128x128xf32, #tpu.memory_space<vmem>> -> memref<1x128x128xf32, #tpu.memory_space<vmem>>
    %dma_start3A_452 = tpu.memref_squeeze %dma_start3A_451 : memref<1x128x128xf32, #tpu.memory_space<vmem>> -> memref<128x128xf32, #tpu.memory_space<vmem>>
    %dma_start3A_453 = arith.constant 0 : i32
    %dma_start3A_454 = tpu.memref_slice %arg11[%dma_start3A_446, %dma_start3A_453] : memref<4x128xi32, #tpu.memory_space<vmem>> -> memref<1x128xi32, #tpu.memory_space<vmem>>
    %dma_start3A_455 = tpu.memref_squeeze %dma_start3A_454 : memref<1x128xi32, #tpu.memory_space<vmem>> -> memref<128xi32, #tpu.memory_space<vmem>>
    %dma_start3A_456 = arith.constant 0 : i32
    %dma_start3A_457 = arith.constant 0 : i32
    %dma_start3A_458 = tpu.memref_slice %arg14[%dma_start3A_456, %dma_start3A_457] : memref<1000x128xf32, #tpu.memory_space<vmem_shared>> -> memref<1000x128xf32, #tpu.memory_space<vmem_shared>>
    %dma_start3A_459 = tpu.memref_slice %arg16[%dma_start3A_448] : memref<6x!tpu.dma_semaphore, #tpu.memory_space<semaphore_mem>> -> memref<1x!tpu.dma_semaphore, #tpu.memory_space<semaphore_mem>>
    %dma_start3A_460 = tpu.memref_squeeze %dma_start3A_459 : memref<1x!tpu.dma_semaphore, #tpu.memory_space<semaphore_mem>> -> memref<!tpu.dma_semaphore, #tpu.memory_space<semaphore_mem>>
    tpu.enqueue_indirect_dma source(%dma_start3A_458 : memref<1000x128xf32, #tpu.memory_space<vmem_shared>>) target(%dma_start3A_452 : memref<128x128xf32, #tpu.memory_space<vmem>>) offsets(%dma_start3A_455 : memref<128xi32, #tpu.memory_space<vmem>>) semaphore(%dma_start3A_460 : memref<!tpu.dma_semaphore, #tpu.memory_space<semaphore_mem>>)
    %dma_start3A_461 = arith.constant 3 : i32
    %dma_start3A_462 = arith.constant 1 : i32
    %dma_start3A_463 = arith.constant 1 : i32
    %dma_start3A_464 = arith.constant 0 : i32
    %dma_start3A_465 = arith.constant 0 : i32
    %dma_start3A_466 = tpu.memref_slice %arg13[%dma_start3A_462, %dma_start3A_464, %dma_start3A_465] : memref<6x128x128xf32, #tpu.memory_space<vmem>> -> memref<1x128x128xf32, #tpu.memory_space<vmem>>
    %dma_start3A_467 = tpu.memref_squeeze %dma_start3A_466 : memref<1x128x128xf32, #tpu.memory_space<vmem>> -> memref<128x128xf32, #tpu.memory_space<vmem>>
    %dma_start3A_468 = arith.constant 0 : i32
    %dma_start3A_469 = tpu.memref_slice %arg12[%dma_start3A_461, %dma_start3A_468] : memref<4x128xi32, #tpu.memory_space<vmem>> -> memref<1x128xi32, #tpu.memory_space<vmem>>
    %dma_start3A_470 = tpu.memref_squeeze %dma_start3A_469 : memref<1x128xi32, #tpu.memory_space<vmem>> -> memref<128xi32, #tpu.memory_space<vmem>>
    %dma_start3A_471 = arith.constant 0 : i32
    %dma_start3A_472 = arith.constant 0 : i32
    %dma_start3A_473 = tpu.memref_slice %arg15[%dma_start3A_471, %dma_start3A_472] : memref<1000x128xf32, #tpu.memory_space<vmem_shared>> -> memref<1000x128xf32, #tpu.memory_space<vmem_shared>>
    %dma_start3A_474 = tpu.memref_slice %arg16[%dma_start3A_463] : memref<6x!tpu.dma_semaphore, #tpu.memory_space<semaphore_mem>> -> memref<1x!tpu.dma_semaphore, #tpu.memory_space<semaphore_mem>>
    %dma_start3A_475 = tpu.memref_squeeze %dma_start3A_474 : memref<1x!tpu.dma_semaphore, #tpu.memory_space<semaphore_mem>> -> memref<!tpu.dma_semaphore, #tpu.memory_space<semaphore_mem>>
    tpu.enqueue_indirect_dma source(%dma_start3A_473 : memref<1000x128xf32, #tpu.memory_space<vmem_shared>>) target(%dma_start3A_467 : memref<128x128xf32, #tpu.memory_space<vmem>>) offsets(%dma_start3A_470 : memref<128xi32, #tpu.memory_space<vmem>>) semaphore(%dma_start3A_475 : memref<!tpu.dma_semaphore, #tpu.memory_space<semaphore_mem>>)
    %dma_wait3A_476 = arith.constant 1 : i32
    %dma_wait3A_477 = arith.constant 2 : i32
    %dma_wait3A_478 = arith.constant 2 : i32
    %dma_wait3A_479 = arith.constant 0 : i32
    %dma_wait3A_480 = arith.constant 0 : i32
    %dma_wait3A_481 = tpu.memref_slice %arg13[%dma_wait3A_477, %dma_wait3A_479, %dma_wait3A_480] : memref<6x128x128xf32, #tpu.memory_space<vmem>> -> memref<1x128x128xf32, #tpu.memory_space<vmem>>
    %dma_wait3A_482 = tpu.memref_squeeze %dma_wait3A_481 : memref<1x128x128xf32, #tpu.memory_space<vmem>> -> memref<128x128xf32, #tpu.memory_space<vmem>>
    %dma_wait3A_483 = arith.constant 0 : i32
    %dma_wait3A_484 = tpu.memref_slice %arg11[%dma_wait3A_476, %dma_wait3A_483] : memref<4x128xi32, #tpu.memory_space<vmem>> -> memref<1x128xi32, #tpu.memory_space<vmem>>
    %dma_wait3A_485 = tpu.memref_squeeze %dma_wait3A_484 : memref<1x128xi32, #tpu.memory_space<vmem>> -> memref<128xi32, #tpu.memory_space<vmem>>
    %dma_wait3A_486 = arith.constant 0 : i32
    %dma_wait3A_487 = arith.constant 0 : i32
    %dma_wait3A_488 = tpu.memref_slice %arg14[%dma_wait3A_486, %dma_wait3A_487] : memref<1000x128xf32, #tpu.memory_space<vmem_shared>> -> memref<1000x128xf32, #tpu.memory_space<vmem_shared>>
    %dma_wait3A_489 = tpu.memref_slice %arg16[%dma_wait3A_478] : memref<6x!tpu.dma_semaphore, #tpu.memory_space<semaphore_mem>> -> memref<1x!tpu.dma_semaphore, #tpu.memory_space<semaphore_mem>>
    %dma_wait3A_490 = tpu.memref_squeeze %dma_wait3A_489 : memref<1x!tpu.dma_semaphore, #tpu.memory_space<semaphore_mem>> -> memref<!tpu.dma_semaphore, #tpu.memory_space<semaphore_mem>>
    tpu.wait_indirect_dma semaphore(%dma_wait3A_490 : memref<!tpu.dma_semaphore, #tpu.memory_space<semaphore_mem>>) src(%dma_wait3A_488 : memref<1000x128xf32, #tpu.memory_space<vmem_shared>>) dst(%dma_wait3A_482 : memref<128x128xf32, #tpu.memory_space<vmem>>)
    %dma_wait3A_491 = arith.constant 1 : i32
    %dma_wait3A_492 = arith.constant 3 : i32
    %dma_wait3A_493 = arith.constant 3 : i32
    %dma_wait3A_494 = arith.constant 0 : i32
    %dma_wait3A_495 = arith.constant 0 : i32
    %dma_wait3A_496 = tpu.memref_slice %arg13[%dma_wait3A_492, %dma_wait3A_494, %dma_wait3A_495] : memref<6x128x128xf32, #tpu.memory_space<vmem>> -> memref<1x128x128xf32, #tpu.memory_space<vmem>>
    %dma_wait3A_497 = tpu.memref_squeeze %dma_wait3A_496 : memref<1x128x128xf32, #tpu.memory_space<vmem>> -> memref<128x128xf32, #tpu.memory_space<vmem>>
    %dma_wait3A_498 = arith.constant 0 : i32
    %dma_wait3A_499 = tpu.memref_slice %arg12[%dma_wait3A_491, %dma_wait3A_498] : memref<4x128xi32, #tpu.memory_space<vmem>> -> memref<1x128xi32, #tpu.memory_space<vmem>>
    %dma_wait3A_500 = tpu.memref_squeeze %dma_wait3A_499 : memref<1x128xi32, #tpu.memory_space<vmem>> -> memref<128xi32, #tpu.memory_space<vmem>>
    %dma_wait3A_501 = arith.constant 0 : i32
    %dma_wait3A_502 = arith.constant 0 : i32
    %dma_wait3A_503 = tpu.memref_slice %arg15[%dma_wait3A_501, %dma_wait3A_502] : memref<1000x128xf32, #tpu.memory_space<vmem_shared>> -> memref<1000x128xf32, #tpu.memory_space<vmem_shared>>
    %dma_wait3A_504 = tpu.memref_slice %arg16[%dma_wait3A_493] : memref<6x!tpu.dma_semaphore, #tpu.memory_space<semaphore_mem>> -> memref<1x!tpu.dma_semaphore, #tpu.memory_space<semaphore_mem>>
    %dma_wait3A_505 = tpu.memref_squeeze %dma_wait3A_504 : memref<1x!tpu.dma_semaphore, #tpu.memory_space<semaphore_mem>> -> memref<!tpu.dma_semaphore, #tpu.memory_space<semaphore_mem>>
    tpu.wait_indirect_dma semaphore(%dma_wait3A_505 : memref<!tpu.dma_semaphore, #tpu.memory_space<semaphore_mem>>) src(%dma_wait3A_503 : memref<1000x128xf32, #tpu.memory_space<vmem_shared>>) dst(%dma_wait3A_497 : memref<128x128xf32, #tpu.memory_space<vmem>>)
    %scan3A_506 = arith.constant 0 : i32
    %scan3A_507 = arith.constant 2 : i32
    %scan3A_508 = arith.constant 3 : i32
    %scan3A_509 = arith.constant 0 : i32
    %scan3A_510 = arith.constant 128 : i32
    %scan3A_511 = arith.addi %scan3A_509, %scan3A_510 : i32
    %scan3A_512 = arith.constant 1 : i32
    scf.for %scan3A_692 = %scan3A_509 to %scan3A_511 step %scan3A_512  : i32 {
      %get3A = arith.constant 0 : i32
      %get3A_693 = arith.constant 0 : i32
      %get3A_694 = tpu.memref_slice %arg13[%scan3A_507, %get3A, %get3A_693] : memref<6x128x128xf32, #tpu.memory_space<vmem>> -> memref<1x128x128xf32, #tpu.memory_space<vmem>>
      %get3A_695 = tpu.memref_squeeze %get3A_694 : memref<1x128x128xf32, #tpu.memory_space<vmem>> -> memref<128x128xf32, #tpu.memory_space<vmem>>
      %get3A_696 = arith.index_cast %scan3A_692 : i32 to index
      %get3A_697 = arith.constant 0 : index
      %get3A_698 = tpu.vector_load %get3A_695[%get3A_696, %get3A_697] {strides = array<i32>} : memref<128x128xf32, #tpu.memory_space<vmem>>, vector<1x16xf32>,
      %get3A_699 = vector.shape_cast %get3A_698 : vector<1x16xf32> to vector<16xf32>
      %get3A_700 = arith.constant 0 : i32
      %get3A_701 = arith.constant 0 : i32
      %get3A_702 = tpu.memref_slice %arg13[%scan3A_508, %get3A_700, %get3A_701] : memref<6x128x128xf32, #tpu.memory_space<vmem>> -> memref<1x128x128xf32, #tpu.memory_space<vmem>>
      %get3A_703 = tpu.memref_squeeze %get3A_702 : memref<1x128x128xf32, #tpu.memory_space<vmem>> -> memref<128x128xf32, #tpu.memory_space<vmem>>
      %get3A_704 = arith.index_cast %scan3A_692 : i32 to index
      %get3A_705 = arith.constant 0 : index
      %get3A_706 = tpu.vector_load %get3A_703[%get3A_704, %get3A_705] {strides = array<i32>} : memref<128x128xf32, #tpu.memory_space<vmem>>, vector<1x16xf32>,
      %get3A_707 = vector.shape_cast %get3A_706 : vector<1x16xf32> to vector<16xf32>
      %add3A_708 = arith.addf %get3A_699, %get3A_707 : vector<16xf32>
      %swap3A = arith.constant 0 : i32
      %swap3A_709 = arith.constant 0 : i32
      %swap3A_710 = tpu.memref_slice %arg13[%scan3A_507, %swap3A, %swap3A_709] : memref<6x128x128xf32, #tpu.memory_space<vmem>> -> memref<1x128x128xf32, #tpu.memory_space<vmem>>
      %swap3A_711 = tpu.memref_squeeze %swap3A_710 : memref<1x128x128xf32, #tpu.memory_space<vmem>> -> memref<128x128xf32, #tpu.memory_space<vmem>>
      %swap3A_712 = arith.index_cast %scan3A_692 : i32 to index
      %swap3A_713 = arith.constant 0 : index
      %swap3A_714 = tpu.vector_load %swap3A_711[%swap3A_712, %swap3A_713] {strides = array<i32>} : memref<128x128xf32, #tpu.memory_space<vmem>>, vector<1x16xf32>,
      %swap3A_715 = vector.shape_cast %swap3A_714 : vector<1x16xf32> to vector<16xf32>
      %swap3A_716 = vector.shape_cast %add3A_708 : vector<16xf32> to vector<1x16xf32>
      tpu.vector_store %swap3A_711[%swap3A_712, %swap3A_713], %swap3A_716 {strides = array<i32>} : memref<128x128xf32, #tpu.memory_space<vmem>>, vector<1x16xf32>,
      %get3A_717 = arith.constant 0 : i32
      %get3A_718 = arith.constant 0 : i32
      %get3A_719 = tpu.memref_slice %arg13[%scan3A_507, %get3A_717, %get3A_718] : memref<6x128x128xf32, #tpu.memory_space<vmem>> -> memref<1x128x128xf32, #tpu.memory_space<vmem>>
      %get3A_720 = tpu.memref_squeeze %get3A_719 : memref<1x128x128xf32, #tpu.memory_space<vmem>> -> memref<128x128xf32, #tpu.memory_space<vmem>>
      %get3A_721 = arith.index_cast %scan3A_692 : i32 to index
      %get3A_722 = arith.constant 16 : index
      %get3A_723 = tpu.vector_load %get3A_720[%get3A_721, %get3A_722] {strides = array<i32>} : memref<128x128xf32, #tpu.memory_space<vmem>>, vector<1x16xf32>,
      %get3A_724 = vector.shape_cast %get3A_723 : vector<1x16xf32> to vector<16xf32>
      %get3A_725 = arith.constant 0 : i32
      %get3A_726 = arith.constant 0 : i32
      %get3A_727 = tpu.memref_slice %arg13[%scan3A_508, %get3A_725, %get3A_726] : memref<6x128x128xf32, #tpu.memory_space<vmem>> -> memref<1x128x128xf32, #tpu.memory_space<vmem>>
      %get3A_728 = tpu.memref_squeeze %get3A_727 : memref<1x128x128xf32, #tpu.memory_space<vmem>> -> memref<128x128xf32, #tpu.memory_space<vmem>>
      %get3A_729 = arith.index_cast %scan3A_692 : i32 to index
      %get3A_730 = arith.constant 16 : index
      %get3A_731 = tpu.vector_load %get3A_728[%get3A_729, %get3A_730] {strides = array<i32>} : memref<128x128xf32, #tpu.memory_space<vmem>>, vector<1x16xf32>,
      %get3A_732 = vector.shape_cast %get3A_731 : vector<1x16xf32> to vector<16xf32>
      %add3A_733 = arith.addf %get3A_724, %get3A_732 : vector<16xf32>
      %swap3A_734 = arith.constant 0 : i32
      %swap3A_735 = arith.constant 0 : i32
      %swap3A_736 = tpu.memref_slice %arg13[%scan3A_507, %swap3A_734, %swap3A_735] : memref<6x128x128xf32, #tpu.memory_space<vmem>> -> memref<1x128x128xf32, #tpu.memory_space<vmem>>
      %swap3A_737 = tpu.memref_squeeze %swap3A_736 : memref<1x128x128xf32, #tpu.memory_space<vmem>> -> memref<128x128xf32, #tpu.memory_space<vmem>>
      %swap3A_738 = arith.index_cast %scan3A_692 : i32 to index
      %swap3A_739 = arith.constant 16 : index
      %swap3A_740 = tpu.vector_load %swap3A_737[%swap3A_738, %swap3A_739] {strides = array<i32>} : memref<128x128xf32, #tpu.memory_space<vmem>>, vector<1x16xf32>,
      %swap3A_741 = vector.shape_cast %swap3A_740 : vector<1x16xf32> to vector<16xf32>
      %swap3A_742 = vector.shape_cast %add3A_733 : vector<16xf32> to vector<1x16xf32>
      tpu.vector_store %swap3A_737[%swap3A_738, %swap3A_739], %swap3A_742 {strides = array<i32>} : memref<128x128xf32, #tpu.memory_space<vmem>>, vector<1x16xf32>,
      %get3A_743 = arith.constant 0 : i32
      %get3A_744 = arith.constant 0 : i32
      %get3A_745 = tpu.memref_slice %arg13[%scan3A_507, %get3A_743, %get3A_744] : memref<6x128x128xf32, #tpu.memory_space<vmem>> -> memref<1x128x128xf32, #tpu.memory_space<vmem>>
      %get3A_746 = tpu.memref_squeeze %get3A_745 : memref<1x128x128xf32, #tpu.memory_space<vmem>> -> memref<128x128xf32, #tpu.memory_space<vmem>>
      %get3A_747 = arith.index_cast %scan3A_692 : i32 to index
      %get3A_748 = arith.constant 32 : index
      %get3A_749 = tpu.vector_load %get3A_746[%get3A_747, %get3A_748] {strides = array<i32>} : memref<128x128xf32, #tpu.memory_space<vmem>>, vector<1x16xf32>,
      %get3A_750 = vector.shape_cast %get3A_749 : vector<1x16xf32> to vector<16xf32>
      %get3A_751 = arith.constant 0 : i32
      %get3A_752 = arith.constant 0 : i32
      %get3A_753 = tpu.memref_slice %arg13[%scan3A_508, %get3A_751, %get3A_752] : memref<6x128x128xf32, #tpu.memory_space<vmem>> -> memref<1x128x128xf32, #tpu.memory_space<vmem>>
      %get3A_754 = tpu.memref_squeeze %get3A_753 : memref<1x128x128xf32, #tpu.memory_space<vmem>> -> memref<128x128xf32, #tpu.memory_space<vmem>>
      %get3A_755 = arith.index_cast %scan3A_692 : i32 to index
      %get3A_756 = arith.constant 32 : index
      %get3A_757 = tpu.vector_load %get3A_754[%get3A_755, %get3A_756] {strides = array<i32>} : memref<128x128xf32, #tpu.memory_space<vmem>>, vector<1x16xf32>,
      %get3A_758 = vector.shape_cast %get3A_757 : vector<1x16xf32> to vector<16xf32>
      %add3A_759 = arith.addf %get3A_750, %get3A_758 : vector<16xf32>
      %swap3A_760 = arith.constant 0 : i32
      %swap3A_761 = arith.constant 0 : i32
      %swap3A_762 = tpu.memref_slice %arg13[%scan3A_507, %swap3A_760, %swap3A_761] : memref<6x128x128xf32, #tpu.memory_space<vmem>> -> memref<1x128x128xf32, #tpu.memory_space<vmem>>
      %swap3A_763 = tpu.memref_squeeze %swap3A_762 : memref<1x128x128xf32, #tpu.memory_space<vmem>> -> memref<128x128xf32, #tpu.memory_space<vmem>>
      %swap3A_764 = arith.index_cast %scan3A_692 : i32 to index
      %swap3A_765 = arith.constant 32 : index
      %swap3A_766 = tpu.vector_load %swap3A_763[%swap3A_764, %swap3A_765] {strides = array<i32>} : memref<128x128xf32, #tpu.memory_space<vmem>>, vector<1x16xf32>,
      %swap3A_767 = vector.shape_cast %swap3A_766 : vector<1x16xf32> to vector<16xf32>
      %swap3A_768 = vector.shape_cast %add3A_759 : vector<16xf32> to vector<1x16xf32>
      tpu.vector_store %swap3A_763[%swap3A_764, %swap3A_765], %swap3A_768 {strides = array<i32>} : memref<128x128xf32, #tpu.memory_space<vmem>>, vector<1x16xf32>,
      %get3A_769 = arith.constant 0 : i32
      %get3A_770 = arith.constant 0 : i32
      %get3A_771 = tpu.memref_slice %arg13[%scan3A_507, %get3A_769, %get3A_770] : memref<6x128x128xf32, #tpu.memory_space<vmem>> -> memref<1x128x128xf32, #tpu.memory_space<vmem>>
      %get3A_772 = tpu.memref_squeeze %get3A_771 : memref<1x128x128xf32, #tpu.memory_space<vmem>> -> memref<128x128xf32, #tpu.memory_space<vmem>>
      %get3A_773 = arith.index_cast %scan3A_692 : i32 to index
      %get3A_774 = arith.constant 48 : index
      %get3A_775 = tpu.vector_load %get3A_772[%get3A_773, %get3A_774] {strides = array<i32>} : memref<128x128xf32, #tpu.memory_space<vmem>>, vector<1x16xf32>,
      %get3A_776 = vector.shape_cast %get3A_775 : vector<1x16xf32> to vector<16xf32>
      %get3A_777 = arith.constant 0 : i32
      %get3A_778 = arith.constant 0 : i32
      %get3A_779 = tpu.memref_slice %arg13[%scan3A_508, %get3A_777, %get3A_778] : memref<6x128x128xf32, #tpu.memory_space<vmem>> -> memref<1x128x128xf32, #tpu.memory_space<vmem>>
      %get3A_780 = tpu.memref_squeeze %get3A_779 : memref<1x128x128xf32, #tpu.memory_space<vmem>> -> memref<128x128xf32, #tpu.memory_space<vmem>>
      %get3A_781 = arith.index_cast %scan3A_692 : i32 to index
      %get3A_782 = arith.constant 48 : index
      %get3A_783 = tpu.vector_load %get3A_780[%get3A_781, %get3A_782] {strides = array<i32>} : memref<128x128xf32, #tpu.memory_space<vmem>>, vector<1x16xf32>,
      %get3A_784 = vector.shape_cast %get3A_783 : vector<1x16xf32> to vector<16xf32>
      %add3A_785 = arith.addf %get3A_776, %get3A_784 : vector<16xf32>
      %swap3A_786 = arith.constant 0 : i32
      %swap3A_787 = arith.constant 0 : i32
      %swap3A_788 = tpu.memref_slice %arg13[%scan3A_507, %swap3A_786, %swap3A_787] : memref<6x128x128xf32, #tpu.memory_space<vmem>> -> memref<1x128x128xf32, #tpu.memory_space<vmem>>
      %swap3A_789 = tpu.memref_squeeze %swap3A_788 : memref<1x128x128xf32, #tpu.memory_space<vmem>> -> memref<128x128xf32, #tpu.memory_space<vmem>>
      %swap3A_790 = arith.index_cast %scan3A_692 : i32 to index
      %swap3A_791 = arith.constant 48 : index
      %swap3A_792 = tpu.vector_load %swap3A_789[%swap3A_790, %swap3A_791] {strides = array<i32>} : memref<128x128xf32, #tpu.memory_space<vmem>>, vector<1x16xf32>,
      %swap3A_793 = vector.shape_cast %swap3A_792 : vector<1x16xf32> to vector<16xf32>
      %swap3A_794 = vector.shape_cast %add3A_785 : vector<16xf32> to vector<1x16xf32>
      tpu.vector_store %swap3A_789[%swap3A_790, %swap3A_791], %swap3A_794 {strides = array<i32>} : memref<128x128xf32, #tpu.memory_space<vmem>>, vector<1x16xf32>,
      %get3A_795 = arith.constant 0 : i32
      %get3A_796 = arith.constant 0 : i32
      %get3A_797 = tpu.memref_slice %arg13[%scan3A_507, %get3A_795, %get3A_796] : memref<6x128x128xf32, #tpu.memory_space<vmem>> -> memref<1x128x128xf32, #tpu.memory_space<vmem>>
      %get3A_798 = tpu.memref_squeeze %get3A_797 : memref<1x128x128xf32, #tpu.memory_space<vmem>> -> memref<128x128xf32, #tpu.memory_space<vmem>>
      %get3A_799 = arith.index_cast %scan3A_692 : i32 to index
      %get3A_800 = arith.constant 64 : index
      %get3A_801 = tpu.vector_load %get3A_798[%get3A_799, %get3A_800] {strides = array<i32>} : memref<128x128xf32, #tpu.memory_space<vmem>>, vector<1x16xf32>,
      %get3A_802 = vector.shape_cast %get3A_801 : vector<1x16xf32> to vector<16xf32>
      %get3A_803 = arith.constant 0 : i32
      %get3A_804 = arith.constant 0 : i32
      %get3A_805 = tpu.memref_slice %arg13[%scan3A_508, %get3A_803, %get3A_804] : memref<6x128x128xf32, #tpu.memory_space<vmem>> -> memref<1x128x128xf32, #tpu.memory_space<vmem>>
      %get3A_806 = tpu.memref_squeeze %get3A_805 : memref<1x128x128xf32, #tpu.memory_space<vmem>> -> memref<128x128xf32, #tpu.memory_space<vmem>>
      %get3A_807 = arith.index_cast %scan3A_692 : i32 to index
      %get3A_808 = arith.constant 64 : index
      %get3A_809 = tpu.vector_load %get3A_806[%get3A_807, %get3A_808] {strides = array<i32>} : memref<128x128xf32, #tpu.memory_space<vmem>>, vector<1x16xf32>,
      %get3A_810 = vector.shape_cast %get3A_809 : vector<1x16xf32> to vector<16xf32>
      %add3A_811 = arith.addf %get3A_802, %get3A_810 : vector<16xf32>
      %swap3A_812 = arith.constant 0 : i32
      %swap3A_813 = arith.constant 0 : i32
      %swap3A_814 = tpu.memref_slice %arg13[%scan3A_507, %swap3A_812, %swap3A_813] : memref<6x128x128xf32, #tpu.memory_space<vmem>> -> memref<1x128x128xf32, #tpu.memory_space<vmem>>
      %swap3A_815 = tpu.memref_squeeze %swap3A_814 : memref<1x128x128xf32, #tpu.memory_space<vmem>> -> memref<128x128xf32, #tpu.memory_space<vmem>>
      %swap3A_816 = arith.index_cast %scan3A_692 : i32 to index
      %swap3A_817 = arith.constant 64 : index
      %swap3A_818 = tpu.vector_load %swap3A_815[%swap3A_816, %swap3A_817] {strides = array<i32>} : memref<128x128xf32, #tpu.memory_space<vmem>>, vector<1x16xf32>,
      %swap3A_819 = vector.shape_cast %swap3A_818 : vector<1x16xf32> to vector<16xf32>
      %swap3A_820 = vector.shape_cast %add3A_811 : vector<16xf32> to vector<1x16xf32>
      tpu.vector_store %swap3A_815[%swap3A_816, %swap3A_817], %swap3A_820 {strides = array<i32>} : memref<128x128xf32, #tpu.memory_space<vmem>>, vector<1x16xf32>,
      %get3A_821 = arith.constant 0 : i32
      %get3A_822 = arith.constant 0 : i32
      %get3A_823 = tpu.memref_slice %arg13[%scan3A_507, %get3A_821, %get3A_822] : memref<6x128x128xf32, #tpu.memory_space<vmem>> -> memref<1x128x128xf32, #tpu.memory_space<vmem>>
      %get3A_824 = tpu.memref_squeeze %get3A_823 : memref<1x128x128xf32, #tpu.memory_space<vmem>> -> memref<128x128xf32, #tpu.memory_space<vmem>>
      %get3A_825 = arith.index_cast %scan3A_692 : i32 to index
      %get3A_826 = arith.constant 80 : index
      %get3A_827 = tpu.vector_load %get3A_824[%get3A_825, %get3A_826] {strides = array<i32>} : memref<128x128xf32, #tpu.memory_space<vmem>>, vector<1x16xf32>,
      %get3A_828 = vector.shape_cast %get3A_827 : vector<1x16xf32> to vector<16xf32>
      %get3A_829 = arith.constant 0 : i32
      %get3A_830 = arith.constant 0 : i32
      %get3A_831 = tpu.memref_slice %arg13[%scan3A_508, %get3A_829, %get3A_830] : memref<6x128x128xf32, #tpu.memory_space<vmem>> -> memref<1x128x128xf32, #tpu.memory_space<vmem>>
      %get3A_832 = tpu.memref_squeeze %get3A_831 : memref<1x128x128xf32, #tpu.memory_space<vmem>> -> memref<128x128xf32, #tpu.memory_space<vmem>>
      %get3A_833 = arith.index_cast %scan3A_692 : i32 to index
      %get3A_834 = arith.constant 80 : index
      %get3A_835 = tpu.vector_load %get3A_832[%get3A_833, %get3A_834] {strides = array<i32>} : memref<128x128xf32, #tpu.memory_space<vmem>>, vector<1x16xf32>,
      %get3A_836 = vector.shape_cast %get3A_835 : vector<1x16xf32> to vector<16xf32>
      %add3A_837 = arith.addf %get3A_828, %get3A_836 : vector<16xf32>
      %swap3A_838 = arith.constant 0 : i32
      %swap3A_839 = arith.constant 0 : i32
      %swap3A_840 = tpu.memref_slice %arg13[%scan3A_507, %swap3A_838, %swap3A_839] : memref<6x128x128xf32, #tpu.memory_space<vmem>> -> memref<1x128x128xf32, #tpu.memory_space<vmem>>
      %swap3A_841 = tpu.memref_squeeze %swap3A_840 : memref<1x128x128xf32, #tpu.memory_space<vmem>> -> memref<128x128xf32, #tpu.memory_space<vmem>>
      %swap3A_842 = arith.index_cast %scan3A_692 : i32 to index
      %swap3A_843 = arith.constant 80 : index
      %swap3A_844 = tpu.vector_load %swap3A_841[%swap3A_842, %swap3A_843] {strides = array<i32>} : memref<128x128xf32, #tpu.memory_space<vmem>>, vector<1x16xf32>,
      %swap3A_845 = vector.shape_cast %swap3A_844 : vector<1x16xf32> to vector<16xf32>
      %swap3A_846 = vector.shape_cast %add3A_837 : vector<16xf32> to vector<1x16xf32>
      tpu.vector_store %swap3A_841[%swap3A_842, %swap3A_843], %swap3A_846 {strides = array<i32>} : memref<128x128xf32, #tpu.memory_space<vmem>>, vector<1x16xf32>,
      %get3A_847 = arith.constant 0 : i32
      %get3A_848 = arith.constant 0 : i32
      %get3A_849 = tpu.memref_slice %arg13[%scan3A_507, %get3A_847, %get3A_848] : memref<6x128x128xf32, #tpu.memory_space<vmem>> -> memref<1x128x128xf32, #tpu.memory_space<vmem>>
      %get3A_850 = tpu.memref_squeeze %get3A_849 : memref<1x128x128xf32, #tpu.memory_space<vmem>> -> memref<128x128xf32, #tpu.memory_space<vmem>>
      %get3A_851 = arith.index_cast %scan3A_692 : i32 to index
      %get3A_852 = arith.constant 96 : index
      %get3A_853 = tpu.vector_load %get3A_850[%get3A_851, %get3A_852] {strides = array<i32>} : memref<128x128xf32, #tpu.memory_space<vmem>>, vector<1x16xf32>,
      %get3A_854 = vector.shape_cast %get3A_853 : vector<1x16xf32> to vector<16xf32>
      %get3A_855 = arith.constant 0 : i32
      %get3A_856 = arith.constant 0 : i32
      %get3A_857 = tpu.memref_slice %arg13[%scan3A_508, %get3A_855, %get3A_856] : memref<6x128x128xf32, #tpu.memory_space<vmem>> -> memref<1x128x128xf32, #tpu.memory_space<vmem>>
      %get3A_858 = tpu.memref_squeeze %get3A_857 : memref<1x128x128xf32, #tpu.memory_space<vmem>> -> memref<128x128xf32, #tpu.memory_space<vmem>>
      %get3A_859 = arith.index_cast %scan3A_692 : i32 to index
      %get3A_860 = arith.constant 96 : index
      %get3A_861 = tpu.vector_load %get3A_858[%get3A_859, %get3A_860] {strides = array<i32>} : memref<128x128xf32, #tpu.memory_space<vmem>>, vector<1x16xf32>,
      %get3A_862 = vector.shape_cast %get3A_861 : vector<1x16xf32> to vector<16xf32>
      %add3A_863 = arith.addf %get3A_854, %get3A_862 : vector<16xf32>
      %swap3A_864 = arith.constant 0 : i32
      %swap3A_865 = arith.constant 0 : i32
      %swap3A_866 = tpu.memref_slice %arg13[%scan3A_507, %swap3A_864, %swap3A_865] : memref<6x128x128xf32, #tpu.memory_space<vmem>> -> memref<1x128x128xf32, #tpu.memory_space<vmem>>
      %swap3A_867 = tpu.memref_squeeze %swap3A_866 : memref<1x128x128xf32, #tpu.memory_space<vmem>> -> memref<128x128xf32, #tpu.memory_space<vmem>>
      %swap3A_868 = arith.index_cast %scan3A_692 : i32 to index
      %swap3A_869 = arith.constant 96 : index
      %swap3A_870 = tpu.vector_load %swap3A_867[%swap3A_868, %swap3A_869] {strides = array<i32>} : memref<128x128xf32, #tpu.memory_space<vmem>>, vector<1x16xf32>,
      %swap3A_871 = vector.shape_cast %swap3A_870 : vector<1x16xf32> to vector<16xf32>
      %swap3A_872 = vector.shape_cast %add3A_863 : vector<16xf32> to vector<1x16xf32>
      tpu.vector_store %swap3A_867[%swap3A_868, %swap3A_869], %swap3A_872 {strides = array<i32>} : memref<128x128xf32, #tpu.memory_space<vmem>>, vector<1x16xf32>,
      %get3A_873 = arith.constant 0 : i32
      %get3A_874 = arith.constant 0 : i32
      %get3A_875 = tpu.memref_slice %arg13[%scan3A_507, %get3A_873, %get3A_874] : memref<6x128x128xf32, #tpu.memory_space<vmem>> -> memref<1x128x128xf32, #tpu.memory_space<vmem>>
      %get3A_876 = tpu.memref_squeeze %get3A_875 : memref<1x128x128xf32, #tpu.memory_space<vmem>> -> memref<128x128xf32, #tpu.memory_space<vmem>>
      %get3A_877 = arith.index_cast %scan3A_692 : i32 to index
      %get3A_878 = arith.constant 112 : index
      %get3A_879 = tpu.vector_load %get3A_876[%get3A_877, %get3A_878] {strides = array<i32>} : memref<128x128xf32, #tpu.memory_space<vmem>>, vector<1x16xf32>,
      %get3A_880 = vector.shape_cast %get3A_879 : vector<1x16xf32> to vector<16xf32>
      %get3A_881 = arith.constant 0 : i32
      %get3A_882 = arith.constant 0 : i32
      %get3A_883 = tpu.memref_slice %arg13[%scan3A_508, %get3A_881, %get3A_882] : memref<6x128x128xf32, #tpu.memory_space<vmem>> -> memref<1x128x128xf32, #tpu.memory_space<vmem>>
      %get3A_884 = tpu.memref_squeeze %get3A_883 : memref<1x128x128xf32, #tpu.memory_space<vmem>> -> memref<128x128xf32, #tpu.memory_space<vmem>>
      %get3A_885 = arith.index_cast %scan3A_692 : i32 to index
      %get3A_886 = arith.constant 112 : index
      %get3A_887 = tpu.vector_load %get3A_884[%get3A_885, %get3A_886] {strides = array<i32>} : memref<128x128xf32, #tpu.memory_space<vmem>>, vector<1x16xf32>,
      %get3A_888 = vector.shape_cast %get3A_887 : vector<1x16xf32> to vector<16xf32>
      %add3A_889 = arith.addf %get3A_880, %get3A_888 : vector<16xf32>
      %swap3A_890 = arith.constant 0 : i32
      %swap3A_891 = arith.constant 0 : i32
      %swap3A_892 = tpu.memref_slice %arg13[%scan3A_507, %swap3A_890, %swap3A_891] : memref<6x128x128xf32, #tpu.memory_space<vmem>> -> memref<1x128x128xf32, #tpu.memory_space<vmem>>
      %swap3A_893 = tpu.memref_squeeze %swap3A_892 : memref<1x128x128xf32, #tpu.memory_space<vmem>> -> memref<128x128xf32, #tpu.memory_space<vmem>>
      %swap3A_894 = arith.index_cast %scan3A_692 : i32 to index
      %swap3A_895 = arith.constant 112 : index
      %swap3A_896 = tpu.vector_load %swap3A_893[%swap3A_894, %swap3A_895] {strides = array<i32>} : memref<128x128xf32, #tpu.memory_space<vmem>>, vector<1x16xf32>,
      %swap3A_897 = vector.shape_cast %swap3A_896 : vector<1x16xf32> to vector<16xf32>
      %swap3A_898 = vector.shape_cast %add3A_889 : vector<16xf32> to vector<1x16xf32>
      tpu.vector_store %swap3A_893[%swap3A_894, %swap3A_895], %swap3A_898 {strides = array<i32>} : memref<128x128xf32, #tpu.memory_space<vmem>>, vector<1x16xf32>,
    }
    %scan3A_513 = arith.constant 128 : i32
    %add3A_514 = arith.constant 128 : i32
    %add3A_515 = arith.addi %mul3A_2, %add3A_514 : i32
    %dma_start3A_516 = arith.constant 2 : i32
    %dma_start3A_517 = arith.constant 2 : i32
    %dma_start3A_518 = arith.constant 0 : i32
    %dma_start3A_519 = arith.constant 0 : i32
    %dma_start3A_520 = tpu.memref_slice %arg13[%dma_start3A_516, %dma_start3A_518, %dma_start3A_519] : memref<6x128x128xf32, #tpu.memory_space<vmem>> -> memref<1x128x128xf32, #tpu.memory_space<vmem>>
    %dma_start3A_521 = tpu.memref_squeeze %dma_start3A_520 : memref<1x128x128xf32, #tpu.memory_space<vmem>> -> memref<128x128xf32, #tpu.memory_space<vmem>>
    %dma_start3A_522 = arith.constant 0 : i32
    %dma_start3A_523 = tpu.memref_slice %arg9[%add3A_515, %dma_start3A_522] : memref<16384x128xf32, #tpu.memory_space<hbm>> -> memref<128x128xf32, #tpu.memory_space<hbm>>
    %dma_start3A_524 = tpu.memref_slice %arg17[%dma_start3A_517] : memref<6x!tpu.dma_semaphore, #tpu.memory_space<semaphore_mem>> -> memref<1x!tpu.dma_semaphore, #tpu.memory_space<semaphore_mem>>
    %dma_start3A_525 = tpu.memref_squeeze %dma_start3A_524 : memref<1x!tpu.dma_semaphore, #tpu.memory_space<semaphore_mem>> -> memref<!tpu.dma_semaphore, #tpu.memory_space<semaphore_mem>>
    %dma_start3A_526 = arith.constant 0 : i32
    %dma_start3A_527 = tpu.memref_slice %arg9[%add3A_515, %dma_start3A_526] : memref<16384x128xf32, #tpu.memory_space<hbm>> -> memref<128x128xf32, #tpu.memory_space<hbm>>
    %dma_start3A_528 = arith.constant 0 : i32
    %dma_start3A_529 = arith.constant 0 : i32
    %dma_start3A_530 = tpu.memref_slice %arg13[%dma_start3A_516, %dma_start3A_528, %dma_start3A_529] : memref<6x128x128xf32, #tpu.memory_space<vmem>> -> memref<1x128x128xf32, #tpu.memory_space<vmem>>
    %dma_start3A_531 = tpu.memref_squeeze %dma_start3A_530 : memref<1x128x128xf32, #tpu.memory_space<vmem>> -> memref<128x128xf32, #tpu.memory_space<vmem>>
    tpu.enqueue_dma source(%dma_start3A_531 : memref<128x128xf32, #tpu.memory_space<vmem>>) target(%dma_start3A_527 : memref<128x128xf32, #tpu.memory_space<hbm>>) target_semaphore(%dma_start3A_525 : memref<!tpu.dma_semaphore, #tpu.memory_space<semaphore_mem>>)
    %dma_wait3A_532 = arith.constant 2 : i32
    %dma_wait3A_533 = arith.constant 4 : i32
    %dma_wait3A_534 = arith.constant 4 : i32
    %dma_wait3A_535 = arith.constant 0 : i32
    %dma_wait3A_536 = arith.constant 0 : i32
    %dma_wait3A_537 = tpu.memref_slice %arg13[%dma_wait3A_533, %dma_wait3A_535, %dma_wait3A_536] : memref<6x128x128xf32, #tpu.memory_space<vmem>> -> memref<1x128x128xf32, #tpu.memory_space<vmem>>
    %dma_wait3A_538 = tpu.memref_squeeze %dma_wait3A_537 : memref<1x128x128xf32, #tpu.memory_space<vmem>> -> memref<128x128xf32, #tpu.memory_space<vmem>>
    %dma_wait3A_539 = arith.constant 0 : i32
    %dma_wait3A_540 = tpu.memref_slice %arg11[%dma_wait3A_532, %dma_wait3A_539] : memref<4x128xi32, #tpu.memory_space<vmem>> -> memref<1x128xi32, #tpu.memory_space<vmem>>
    %dma_wait3A_541 = tpu.memref_squeeze %dma_wait3A_540 : memref<1x128xi32, #tpu.memory_space<vmem>> -> memref<128xi32, #tpu.memory_space<vmem>>
    %dma_wait3A_542 = arith.constant 0 : i32
    %dma_wait3A_543 = arith.constant 0 : i32
    %dma_wait3A_544 = tpu.memref_slice %arg14[%dma_wait3A_542, %dma_wait3A_543] : memref<1000x128xf32, #tpu.memory_space<vmem_shared>> -> memref<1000x128xf32, #tpu.memory_space<vmem_shared>>
    %dma_wait3A_545 = tpu.memref_slice %arg16[%dma_wait3A_534] : memref<6x!tpu.dma_semaphore, #tpu.memory_space<semaphore_mem>> -> memref<1x!tpu.dma_semaphore, #tpu.memory_space<semaphore_mem>>
    %dma_wait3A_546 = tpu.memref_squeeze %dma_wait3A_545 : memref<1x!tpu.dma_semaphore, #tpu.memory_space<semaphore_mem>> -> memref<!tpu.dma_semaphore, #tpu.memory_space<semaphore_mem>>
    tpu.wait_indirect_dma semaphore(%dma_wait3A_546 : memref<!tpu.dma_semaphore, #tpu.memory_space<semaphore_mem>>) src(%dma_wait3A_544 : memref<1000x128xf32, #tpu.memory_space<vmem_shared>>) dst(%dma_wait3A_538 : memref<128x128xf32, #tpu.memory_space<vmem>>)
    %dma_wait3A_547 = arith.constant 2 : i32
    %dma_wait3A_548 = arith.constant 5 : i32
    %dma_wait3A_549 = arith.constant 5 : i32
    %dma_wait3A_550 = arith.constant 0 : i32
    %dma_wait3A_551 = arith.constant 0 : i32
    %dma_wait3A_552 = tpu.memref_slice %arg13[%dma_wait3A_548, %dma_wait3A_550, %dma_wait3A_551] : memref<6x128x128xf32, #tpu.memory_space<vmem>> -> memref<1x128x128xf32, #tpu.memory_space<vmem>>
    %dma_wait3A_553 = tpu.memref_squeeze %dma_wait3A_552 : memref<1x128x128xf32, #tpu.memory_space<vmem>> -> memref<128x128xf32, #tpu.memory_space<vmem>>
    %dma_wait3A_554 = arith.constant 0 : i32
    %dma_wait3A_555 = tpu.memref_slice %arg12[%dma_wait3A_547, %dma_wait3A_554] : memref<4x128xi32, #tpu.memory_space<vmem>> -> memref<1x128xi32, #tpu.memory_space<vmem>>
    %dma_wait3A_556 = tpu.memref_squeeze %dma_wait3A_555 : memref<1x128xi32, #tpu.memory_space<vmem>> -> memref<128xi32, #tpu.memory_space<vmem>>
    %dma_wait3A_557 = arith.constant 0 : i32
    %dma_wait3A_558 = arith.constant 0 : i32
    %dma_wait3A_559 = tpu.memref_slice %arg15[%dma_wait3A_557, %dma_wait3A_558] : memref<1000x128xf32, #tpu.memory_space<vmem_shared>> -> memref<1000x128xf32, #tpu.memory_space<vmem_shared>>
    %dma_wait3A_560 = tpu.memref_slice %arg16[%dma_wait3A_549] : memref<6x!tpu.dma_semaphore, #tpu.memory_space<semaphore_mem>> -> memref<1x!tpu.dma_semaphore, #tpu.memory_space<semaphore_mem>>
    %dma_wait3A_561 = tpu.memref_squeeze %dma_wait3A_560 : memref<1x!tpu.dma_semaphore, #tpu.memory_space<semaphore_mem>> -> memref<!tpu.dma_semaphore, #tpu.memory_space<semaphore_mem>>
    tpu.wait_indirect_dma semaphore(%dma_wait3A_561 : memref<!tpu.dma_semaphore, #tpu.memory_space<semaphore_mem>>) src(%dma_wait3A_559 : memref<1000x128xf32, #tpu.memory_space<vmem_shared>>) dst(%dma_wait3A_553 : memref<128x128xf32, #tpu.memory_space<vmem>>)
    %scan3A_562 = arith.constant 0 : i32
    %scan3A_563 = arith.constant 4 : i32
    %scan3A_564 = arith.constant 5 : i32
    %scan3A_565 = arith.constant 0 : i32
    %scan3A_566 = arith.constant 128 : i32
    %scan3A_567 = arith.addi %scan3A_565, %scan3A_566 : i32
    %scan3A_568 = arith.constant 1 : i32
    scf.for %scan3A_692 = %scan3A_565 to %scan3A_567 step %scan3A_568  : i32 {
      %get3A = arith.constant 0 : i32
      %get3A_693 = arith.constant 0 : i32
      %get3A_694 = tpu.memref_slice %arg13[%scan3A_563, %get3A, %get3A_693] : memref<6x128x128xf32, #tpu.memory_space<vmem>> -> memref<1x128x128xf32, #tpu.memory_space<vmem>>
      %get3A_695 = tpu.memref_squeeze %get3A_694 : memref<1x128x128xf32, #tpu.memory_space<vmem>> -> memref<128x128xf32, #tpu.memory_space<vmem>>
      %get3A_696 = arith.index_cast %scan3A_692 : i32 to index
      %get3A_697 = arith.constant 0 : index
      %get3A_698 = tpu.vector_load %get3A_695[%get3A_696, %get3A_697] {strides = array<i32>} : memref<128x128xf32, #tpu.memory_space<vmem>>, vector<1x16xf32>,
      %get3A_699 = vector.shape_cast %get3A_698 : vector<1x16xf32> to vector<16xf32>
      %get3A_700 = arith.constant 0 : i32
      %get3A_701 = arith.constant 0 : i32
      %get3A_702 = tpu.memref_slice %arg13[%scan3A_564, %get3A_700, %get3A_701] : memref<6x128x128xf32, #tpu.memory_space<vmem>> -> memref<1x128x128xf32, #tpu.memory_space<vmem>>
      %get3A_703 = tpu.memref_squeeze %get3A_702 : memref<1x128x128xf32, #tpu.memory_space<vmem>> -> memref<128x128xf32, #tpu.memory_space<vmem>>
      %get3A_704 = arith.index_cast %scan3A_692 : i32 to index
      %get3A_705 = arith.constant 0 : index
      %get3A_706 = tpu.vector_load %get3A_703[%get3A_704, %get3A_705] {strides = array<i32>} : memref<128x128xf32, #tpu.memory_space<vmem>>, vector<1x16xf32>,
      %get3A_707 = vector.shape_cast %get3A_706 : vector<1x16xf32> to vector<16xf32>
      %add3A_708 = arith.addf %get3A_699, %get3A_707 : vector<16xf32>
      %swap3A = arith.constant 0 : i32
      %swap3A_709 = arith.constant 0 : i32
      %swap3A_710 = tpu.memref_slice %arg13[%scan3A_563, %swap3A, %swap3A_709] : memref<6x128x128xf32, #tpu.memory_space<vmem>> -> memref<1x128x128xf32, #tpu.memory_space<vmem>>
      %swap3A_711 = tpu.memref_squeeze %swap3A_710 : memref<1x128x128xf32, #tpu.memory_space<vmem>> -> memref<128x128xf32, #tpu.memory_space<vmem>>
      %swap3A_712 = arith.index_cast %scan3A_692 : i32 to index
      %swap3A_713 = arith.constant 0 : index
      %swap3A_714 = tpu.vector_load %swap3A_711[%swap3A_712, %swap3A_713] {strides = array<i32>} : memref<128x128xf32, #tpu.memory_space<vmem>>, vector<1x16xf32>,
      %swap3A_715 = vector.shape_cast %swap3A_714 : vector<1x16xf32> to vector<16xf32>
      %swap3A_716 = vector.shape_cast %add3A_708 : vector<16xf32> to vector<1x16xf32>
      tpu.vector_store %swap3A_711[%swap3A_712, %swap3A_713], %swap3A_716 {strides = array<i32>} : memref<128x128xf32, #tpu.memory_space<vmem>>, vector<1x16xf32>,
      %get3A_717 = arith.constant 0 : i32
      %get3A_718 = arith.constant 0 : i32
      %get3A_719 = tpu.memref_slice %arg13[%scan3A_563, %get3A_717, %get3A_718] : memref<6x128x128xf32, #tpu.memory_space<vmem>> -> memref<1x128x128xf32, #tpu.memory_space<vmem>>
      %get3A_720 = tpu.memref_squeeze %get3A_719 : memref<1x128x128xf32, #tpu.memory_space<vmem>> -> memref<128x128xf32, #tpu.memory_space<vmem>>
      %get3A_721 = arith.index_cast %scan3A_692 : i32 to index
      %get3A_722 = arith.constant 16 : index
      %get3A_723 = tpu.vector_load %get3A_720[%get3A_721, %get3A_722] {strides = array<i32>} : memref<128x128xf32, #tpu.memory_space<vmem>>, vector<1x16xf32>,
      %get3A_724 = vector.shape_cast %get3A_723 : vector<1x16xf32> to vector<16xf32>
      %get3A_725 = arith.constant 0 : i32
      %get3A_726 = arith.constant 0 : i32
      %get3A_727 = tpu.memref_slice %arg13[%scan3A_564, %get3A_725, %get3A_726] : memref<6x128x128xf32, #tpu.memory_space<vmem>> -> memref<1x128x128xf32, #tpu.memory_space<vmem>>
      %get3A_728 = tpu.memref_squeeze %get3A_727 : memref<1x128x128xf32, #tpu.memory_space<vmem>> -> memref<128x128xf32, #tpu.memory_space<vmem>>
      %get3A_729 = arith.index_cast %scan3A_692 : i32 to index
      %get3A_730 = arith.constant 16 : index
      %get3A_731 = tpu.vector_load %get3A_728[%get3A_729, %get3A_730] {strides = array<i32>} : memref<128x128xf32, #tpu.memory_space<vmem>>, vector<1x16xf32>,
      %get3A_732 = vector.shape_cast %get3A_731 : vector<1x16xf32> to vector<16xf32>
      %add3A_733 = arith.addf %get3A_724, %get3A_732 : vector<16xf32>
      %swap3A_734 = arith.constant 0 : i32
      %swap3A_735 = arith.constant 0 : i32
      %swap3A_736 = tpu.memref_slice %arg13[%scan3A_563, %swap3A_734, %swap3A_735] : memref<6x128x128xf32, #tpu.memory_space<vmem>> -> memref<1x128x128xf32, #tpu.memory_space<vmem>>
      %swap3A_737 = tpu.memref_squeeze %swap3A_736 : memref<1x128x128xf32, #tpu.memory_space<vmem>> -> memref<128x128xf32, #tpu.memory_space<vmem>>
      %swap3A_738 = arith.index_cast %scan3A_692 : i32 to index
      %swap3A_739 = arith.constant 16 : index
      %swap3A_740 = tpu.vector_load %swap3A_737[%swap3A_738, %swap3A_739] {strides = array<i32>} : memref<128x128xf32, #tpu.memory_space<vmem>>, vector<1x16xf32>,
      %swap3A_741 = vector.shape_cast %swap3A_740 : vector<1x16xf32> to vector<16xf32>
      %swap3A_742 = vector.shape_cast %add3A_733 : vector<16xf32> to vector<1x16xf32>
      tpu.vector_store %swap3A_737[%swap3A_738, %swap3A_739], %swap3A_742 {strides = array<i32>} : memref<128x128xf32, #tpu.memory_space<vmem>>, vector<1x16xf32>,
      %get3A_743 = arith.constant 0 : i32
      %get3A_744 = arith.constant 0 : i32
      %get3A_745 = tpu.memref_slice %arg13[%scan3A_563, %get3A_743, %get3A_744] : memref<6x128x128xf32, #tpu.memory_space<vmem>> -> memref<1x128x128xf32, #tpu.memory_space<vmem>>
      %get3A_746 = tpu.memref_squeeze %get3A_745 : memref<1x128x128xf32, #tpu.memory_space<vmem>> -> memref<128x128xf32, #tpu.memory_space<vmem>>
      %get3A_747 = arith.index_cast %scan3A_692 : i32 to index
      %get3A_748 = arith.constant 32 : index
      %get3A_749 = tpu.vector_load %get3A_746[%get3A_747, %get3A_748] {strides = array<i32>} : memref<128x128xf32, #tpu.memory_space<vmem>>, vector<1x16xf32>,
      %get3A_750 = vector.shape_cast %get3A_749 : vector<1x16xf32> to vector<16xf32>
      %get3A_751 = arith.constant 0 : i32
      %get3A_752 = arith.constant 0 : i32
      %get3A_753 = tpu.memref_slice %arg13[%scan3A_564, %get3A_751, %get3A_752] : memref<6x128x128xf32, #tpu.memory_space<vmem>> -> memref<1x128x128xf32, #tpu.memory_space<vmem>>
      %get3A_754 = tpu.memref_squeeze %get3A_753 : memref<1x128x128xf32, #tpu.memory_space<vmem>> -> memref<128x128xf32, #tpu.memory_space<vmem>>
      %get3A_755 = arith.index_cast %scan3A_692 : i32 to index
      %get3A_756 = arith.constant 32 : index
      %get3A_757 = tpu.vector_load %get3A_754[%get3A_755, %get3A_756] {strides = array<i32>} : memref<128x128xf32, #tpu.memory_space<vmem>>, vector<1x16xf32>,
      %get3A_758 = vector.shape_cast %get3A_757 : vector<1x16xf32> to vector<16xf32>
      %add3A_759 = arith.addf %get3A_750, %get3A_758 : vector<16xf32>
      %swap3A_760 = arith.constant 0 : i32
      %swap3A_761 = arith.constant 0 : i32
      %swap3A_762 = tpu.memref_slice %arg13[%scan3A_563, %swap3A_760, %swap3A_761] : memref<6x128x128xf32, #tpu.memory_space<vmem>> -> memref<1x128x128xf32, #tpu.memory_space<vmem>>
      %swap3A_763 = tpu.memref_squeeze %swap3A_762 : memref<1x128x128xf32, #tpu.memory_space<vmem>> -> memref<128x128xf32, #tpu.memory_space<vmem>>
      %swap3A_764 = arith.index_cast %scan3A_692 : i32 to index
      %swap3A_765 = arith.constant 32 : index
      %swap3A_766 = tpu.vector_load %swap3A_763[%swap3A_764, %swap3A_765] {strides = array<i32>} : memref<128x128xf32, #tpu.memory_space<vmem>>, vector<1x16xf32>,
      %swap3A_767 = vector.shape_cast %swap3A_766 : vector<1x16xf32> to vector<16xf32>
      %swap3A_768 = vector.shape_cast %add3A_759 : vector<16xf32> to vector<1x16xf32>
      tpu.vector_store %swap3A_763[%swap3A_764, %swap3A_765], %swap3A_768 {strides = array<i32>} : memref<128x128xf32, #tpu.memory_space<vmem>>, vector<1x16xf32>,
      %get3A_769 = arith.constant 0 : i32
      %get3A_770 = arith.constant 0 : i32
      %get3A_771 = tpu.memref_slice %arg13[%scan3A_563, %get3A_769, %get3A_770] : memref<6x128x128xf32, #tpu.memory_space<vmem>> -> memref<1x128x128xf32, #tpu.memory_space<vmem>>
      %get3A_772 = tpu.memref_squeeze %get3A_771 : memref<1x128x128xf32, #tpu.memory_space<vmem>> -> memref<128x128xf32, #tpu.memory_space<vmem>>
      %get3A_773 = arith.index_cast %scan3A_692 : i32 to index
      %get3A_774 = arith.constant 48 : index
      %get3A_775 = tpu.vector_load %get3A_772[%get3A_773, %get3A_774] {strides = array<i32>} : memref<128x128xf32, #tpu.memory_space<vmem>>, vector<1x16xf32>,
      %get3A_776 = vector.shape_cast %get3A_775 : vector<1x16xf32> to vector<16xf32>
      %get3A_777 = arith.constant 0 : i32
      %get3A_778 = arith.constant 0 : i32
      %get3A_779 = tpu.memref_slice %arg13[%scan3A_564, %get3A_777, %get3A_778] : memref<6x128x128xf32, #tpu.memory_space<vmem>> -> memref<1x128x128xf32, #tpu.memory_space<vmem>>
      %get3A_780 = tpu.memref_squeeze %get3A_779 : memref<1x128x128xf32, #tpu.memory_space<vmem>> -> memref<128x128xf32, #tpu.memory_space<vmem>>
      %get3A_781 = arith.index_cast %scan3A_692 : i32 to index
      %get3A_782 = arith.constant 48 : index
      %get3A_783 = tpu.vector_load %get3A_780[%get3A_781, %get3A_782] {strides = array<i32>} : memref<128x128xf32, #tpu.memory_space<vmem>>, vector<1x16xf32>,
      %get3A_784 = vector.shape_cast %get3A_783 : vector<1x16xf32> to vector<16xf32>
      %add3A_785 = arith.addf %get3A_776, %get3A_784 : vector<16xf32>
      %swap3A_786 = arith.constant 0 : i32
      %swap3A_787 = arith.constant 0 : i32
      %swap3A_788 = tpu.memref_slice %arg13[%scan3A_563, %swap3A_786, %swap3A_787] : memref<6x128x128xf32, #tpu.memory_space<vmem>> -> memref<1x128x128xf32, #tpu.memory_space<vmem>>
      %swap3A_789 = tpu.memref_squeeze %swap3A_788 : memref<1x128x128xf32, #tpu.memory_space<vmem>> -> memref<128x128xf32, #tpu.memory_space<vmem>>
      %swap3A_790 = arith.index_cast %scan3A_692 : i32 to index
      %swap3A_791 = arith.constant 48 : index
      %swap3A_792 = tpu.vector_load %swap3A_789[%swap3A_790, %swap3A_791] {strides = array<i32>} : memref<128x128xf32, #tpu.memory_space<vmem>>, vector<1x16xf32>,
      %swap3A_793 = vector.shape_cast %swap3A_792 : vector<1x16xf32> to vector<16xf32>
      %swap3A_794 = vector.shape_cast %add3A_785 : vector<16xf32> to vector<1x16xf32>
      tpu.vector_store %swap3A_789[%swap3A_790, %swap3A_791], %swap3A_794 {strides = array<i32>} : memref<128x128xf32, #tpu.memory_space<vmem>>, vector<1x16xf32>,
      %get3A_795 = arith.constant 0 : i32
      %get3A_796 = arith.constant 0 : i32
      %get3A_797 = tpu.memref_slice %arg13[%scan3A_563, %get3A_795, %get3A_796] : memref<6x128x128xf32, #tpu.memory_space<vmem>> -> memref<1x128x128xf32, #tpu.memory_space<vmem>>
      %get3A_798 = tpu.memref_squeeze %get3A_797 : memref<1x128x128xf32, #tpu.memory_space<vmem>> -> memref<128x128xf32, #tpu.memory_space<vmem>>
      %get3A_799 = arith.index_cast %scan3A_692 : i32 to index
      %get3A_800 = arith.constant 64 : index
      %get3A_801 = tpu.vector_load %get3A_798[%get3A_799, %get3A_800] {strides = array<i32>} : memref<128x128xf32, #tpu.memory_space<vmem>>, vector<1x16xf32>,
      %get3A_802 = vector.shape_cast %get3A_801 : vector<1x16xf32> to vector<16xf32>
      %get3A_803 = arith.constant 0 : i32
      %get3A_804 = arith.constant 0 : i32
      %get3A_805 = tpu.memref_slice %arg13[%scan3A_564, %get3A_803, %get3A_804] : memref<6x128x128xf32, #tpu.memory_space<vmem>> -> memref<1x128x128xf32, #tpu.memory_space<vmem>>
      %get3A_806 = tpu.memref_squeeze %get3A_805 : memref<1x128x128xf32, #tpu.memory_space<vmem>> -> memref<128x128xf32, #tpu.memory_space<vmem>>
      %get3A_807 = arith.index_cast %scan3A_692 : i32 to index
      %get3A_808 = arith.constant 64 : index
      %get3A_809 = tpu.vector_load %get3A_806[%get3A_807, %get3A_808] {strides = array<i32>} : memref<128x128xf32, #tpu.memory_space<vmem>>, vector<1x16xf32>,
      %get3A_810 = vector.shape_cast %get3A_809 : vector<1x16xf32> to vector<16xf32>
      %add3A_811 = arith.addf %get3A_802, %get3A_810 : vector<16xf32>
      %swap3A_812 = arith.constant 0 : i32
      %swap3A_813 = arith.constant 0 : i32
      %swap3A_814 = tpu.memref_slice %arg13[%scan3A_563, %swap3A_812, %swap3A_813] : memref<6x128x128xf32, #tpu.memory_space<vmem>> -> memref<1x128x128xf32, #tpu.memory_space<vmem>>
      %swap3A_815 = tpu.memref_squeeze %swap3A_814 : memref<1x128x128xf32, #tpu.memory_space<vmem>> -> memref<128x128xf32, #tpu.memory_space<vmem>>
      %swap3A_816 = arith.index_cast %scan3A_692 : i32 to index
      %swap3A_817 = arith.constant 64 : index
      %swap3A_818 = tpu.vector_load %swap3A_815[%swap3A_816, %swap3A_817] {strides = array<i32>} : memref<128x128xf32, #tpu.memory_space<vmem>>, vector<1x16xf32>,
      %swap3A_819 = vector.shape_cast %swap3A_818 : vector<1x16xf32> to vector<16xf32>
      %swap3A_820 = vector.shape_cast %add3A_811 : vector<16xf32> to vector<1x16xf32>
      tpu.vector_store %swap3A_815[%swap3A_816, %swap3A_817], %swap3A_820 {strides = array<i32>} : memref<128x128xf32, #tpu.memory_space<vmem>>, vector<1x16xf32>,
      %get3A_821 = arith.constant 0 : i32
      %get3A_822 = arith.constant 0 : i32
      %get3A_823 = tpu.memref_slice %arg13[%scan3A_563, %get3A_821, %get3A_822] : memref<6x128x128xf32, #tpu.memory_space<vmem>> -> memref<1x128x128xf32, #tpu.memory_space<vmem>>
      %get3A_824 = tpu.memref_squeeze %get3A_823 : memref<1x128x128xf32, #tpu.memory_space<vmem>> -> memref<128x128xf32, #tpu.memory_space<vmem>>
      %get3A_825 = arith.index_cast %scan3A_692 : i32 to index
      %get3A_826 = arith.constant 80 : index
      %get3A_827 = tpu.vector_load %get3A_824[%get3A_825, %get3A_826] {strides = array<i32>} : memref<128x128xf32, #tpu.memory_space<vmem>>, vector<1x16xf32>,
      %get3A_828 = vector.shape_cast %get3A_827 : vector<1x16xf32> to vector<16xf32>
      %get3A_829 = arith.constant 0 : i32
      %get3A_830 = arith.constant 0 : i32
      %get3A_831 = tpu.memref_slice %arg13[%scan3A_564, %get3A_829, %get3A_830] : memref<6x128x128xf32, #tpu.memory_space<vmem>> -> memref<1x128x128xf32, #tpu.memory_space<vmem>>
      %get3A_832 = tpu.memref_squeeze %get3A_831 : memref<1x128x128xf32, #tpu.memory_space<vmem>> -> memref<128x128xf32, #tpu.memory_space<vmem>>
      %get3A_833 = arith.index_cast %scan3A_692 : i32 to index
      %get3A_834 = arith.constant 80 : index
      %get3A_835 = tpu.vector_load %get3A_832[%get3A_833, %get3A_834] {strides = array<i32>} : memref<128x128xf32, #tpu.memory_space<vmem>>, vector<1x16xf32>,
      %get3A_836 = vector.shape_cast %get3A_835 : vector<1x16xf32> to vector<16xf32>
      %add3A_837 = arith.addf %get3A_828, %get3A_836 : vector<16xf32>
      %swap3A_838 = arith.constant 0 : i32
      %swap3A_839 = arith.constant 0 : i32
      %swap3A_840 = tpu.memref_slice %arg13[%scan3A_563, %swap3A_838, %swap3A_839] : memref<6x128x128xf32, #tpu.memory_space<vmem>> -> memref<1x128x128xf32, #tpu.memory_space<vmem>>
      %swap3A_841 = tpu.memref_squeeze %swap3A_840 : memref<1x128x128xf32, #tpu.memory_space<vmem>> -> memref<128x128xf32, #tpu.memory_space<vmem>>
      %swap3A_842 = arith.index_cast %scan3A_692 : i32 to index
      %swap3A_843 = arith.constant 80 : index
      %swap3A_844 = tpu.vector_load %swap3A_841[%swap3A_842, %swap3A_843] {strides = array<i32>} : memref<128x128xf32, #tpu.memory_space<vmem>>, vector<1x16xf32>,
      %swap3A_845 = vector.shape_cast %swap3A_844 : vector<1x16xf32> to vector<16xf32>
      %swap3A_846 = vector.shape_cast %add3A_837 : vector<16xf32> to vector<1x16xf32>
      tpu.vector_store %swap3A_841[%swap3A_842, %swap3A_843], %swap3A_846 {strides = array<i32>} : memref<128x128xf32, #tpu.memory_space<vmem>>, vector<1x16xf32>,
      %get3A_847 = arith.constant 0 : i32
      %get3A_848 = arith.constant 0 : i32
      %get3A_849 = tpu.memref_slice %arg13[%scan3A_563, %get3A_847, %get3A_848] : memref<6x128x128xf32, #tpu.memory_space<vmem>> -> memref<1x128x128xf32, #tpu.memory_space<vmem>>
      %get3A_850 = tpu.memref_squeeze %get3A_849 : memref<1x128x128xf32, #tpu.memory_space<vmem>> -> memref<128x128xf32, #tpu.memory_space<vmem>>
      %get3A_851 = arith.index_cast %scan3A_692 : i32 to index
      %get3A_852 = arith.constant 96 : index
      %get3A_853 = tpu.vector_load %get3A_850[%get3A_851, %get3A_852] {strides = array<i32>} : memref<128x128xf32, #tpu.memory_space<vmem>>, vector<1x16xf32>,
      %get3A_854 = vector.shape_cast %get3A_853 : vector<1x16xf32> to vector<16xf32>
      %get3A_855 = arith.constant 0 : i32
      %get3A_856 = arith.constant 0 : i32
      %get3A_857 = tpu.memref_slice %arg13[%scan3A_564, %get3A_855, %get3A_856] : memref<6x128x128xf32, #tpu.memory_space<vmem>> -> memref<1x128x128xf32, #tpu.memory_space<vmem>>
      %get3A_858 = tpu.memref_squeeze %get3A_857 : memref<1x128x128xf32, #tpu.memory_space<vmem>> -> memref<128x128xf32, #tpu.memory_space<vmem>>
      %get3A_859 = arith.index_cast %scan3A_692 : i32 to index
      %get3A_860 = arith.constant 96 : index
      %get3A_861 = tpu.vector_load %get3A_858[%get3A_859, %get3A_860] {strides = array<i32>} : memref<128x128xf32, #tpu.memory_space<vmem>>, vector<1x16xf32>,
      %get3A_862 = vector.shape_cast %get3A_861 : vector<1x16xf32> to vector<16xf32>
      %add3A_863 = arith.addf %get3A_854, %get3A_862 : vector<16xf32>
      %swap3A_864 = arith.constant 0 : i32
      %swap3A_865 = arith.constant 0 : i32
      %swap3A_866 = tpu.memref_slice %arg13[%scan3A_563, %swap3A_864, %swap3A_865] : memref<6x128x128xf32, #tpu.memory_space<vmem>> -> memref<1x128x128xf32, #tpu.memory_space<vmem>>
      %swap3A_867 = tpu.memref_squeeze %swap3A_866 : memref<1x128x128xf32, #tpu.memory_space<vmem>> -> memref<128x128xf32, #tpu.memory_space<vmem>>
      %swap3A_868 = arith.index_cast %scan3A_692 : i32 to index
      %swap3A_869 = arith.constant 96 : index
      %swap3A_870 = tpu.vector_load %swap3A_867[%swap3A_868, %swap3A_869] {strides = array<i32>} : memref<128x128xf32, #tpu.memory_space<vmem>>, vector<1x16xf32>,
      %swap3A_871 = vector.shape_cast %swap3A_870 : vector<1x16xf32> to vector<16xf32>
      %swap3A_872 = vector.shape_cast %add3A_863 : vector<16xf32> to vector<1x16xf32>
      tpu.vector_store %swap3A_867[%swap3A_868, %swap3A_869], %swap3A_872 {strides = array<i32>} : memref<128x128xf32, #tpu.memory_space<vmem>>, vector<1x16xf32>,
      %get3A_873 = arith.constant 0 : i32
      %get3A_874 = arith.constant 0 : i32
      %get3A_875 = tpu.memref_slice %arg13[%scan3A_563, %get3A_873, %get3A_874] : memref<6x128x128xf32, #tpu.memory_space<vmem>> -> memref<1x128x128xf32, #tpu.memory_space<vmem>>
      %get3A_876 = tpu.memref_squeeze %get3A_875 : memref<1x128x128xf32, #tpu.memory_space<vmem>> -> memref<128x128xf32, #tpu.memory_space<vmem>>
      %get3A_877 = arith.index_cast %scan3A_692 : i32 to index
      %get3A_878 = arith.constant 112 : index
      %get3A_879 = tpu.vector_load %get3A_876[%get3A_877, %get3A_878] {strides = array<i32>} : memref<128x128xf32, #tpu.memory_space<vmem>>, vector<1x16xf32>,
      %get3A_880 = vector.shape_cast %get3A_879 : vector<1x16xf32> to vector<16xf32>
      %get3A_881 = arith.constant 0 : i32
      %get3A_882 = arith.constant 0 : i32
      %get3A_883 = tpu.memref_slice %arg13[%scan3A_564, %get3A_881, %get3A_882] : memref<6x128x128xf32, #tpu.memory_space<vmem>> -> memref<1x128x128xf32, #tpu.memory_space<vmem>>
      %get3A_884 = tpu.memref_squeeze %get3A_883 : memref<1x128x128xf32, #tpu.memory_space<vmem>> -> memref<128x128xf32, #tpu.memory_space<vmem>>
      %get3A_885 = arith.index_cast %scan3A_692 : i32 to index
      %get3A_886 = arith.constant 112 : index
      %get3A_887 = tpu.vector_load %get3A_884[%get3A_885, %get3A_886] {strides = array<i32>} : memref<128x128xf32, #tpu.memory_space<vmem>>, vector<1x16xf32>,
      %get3A_888 = vector.shape_cast %get3A_887 : vector<1x16xf32> to vector<16xf32>
      %add3A_889 = arith.addf %get3A_880, %get3A_888 : vector<16xf32>
      %swap3A_890 = arith.constant 0 : i32
      %swap3A_891 = arith.constant 0 : i32
      %swap3A_892 = tpu.memref_slice %arg13[%scan3A_563, %swap3A_890, %swap3A_891] : memref<6x128x128xf32, #tpu.memory_space<vmem>> -> memref<1x128x128xf32, #tpu.memory_space<vmem>>
      %swap3A_893 = tpu.memref_squeeze %swap3A_892 : memref<1x128x128xf32, #tpu.memory_space<vmem>> -> memref<128x128xf32, #tpu.memory_space<vmem>>
      %swap3A_894 = arith.index_cast %scan3A_692 : i32 to index
      %swap3A_895 = arith.constant 112 : index
      %swap3A_896 = tpu.vector_load %swap3A_893[%swap3A_894, %swap3A_895] {strides = array<i32>} : memref<128x128xf32, #tpu.memory_space<vmem>>, vector<1x16xf32>,
      %swap3A_897 = vector.shape_cast %swap3A_896 : vector<1x16xf32> to vector<16xf32>
      %swap3A_898 = vector.shape_cast %add3A_889 : vector<16xf32> to vector<1x16xf32>
      tpu.vector_store %swap3A_893[%swap3A_894, %swap3A_895], %swap3A_898 {strides = array<i32>} : memref<128x128xf32, #tpu.memory_space<vmem>>, vector<1x16xf32>,
    }
    %scan3A_569 = arith.constant 128 : i32
    %add3A_570 = arith.constant 256 : i32
    %add3A_571 = arith.addi %mul3A_2, %add3A_570 : i32
    %dma_start3A_572 = arith.constant 4 : i32
    %dma_start3A_573 = arith.constant 4 : i32
    %dma_start3A_574 = arith.constant 0 : i32
    %dma_start3A_575 = arith.constant 0 : i32
    %dma_start3A_576 = tpu.memref_slice %arg13[%dma_start3A_572, %dma_start3A_574, %dma_start3A_575] : memref<6x128x128xf32, #tpu.memory_space<vmem>> -> memref<1x128x128xf32, #tpu.memory_space<vmem>>
    %dma_start3A_577 = tpu.memref_squeeze %dma_start3A_576 : memref<1x128x128xf32, #tpu.memory_space<vmem>> -> memref<128x128xf32, #tpu.memory_space<vmem>>
    %dma_start3A_578 = arith.constant 0 : i32
    %dma_start3A_579 = tpu.memref_slice %arg9[%add3A_571, %dma_start3A_578] : memref<16384x128xf32, #tpu.memory_space<hbm>> -> memref<128x128xf32, #tpu.memory_space<hbm>>
    %dma_start3A_580 = tpu.memref_slice %arg17[%dma_start3A_573] : memref<6x!tpu.dma_semaphore, #tpu.memory_space<semaphore_mem>> -> memref<1x!tpu.dma_semaphore, #tpu.memory_space<semaphore_mem>>
    %dma_start3A_581 = tpu.memref_squeeze %dma_start3A_580 : memref<1x!tpu.dma_semaphore, #tpu.memory_space<semaphore_mem>> -> memref<!tpu.dma_semaphore, #tpu.memory_space<semaphore_mem>>
    %dma_start3A_582 = arith.constant 0 : i32
    %dma_start3A_583 = tpu.memref_slice %arg9[%add3A_571, %dma_start3A_582] : memref<16384x128xf32, #tpu.memory_space<hbm>> -> memref<128x128xf32, #tpu.memory_space<hbm>>
    %dma_start3A_584 = arith.constant 0 : i32
    %dma_start3A_585 = arith.constant 0 : i32
    %dma_start3A_586 = tpu.memref_slice %arg13[%dma_start3A_572, %dma_start3A_584, %dma_start3A_585] : memref<6x128x128xf32, #tpu.memory_space<vmem>> -> memref<1x128x128xf32, #tpu.memory_space<vmem>>
    %dma_start3A_587 = tpu.memref_squeeze %dma_start3A_586 : memref<1x128x128xf32, #tpu.memory_space<vmem>> -> memref<128x128xf32, #tpu.memory_space<vmem>>
    tpu.enqueue_dma source(%dma_start3A_587 : memref<128x128xf32, #tpu.memory_space<vmem>>) target(%dma_start3A_583 : memref<128x128xf32, #tpu.memory_space<hbm>>) target_semaphore(%dma_start3A_581 : memref<!tpu.dma_semaphore, #tpu.memory_space<semaphore_mem>>)
    %dma_wait3A_588 = arith.constant 3 : i32
    %dma_wait3A_589 = arith.constant 0 : i32
    %dma_wait3A_590 = arith.constant 0 : i32
    %dma_wait3A_591 = arith.constant 0 : i32
    %dma_wait3A_592 = arith.constant 0 : i32
    %dma_wait3A_593 = tpu.memref_slice %arg13[%dma_wait3A_589, %dma_wait3A_591, %dma_wait3A_592] : memref<6x128x128xf32, #tpu.memory_space<vmem>> -> memref<1x128x128xf32, #tpu.memory_space<vmem>>
    %dma_wait3A_594 = tpu.memref_squeeze %dma_wait3A_593 : memref<1x128x128xf32, #tpu.memory_space<vmem>> -> memref<128x128xf32, #tpu.memory_space<vmem>>
    %dma_wait3A_595 = arith.constant 0 : i32
    %dma_wait3A_596 = tpu.memref_slice %arg11[%dma_wait3A_588, %dma_wait3A_595] : memref<4x128xi32, #tpu.memory_space<vmem>> -> memref<1x128xi32, #tpu.memory_space<vmem>>
    %dma_wait3A_597 = tpu.memref_squeeze %dma_wait3A_596 : memref<1x128xi32, #tpu.memory_space<vmem>> -> memref<128xi32, #tpu.memory_space<vmem>>
    %dma_wait3A_598 = arith.constant 0 : i32
    %dma_wait3A_599 = arith.constant 0 : i32
    %dma_wait3A_600 = tpu.memref_slice %arg14[%dma_wait3A_598, %dma_wait3A_599] : memref<1000x128xf32, #tpu.memory_space<vmem_shared>> -> memref<1000x128xf32, #tpu.memory_space<vmem_shared>>
    %dma_wait3A_601 = tpu.memref_slice %arg16[%dma_wait3A_590] : memref<6x!tpu.dma_semaphore, #tpu.memory_space<semaphore_mem>> -> memref<1x!tpu.dma_semaphore, #tpu.memory_space<semaphore_mem>>
    %dma_wait3A_602 = tpu.memref_squeeze %dma_wait3A_601 : memref<1x!tpu.dma_semaphore, #tpu.memory_space<semaphore_mem>> -> memref<!tpu.dma_semaphore, #tpu.memory_space<semaphore_mem>>
    tpu.wait_indirect_dma semaphore(%dma_wait3A_602 : memref<!tpu.dma_semaphore, #tpu.memory_space<semaphore_mem>>) src(%dma_wait3A_600 : memref<1000x128xf32, #tpu.memory_space<vmem_shared>>) dst(%dma_wait3A_594 : memref<128x128xf32, #tpu.memory_space<vmem>>)
    %dma_wait3A_603 = arith.constant 3 : i32
    %dma_wait3A_604 = arith.constant 1 : i32
    %dma_wait3A_605 = arith.constant 1 : i32
    %dma_wait3A_606 = arith.constant 0 : i32
    %dma_wait3A_607 = arith.constant 0 : i32
    %dma_wait3A_608 = tpu.memref_slice %arg13[%dma_wait3A_604, %dma_wait3A_606, %dma_wait3A_607] : memref<6x128x128xf32, #tpu.memory_space<vmem>> -> memref<1x128x128xf32, #tpu.memory_space<vmem>>
    %dma_wait3A_609 = tpu.memref_squeeze %dma_wait3A_608 : memref<1x128x128xf32, #tpu.memory_space<vmem>> -> memref<128x128xf32, #tpu.memory_space<vmem>>
    %dma_wait3A_610 = arith.constant 0 : i32
    %dma_wait3A_611 = tpu.memref_slice %arg12[%dma_wait3A_603, %dma_wait3A_610] : memref<4x128xi32, #tpu.memory_space<vmem>> -> memref<1x128xi32, #tpu.memory_space<vmem>>
    %dma_wait3A_612 = tpu.memref_squeeze %dma_wait3A_611 : memref<1x128xi32, #tpu.memory_space<vmem>> -> memref<128xi32, #tpu.memory_space<vmem>>
    %dma_wait3A_613 = arith.constant 0 : i32
    %dma_wait3A_614 = arith.constant 0 : i32
    %dma_wait3A_615 = tpu.memref_slice %arg15[%dma_wait3A_613, %dma_wait3A_614] : memref<1000x128xf32, #tpu.memory_space<vmem_shared>> -> memref<1000x128xf32, #tpu.memory_space<vmem_shared>>
    %dma_wait3A_616 = tpu.memref_slice %arg16[%dma_wait3A_605] : memref<6x!tpu.dma_semaphore, #tpu.memory_space<semaphore_mem>> -> memref<1x!tpu.dma_semaphore, #tpu.memory_space<semaphore_mem>>
    %dma_wait3A_617 = tpu.memref_squeeze %dma_wait3A_616 : memref<1x!tpu.dma_semaphore, #tpu.memory_space<semaphore_mem>> -> memref<!tpu.dma_semaphore, #tpu.memory_space<semaphore_mem>>
    tpu.wait_indirect_dma semaphore(%dma_wait3A_617 : memref<!tpu.dma_semaphore, #tpu.memory_space<semaphore_mem>>) src(%dma_wait3A_615 : memref<1000x128xf32, #tpu.memory_space<vmem_shared>>) dst(%dma_wait3A_609 : memref<128x128xf32, #tpu.memory_space<vmem>>)
    %scan3A_618 = arith.constant 0 : i32
    %scan3A_619 = arith.constant 0 : i32
    %scan3A_620 = arith.constant 1 : i32
    %scan3A_621 = arith.constant 0 : i32
    %scan3A_622 = arith.constant 128 : i32
    %scan3A_623 = arith.addi %scan3A_621, %scan3A_622 : i32
    %scan3A_624 = arith.constant 1 : i32
    scf.for %scan3A_692 = %scan3A_621 to %scan3A_623 step %scan3A_624  : i32 {
      %get3A = arith.constant 0 : i32
      %get3A_693 = arith.constant 0 : i32
      %get3A_694 = tpu.memref_slice %arg13[%scan3A_619, %get3A, %get3A_693] : memref<6x128x128xf32, #tpu.memory_space<vmem>> -> memref<1x128x128xf32, #tpu.memory_space<vmem>>
      %get3A_695 = tpu.memref_squeeze %get3A_694 : memref<1x128x128xf32, #tpu.memory_space<vmem>> -> memref<128x128xf32, #tpu.memory_space<vmem>>
      %get3A_696 = arith.index_cast %scan3A_692 : i32 to index
      %get3A_697 = arith.constant 0 : index
      %get3A_698 = tpu.vector_load %get3A_695[%get3A_696, %get3A_697] {strides = array<i32>} : memref<128x128xf32, #tpu.memory_space<vmem>>, vector<1x16xf32>,
      %get3A_699 = vector.shape_cast %get3A_698 : vector<1x16xf32> to vector<16xf32>
      %get3A_700 = arith.constant 0 : i32
      %get3A_701 = arith.constant 0 : i32
      %get3A_702 = tpu.memref_slice %arg13[%scan3A_620, %get3A_700, %get3A_701] : memref<6x128x128xf32, #tpu.memory_space<vmem>> -> memref<1x128x128xf32, #tpu.memory_space<vmem>>
      %get3A_703 = tpu.memref_squeeze %get3A_702 : memref<1x128x128xf32, #tpu.memory_space<vmem>> -> memref<128x128xf32, #tpu.memory_space<vmem>>
      %get3A_704 = arith.index_cast %scan3A_692 : i32 to index
      %get3A_705 = arith.constant 0 : index
      %get3A_706 = tpu.vector_load %get3A_703[%get3A_704, %get3A_705] {strides = array<i32>} : memref<128x128xf32, #tpu.memory_space<vmem>>, vector<1x16xf32>,
      %get3A_707 = vector.shape_cast %get3A_706 : vector<1x16xf32> to vector<16xf32>
      %add3A_708 = arith.addf %get3A_699, %get3A_707 : vector<16xf32>
      %swap3A = arith.constant 0 : i32
      %swap3A_709 = arith.constant 0 : i32
      %swap3A_710 = tpu.memref_slice %arg13[%scan3A_619, %swap3A, %swap3A_709] : memref<6x128x128xf32, #tpu.memory_space<vmem>> -> memref<1x128x128xf32, #tpu.memory_space<vmem>>
      %swap3A_711 = tpu.memref_squeeze %swap3A_710 : memref<1x128x128xf32, #tpu.memory_space<vmem>> -> memref<128x128xf32, #tpu.memory_space<vmem>>
      %swap3A_712 = arith.index_cast %scan3A_692 : i32 to index
      %swap3A_713 = arith.constant 0 : index
      %swap3A_714 = tpu.vector_load %swap3A_711[%swap3A_712, %swap3A_713] {strides = array<i32>} : memref<128x128xf32, #tpu.memory_space<vmem>>, vector<1x16xf32>,
      %swap3A_715 = vector.shape_cast %swap3A_714 : vector<1x16xf32> to vector<16xf32>
      %swap3A_716 = vector.shape_cast %add3A_708 : vector<16xf32> to vector<1x16xf32>
      tpu.vector_store %swap3A_711[%swap3A_712, %swap3A_713], %swap3A_716 {strides = array<i32>} : memref<128x128xf32, #tpu.memory_space<vmem>>, vector<1x16xf32>,
      %get3A_717 = arith.constant 0 : i32
      %get3A_718 = arith.constant 0 : i32
      %get3A_719 = tpu.memref_slice %arg13[%scan3A_619, %get3A_717, %get3A_718] : memref<6x128x128xf32, #tpu.memory_space<vmem>> -> memref<1x128x128xf32, #tpu.memory_space<vmem>>
      %get3A_720 = tpu.memref_squeeze %get3A_719 : memref<1x128x128xf32, #tpu.memory_space<vmem>> -> memref<128x128xf32, #tpu.memory_space<vmem>>
      %get3A_721 = arith.index_cast %scan3A_692 : i32 to index
      %get3A_722 = arith.constant 16 : index
      %get3A_723 = tpu.vector_load %get3A_720[%get3A_721, %get3A_722] {strides = array<i32>} : memref<128x128xf32, #tpu.memory_space<vmem>>, vector<1x16xf32>,
      %get3A_724 = vector.shape_cast %get3A_723 : vector<1x16xf32> to vector<16xf32>
      %get3A_725 = arith.constant 0 : i32
      %get3A_726 = arith.constant 0 : i32
      %get3A_727 = tpu.memref_slice %arg13[%scan3A_620, %get3A_725, %get3A_726] : memref<6x128x128xf32, #tpu.memory_space<vmem>> -> memref<1x128x128xf32, #tpu.memory_space<vmem>>
      %get3A_728 = tpu.memref_squeeze %get3A_727 : memref<1x128x128xf32, #tpu.memory_space<vmem>> -> memref<128x128xf32, #tpu.memory_space<vmem>>
      %get3A_729 = arith.index_cast %scan3A_692 : i32 to index
      %get3A_730 = arith.constant 16 : index
      %get3A_731 = tpu.vector_load %get3A_728[%get3A_729, %get3A_730] {strides = array<i32>} : memref<128x128xf32, #tpu.memory_space<vmem>>, vector<1x16xf32>,
      %get3A_732 = vector.shape_cast %get3A_731 : vector<1x16xf32> to vector<16xf32>
      %add3A_733 = arith.addf %get3A_724, %get3A_732 : vector<16xf32>
      %swap3A_734 = arith.constant 0 : i32
      %swap3A_735 = arith.constant 0 : i32
      %swap3A_736 = tpu.memref_slice %arg13[%scan3A_619, %swap3A_734, %swap3A_735] : memref<6x128x128xf32, #tpu.memory_space<vmem>> -> memref<1x128x128xf32, #tpu.memory_space<vmem>>
      %swap3A_737 = tpu.memref_squeeze %swap3A_736 : memref<1x128x128xf32, #tpu.memory_space<vmem>> -> memref<128x128xf32, #tpu.memory_space<vmem>>
      %swap3A_738 = arith.index_cast %scan3A_692 : i32 to index
      %swap3A_739 = arith.constant 16 : index
      %swap3A_740 = tpu.vector_load %swap3A_737[%swap3A_738, %swap3A_739] {strides = array<i32>} : memref<128x128xf32, #tpu.memory_space<vmem>>, vector<1x16xf32>,
      %swap3A_741 = vector.shape_cast %swap3A_740 : vector<1x16xf32> to vector<16xf32>
      %swap3A_742 = vector.shape_cast %add3A_733 : vector<16xf32> to vector<1x16xf32>
      tpu.vector_store %swap3A_737[%swap3A_738, %swap3A_739], %swap3A_742 {strides = array<i32>} : memref<128x128xf32, #tpu.memory_space<vmem>>, vector<1x16xf32>,
      %get3A_743 = arith.constant 0 : i32
      %get3A_744 = arith.constant 0 : i32
      %get3A_745 = tpu.memref_slice %arg13[%scan3A_619, %get3A_743, %get3A_744] : memref<6x128x128xf32, #tpu.memory_space<vmem>> -> memref<1x128x128xf32, #tpu.memory_space<vmem>>
      %get3A_746 = tpu.memref_squeeze %get3A_745 : memref<1x128x128xf32, #tpu.memory_space<vmem>> -> memref<128x128xf32, #tpu.memory_space<vmem>>
      %get3A_747 = arith.index_cast %scan3A_692 : i32 to index
      %get3A_748 = arith.constant 32 : index
      %get3A_749 = tpu.vector_load %get3A_746[%get3A_747, %get3A_748] {strides = array<i32>} : memref<128x128xf32, #tpu.memory_space<vmem>>, vector<1x16xf32>,
      %get3A_750 = vector.shape_cast %get3A_749 : vector<1x16xf32> to vector<16xf32>
      %get3A_751 = arith.constant 0 : i32
      %get3A_752 = arith.constant 0 : i32
      %get3A_753 = tpu.memref_slice %arg13[%scan3A_620, %get3A_751, %get3A_752] : memref<6x128x128xf32, #tpu.memory_space<vmem>> -> memref<1x128x128xf32, #tpu.memory_space<vmem>>
      %get3A_754 = tpu.memref_squeeze %get3A_753 : memref<1x128x128xf32, #tpu.memory_space<vmem>> -> memref<128x128xf32, #tpu.memory_space<vmem>>
      %get3A_755 = arith.index_cast %scan3A_692 : i32 to index
      %get3A_756 = arith.constant 32 : index
      %get3A_757 = tpu.vector_load %get3A_754[%get3A_755, %get3A_756] {strides = array<i32>} : memref<128x128xf32, #tpu.memory_space<vmem>>, vector<1x16xf32>,
      %get3A_758 = vector.shape_cast %get3A_757 : vector<1x16xf32> to vector<16xf32>
      %add3A_759 = arith.addf %get3A_750, %get3A_758 : vector<16xf32>
      %swap3A_760 = arith.constant 0 : i32
      %swap3A_761 = arith.constant 0 : i32
      %swap3A_762 = tpu.memref_slice %arg13[%scan3A_619, %swap3A_760, %swap3A_761] : memref<6x128x128xf32, #tpu.memory_space<vmem>> -> memref<1x128x128xf32, #tpu.memory_space<vmem>>
      %swap3A_763 = tpu.memref_squeeze %swap3A_762 : memref<1x128x128xf32, #tpu.memory_space<vmem>> -> memref<128x128xf32, #tpu.memory_space<vmem>>
      %swap3A_764 = arith.index_cast %scan3A_692 : i32 to index
      %swap3A_765 = arith.constant 32 : index
      %swap3A_766 = tpu.vector_load %swap3A_763[%swap3A_764, %swap3A_765] {strides = array<i32>} : memref<128x128xf32, #tpu.memory_space<vmem>>, vector<1x16xf32>,
      %swap3A_767 = vector.shape_cast %swap3A_766 : vector<1x16xf32> to vector<16xf32>
      %swap3A_768 = vector.shape_cast %add3A_759 : vector<16xf32> to vector<1x16xf32>
      tpu.vector_store %swap3A_763[%swap3A_764, %swap3A_765], %swap3A_768 {strides = array<i32>} : memref<128x128xf32, #tpu.memory_space<vmem>>, vector<1x16xf32>,
      %get3A_769 = arith.constant 0 : i32
      %get3A_770 = arith.constant 0 : i32
      %get3A_771 = tpu.memref_slice %arg13[%scan3A_619, %get3A_769, %get3A_770] : memref<6x128x128xf32, #tpu.memory_space<vmem>> -> memref<1x128x128xf32, #tpu.memory_space<vmem>>
      %get3A_772 = tpu.memref_squeeze %get3A_771 : memref<1x128x128xf32, #tpu.memory_space<vmem>> -> memref<128x128xf32, #tpu.memory_space<vmem>>
      %get3A_773 = arith.index_cast %scan3A_692 : i32 to index
      %get3A_774 = arith.constant 48 : index
      %get3A_775 = tpu.vector_load %get3A_772[%get3A_773, %get3A_774] {strides = array<i32>} : memref<128x128xf32, #tpu.memory_space<vmem>>, vector<1x16xf32>,
      %get3A_776 = vector.shape_cast %get3A_775 : vector<1x16xf32> to vector<16xf32>
      %get3A_777 = arith.constant 0 : i32
      %get3A_778 = arith.constant 0 : i32
      %get3A_779 = tpu.memref_slice %arg13[%scan3A_620, %get3A_777, %get3A_778] : memref<6x128x128xf32, #tpu.memory_space<vmem>> -> memref<1x128x128xf32, #tpu.memory_space<vmem>>
      %get3A_780 = tpu.memref_squeeze %get3A_779 : memref<1x128x128xf32, #tpu.memory_space<vmem>> -> memref<128x128xf32, #tpu.memory_space<vmem>>
      %get3A_781 = arith.index_cast %scan3A_692 : i32 to index
      %get3A_782 = arith.constant 48 : index
      %get3A_783 = tpu.vector_load %get3A_780[%get3A_781, %get3A_782] {strides = array<i32>} : memref<128x128xf32, #tpu.memory_space<vmem>>, vector<1x16xf32>,
      %get3A_784 = vector.shape_cast %get3A_783 : vector<1x16xf32> to vector<16xf32>
      %add3A_785 = arith.addf %get3A_776, %get3A_784 : vector<16xf32>
      %swap3A_786 = arith.constant 0 : i32
      %swap3A_787 = arith.constant 0 : i32
      %swap3A_788 = tpu.memref_slice %arg13[%scan3A_619, %swap3A_786, %swap3A_787] : memref<6x128x128xf32, #tpu.memory_space<vmem>> -> memref<1x128x128xf32, #tpu.memory_space<vmem>>
      %swap3A_789 = tpu.memref_squeeze %swap3A_788 : memref<1x128x128xf32, #tpu.memory_space<vmem>> -> memref<128x128xf32, #tpu.memory_space<vmem>>
      %swap3A_790 = arith.index_cast %scan3A_692 : i32 to index
      %swap3A_791 = arith.constant 48 : index
      %swap3A_792 = tpu.vector_load %swap3A_789[%swap3A_790, %swap3A_791] {strides = array<i32>} : memref<128x128xf32, #tpu.memory_space<vmem>>, vector<1x16xf32>,
      %swap3A_793 = vector.shape_cast %swap3A_792 : vector<1x16xf32> to vector<16xf32>
      %swap3A_794 = vector.shape_cast %add3A_785 : vector<16xf32> to vector<1x16xf32>
      tpu.vector_store %swap3A_789[%swap3A_790, %swap3A_791], %swap3A_794 {strides = array<i32>} : memref<128x128xf32, #tpu.memory_space<vmem>>, vector<1x16xf32>,
      %get3A_795 = arith.constant 0 : i32
      %get3A_796 = arith.constant 0 : i32
      %get3A_797 = tpu.memref_slice %arg13[%scan3A_619, %get3A_795, %get3A_796] : memref<6x128x128xf32, #tpu.memory_space<vmem>> -> memref<1x128x128xf32, #tpu.memory_space<vmem>>
      %get3A_798 = tpu.memref_squeeze %get3A_797 : memref<1x128x128xf32, #tpu.memory_space<vmem>> -> memref<128x128xf32, #tpu.memory_space<vmem>>
      %get3A_799 = arith.index_cast %scan3A_692 : i32 to index
      %get3A_800 = arith.constant 64 : index
      %get3A_801 = tpu.vector_load %get3A_798[%get3A_799, %get3A_800] {strides = array<i32>} : memref<128x128xf32, #tpu.memory_space<vmem>>, vector<1x16xf32>,
      %get3A_802 = vector.shape_cast %get3A_801 : vector<1x16xf32> to vector<16xf32>
      %get3A_803 = arith.constant 0 : i32
      %get3A_804 = arith.constant 0 : i32
      %get3A_805 = tpu.memref_slice %arg13[%scan3A_620, %get3A_803, %get3A_804] : memref<6x128x128xf32, #tpu.memory_space<vmem>> -> memref<1x128x128xf32, #tpu.memory_space<vmem>>
      %get3A_806 = tpu.memref_squeeze %get3A_805 : memref<1x128x128xf32, #tpu.memory_space<vmem>> -> memref<128x128xf32, #tpu.memory_space<vmem>>
      %get3A_807 = arith.index_cast %scan3A_692 : i32 to index
      %get3A_808 = arith.constant 64 : index
      %get3A_809 = tpu.vector_load %get3A_806[%get3A_807, %get3A_808] {strides = array<i32>} : memref<128x128xf32, #tpu.memory_space<vmem>>, vector<1x16xf32>,
      %get3A_810 = vector.shape_cast %get3A_809 : vector<1x16xf32> to vector<16xf32>
      %add3A_811 = arith.addf %get3A_802, %get3A_810 : vector<16xf32>
      %swap3A_812 = arith.constant 0 : i32
      %swap3A_813 = arith.constant 0 : i32
      %swap3A_814 = tpu.memref_slice %arg13[%scan3A_619, %swap3A_812, %swap3A_813] : memref<6x128x128xf32, #tpu.memory_space<vmem>> -> memref<1x128x128xf32, #tpu.memory_space<vmem>>
      %swap3A_815 = tpu.memref_squeeze %swap3A_814 : memref<1x128x128xf32, #tpu.memory_space<vmem>> -> memref<128x128xf32, #tpu.memory_space<vmem>>
      %swap3A_816 = arith.index_cast %scan3A_692 : i32 to index
      %swap3A_817 = arith.constant 64 : index
      %swap3A_818 = tpu.vector_load %swap3A_815[%swap3A_816, %swap3A_817] {strides = array<i32>} : memref<128x128xf32, #tpu.memory_space<vmem>>, vector<1x16xf32>,
      %swap3A_819 = vector.shape_cast %swap3A_818 : vector<1x16xf32> to vector<16xf32>
      %swap3A_820 = vector.shape_cast %add3A_811 : vector<16xf32> to vector<1x16xf32>
      tpu.vector_store %swap3A_815[%swap3A_816, %swap3A_817], %swap3A_820 {strides = array<i32>} : memref<128x128xf32, #tpu.memory_space<vmem>>, vector<1x16xf32>,
      %get3A_821 = arith.constant 0 : i32
      %get3A_822 = arith.constant 0 : i32
      %get3A_823 = tpu.memref_slice %arg13[%scan3A_619, %get3A_821, %get3A_822] : memref<6x128x128xf32, #tpu.memory_space<vmem>> -> memref<1x128x128xf32, #tpu.memory_space<vmem>>
      %get3A_824 = tpu.memref_squeeze %get3A_823 : memref<1x128x128xf32, #tpu.memory_space<vmem>> -> memref<128x128xf32, #tpu.memory_space<vmem>>
      %get3A_825 = arith.index_cast %scan3A_692 : i32 to index
      %get3A_826 = arith.constant 80 : index
      %get3A_827 = tpu.vector_load %get3A_824[%get3A_825, %get3A_826] {strides = array<i32>} : memref<128x128xf32, #tpu.memory_space<vmem>>, vector<1x16xf32>,
      %get3A_828 = vector.shape_cast %get3A_827 : vector<1x16xf32> to vector<16xf32>
      %get3A_829 = arith.constant 0 : i32
      %get3A_830 = arith.constant 0 : i32
      %get3A_831 = tpu.memref_slice %arg13[%scan3A_620, %get3A_829, %get3A_830] : memref<6x128x128xf32, #tpu.memory_space<vmem>> -> memref<1x128x128xf32, #tpu.memory_space<vmem>>
      %get3A_832 = tpu.memref_squeeze %get3A_831 : memref<1x128x128xf32, #tpu.memory_space<vmem>> -> memref<128x128xf32, #tpu.memory_space<vmem>>
      %get3A_833 = arith.index_cast %scan3A_692 : i32 to index
      %get3A_834 = arith.constant 80 : index
      %get3A_835 = tpu.vector_load %get3A_832[%get3A_833, %get3A_834] {strides = array<i32>} : memref<128x128xf32, #tpu.memory_space<vmem>>, vector<1x16xf32>,
      %get3A_836 = vector.shape_cast %get3A_835 : vector<1x16xf32> to vector<16xf32>
      %add3A_837 = arith.addf %get3A_828, %get3A_836 : vector<16xf32>
      %swap3A_838 = arith.constant 0 : i32
      %swap3A_839 = arith.constant 0 : i32
      %swap3A_840 = tpu.memref_slice %arg13[%scan3A_619, %swap3A_838, %swap3A_839] : memref<6x128x128xf32, #tpu.memory_space<vmem>> -> memref<1x128x128xf32, #tpu.memory_space<vmem>>
      %swap3A_841 = tpu.memref_squeeze %swap3A_840 : memref<1x128x128xf32, #tpu.memory_space<vmem>> -> memref<128x128xf32, #tpu.memory_space<vmem>>
      %swap3A_842 = arith.index_cast %scan3A_692 : i32 to index
      %swap3A_843 = arith.constant 80 : index
      %swap3A_844 = tpu.vector_load %swap3A_841[%swap3A_842, %swap3A_843] {strides = array<i32>} : memref<128x128xf32, #tpu.memory_space<vmem>>, vector<1x16xf32>,
      %swap3A_845 = vector.shape_cast %swap3A_844 : vector<1x16xf32> to vector<16xf32>
      %swap3A_846 = vector.shape_cast %add3A_837 : vector<16xf32> to vector<1x16xf32>
      tpu.vector_store %swap3A_841[%swap3A_842, %swap3A_843], %swap3A_846 {strides = array<i32>} : memref<128x128xf32, #tpu.memory_space<vmem>>, vector<1x16xf32>,
      %get3A_847 = arith.constant 0 : i32
      %get3A_848 = arith.constant 0 : i32
      %get3A_849 = tpu.memref_slice %arg13[%scan3A_619, %get3A_847, %get3A_848] : memref<6x128x128xf32, #tpu.memory_space<vmem>> -> memref<1x128x128xf32, #tpu.memory_space<vmem>>
      %get3A_850 = tpu.memref_squeeze %get3A_849 : memref<1x128x128xf32, #tpu.memory_space<vmem>> -> memref<128x128xf32, #tpu.memory_space<vmem>>
      %get3A_851 = arith.index_cast %scan3A_692 : i32 to index
      %get3A_852 = arith.constant 96 : index
      %get3A_853 = tpu.vector_load %get3A_850[%get3A_851, %get3A_852] {strides = array<i32>} : memref<128x128xf32, #tpu.memory_space<vmem>>, vector<1x16xf32>,
      %get3A_854 = vector.shape_cast %get3A_853 : vector<1x16xf32> to vector<16xf32>
      %get3A_855 = arith.constant 0 : i32
      %get3A_856 = arith.constant 0 : i32
      %get3A_857 = tpu.memref_slice %arg13[%scan3A_620, %get3A_855, %get3A_856] : memref<6x128x128xf32, #tpu.memory_space<vmem>> -> memref<1x128x128xf32, #tpu.memory_space<vmem>>
      %get3A_858 = tpu.memref_squeeze %get3A_857 : memref<1x128x128xf32, #tpu.memory_space<vmem>> -> memref<128x128xf32, #tpu.memory_space<vmem>>
      %get3A_859 = arith.index_cast %scan3A_692 : i32 to index
      %get3A_860 = arith.constant 96 : index
      %get3A_861 = tpu.vector_load %get3A_858[%get3A_859, %get3A_860] {strides = array<i32>} : memref<128x128xf32, #tpu.memory_space<vmem>>, vector<1x16xf32>,
      %get3A_862 = vector.shape_cast %get3A_861 : vector<1x16xf32> to vector<16xf32>
      %add3A_863 = arith.addf %get3A_854, %get3A_862 : vector<16xf32>
      %swap3A_864 = arith.constant 0 : i32
      %swap3A_865 = arith.constant 0 : i32
      %swap3A_866 = tpu.memref_slice %arg13[%scan3A_619, %swap3A_864, %swap3A_865] : memref<6x128x128xf32, #tpu.memory_space<vmem>> -> memref<1x128x128xf32, #tpu.memory_space<vmem>>
      %swap3A_867 = tpu.memref_squeeze %swap3A_866 : memref<1x128x128xf32, #tpu.memory_space<vmem>> -> memref<128x128xf32, #tpu.memory_space<vmem>>
      %swap3A_868 = arith.index_cast %scan3A_692 : i32 to index
      %swap3A_869 = arith.constant 96 : index
      %swap3A_870 = tpu.vector_load %swap3A_867[%swap3A_868, %swap3A_869] {strides = array<i32>} : memref<128x128xf32, #tpu.memory_space<vmem>>, vector<1x16xf32>,
      %swap3A_871 = vector.shape_cast %swap3A_870 : vector<1x16xf32> to vector<16xf32>
      %swap3A_872 = vector.shape_cast %add3A_863 : vector<16xf32> to vector<1x16xf32>
      tpu.vector_store %swap3A_867[%swap3A_868, %swap3A_869], %swap3A_872 {strides = array<i32>} : memref<128x128xf32, #tpu.memory_space<vmem>>, vector<1x16xf32>,
      %get3A_873 = arith.constant 0 : i32
      %get3A_874 = arith.constant 0 : i32
      %get3A_875 = tpu.memref_slice %arg13[%scan3A_619, %get3A_873, %get3A_874] : memref<6x128x128xf32, #tpu.memory_space<vmem>> -> memref<1x128x128xf32, #tpu.memory_space<vmem>>
      %get3A_876 = tpu.memref_squeeze %get3A_875 : memref<1x128x128xf32, #tpu.memory_space<vmem>> -> memref<128x128xf32, #tpu.memory_space<vmem>>
      %get3A_877 = arith.index_cast %scan3A_692 : i32 to index
      %get3A_878 = arith.constant 112 : index
      %get3A_879 = tpu.vector_load %get3A_876[%get3A_877, %get3A_878] {strides = array<i32>} : memref<128x128xf32, #tpu.memory_space<vmem>>, vector<1x16xf32>,
      %get3A_880 = vector.shape_cast %get3A_879 : vector<1x16xf32> to vector<16xf32>
      %get3A_881 = arith.constant 0 : i32
      %get3A_882 = arith.constant 0 : i32
      %get3A_883 = tpu.memref_slice %arg13[%scan3A_620, %get3A_881, %get3A_882] : memref<6x128x128xf32, #tpu.memory_space<vmem>> -> memref<1x128x128xf32, #tpu.memory_space<vmem>>
      %get3A_884 = tpu.memref_squeeze %get3A_883 : memref<1x128x128xf32, #tpu.memory_space<vmem>> -> memref<128x128xf32, #tpu.memory_space<vmem>>
      %get3A_885 = arith.index_cast %scan3A_692 : i32 to index
      %get3A_886 = arith.constant 112 : index
      %get3A_887 = tpu.vector_load %get3A_884[%get3A_885, %get3A_886] {strides = array<i32>} : memref<128x128xf32, #tpu.memory_space<vmem>>, vector<1x16xf32>,
      %get3A_888 = vector.shape_cast %get3A_887 : vector<1x16xf32> to vector<16xf32>
      %add3A_889 = arith.addf %get3A_880, %get3A_888 : vector<16xf32>
      %swap3A_890 = arith.constant 0 : i32
      %swap3A_891 = arith.constant 0 : i32
      %swap3A_892 = tpu.memref_slice %arg13[%scan3A_619, %swap3A_890, %swap3A_891] : memref<6x128x128xf32, #tpu.memory_space<vmem>> -> memref<1x128x128xf32, #tpu.memory_space<vmem>>
      %swap3A_893 = tpu.memref_squeeze %swap3A_892 : memref<1x128x128xf32, #tpu.memory_space<vmem>> -> memref<128x128xf32, #tpu.memory_space<vmem>>
      %swap3A_894 = arith.index_cast %scan3A_692 : i32 to index
      %swap3A_895 = arith.constant 112 : index
      %swap3A_896 = tpu.vector_load %swap3A_893[%swap3A_894, %swap3A_895] {strides = array<i32>} : memref<128x128xf32, #tpu.memory_space<vmem>>, vector<1x16xf32>,
      %swap3A_897 = vector.shape_cast %swap3A_896 : vector<1x16xf32> to vector<16xf32>
      %swap3A_898 = vector.shape_cast %add3A_889 : vector<16xf32> to vector<1x16xf32>
      tpu.vector_store %swap3A_893[%swap3A_894, %swap3A_895], %swap3A_898 {strides = array<i32>} : memref<128x128xf32, #tpu.memory_space<vmem>>, vector<1x16xf32>,
    }
    %scan3A_625 = arith.constant 128 : i32
    %add3A_626 = arith.constant 384 : i32
    %add3A_627 = arith.addi %mul3A_2, %add3A_626 : i32
    %dma_start3A_628 = arith.constant 0 : i32
    %dma_start3A_629 = arith.constant 0 : i32
    %dma_start3A_630 = arith.constant 0 : i32
    %dma_start3A_631 = arith.constant 0 : i32
    %dma_start3A_632 = tpu.memref_slice %arg13[%dma_start3A_628, %dma_start3A_630, %dma_start3A_631] : memref<6x128x128xf32, #tpu.memory_space<vmem>> -> memref<1x128x128xf32, #tpu.memory_space<vmem>>
    %dma_start3A_633 = tpu.memref_squeeze %dma_start3A_632 : memref<1x128x128xf32, #tpu.memory_space<vmem>> -> memref<128x128xf32, #tpu.memory_space<vmem>>
    %dma_start3A_634 = arith.constant 0 : i32
    %dma_start3A_635 = tpu.memref_slice %arg9[%add3A_627, %dma_start3A_634] : memref<16384x128xf32, #tpu.memory_space<hbm>> -> memref<128x128xf32, #tpu.memory_space<hbm>>
    %dma_start3A_636 = tpu.memref_slice %arg17[%dma_start3A_629] : memref<6x!tpu.dma_semaphore, #tpu.memory_space<semaphore_mem>> -> memref<1x!tpu.dma_semaphore, #tpu.memory_space<semaphore_mem>>
    %dma_start3A_637 = tpu.memref_squeeze %dma_start3A_636 : memref<1x!tpu.dma_semaphore, #tpu.memory_space<semaphore_mem>> -> memref<!tpu.dma_semaphore, #tpu.memory_space<semaphore_mem>>
    %dma_start3A_638 = arith.constant 0 : i32
    %dma_start3A_639 = tpu.memref_slice %arg9[%add3A_627, %dma_start3A_638] : memref<16384x128xf32, #tpu.memory_space<hbm>> -> memref<128x128xf32, #tpu.memory_space<hbm>>
    %dma_start3A_640 = arith.constant 0 : i32
    %dma_start3A_641 = arith.constant 0 : i32
    %dma_start3A_642 = tpu.memref_slice %arg13[%dma_start3A_628, %dma_start3A_640, %dma_start3A_641] : memref<6x128x128xf32, #tpu.memory_space<vmem>> -> memref<1x128x128xf32, #tpu.memory_space<vmem>>
    %dma_start3A_643 = tpu.memref_squeeze %dma_start3A_642 : memref<1x128x128xf32, #tpu.memory_space<vmem>> -> memref<128x128xf32, #tpu.memory_space<vmem>>
    tpu.enqueue_dma source(%dma_start3A_643 : memref<128x128xf32, #tpu.memory_space<vmem>>) target(%dma_start3A_639 : memref<128x128xf32, #tpu.memory_space<hbm>>) target_semaphore(%dma_start3A_637 : memref<!tpu.dma_semaphore, #tpu.memory_space<semaphore_mem>>)
    %dma_wait3A_644 = arith.constant 2 : i32
    %dma_wait3A_645 = arith.constant 2 : i32
    %dma_wait3A_646 = arith.constant 0 : i32
    %dma_wait3A_647 = arith.constant 0 : i32
    %dma_wait3A_648 = tpu.memref_slice %arg13[%dma_wait3A_644, %dma_wait3A_646, %dma_wait3A_647] : memref<6x128x128xf32, #tpu.memory_space<vmem>> -> memref<1x128x128xf32, #tpu.memory_space<vmem>>
    %dma_wait3A_649 = tpu.memref_squeeze %dma_wait3A_648 : memref<1x128x128xf32, #tpu.memory_space<vmem>> -> memref<128x128xf32, #tpu.memory_space<vmem>>
    %dma_wait3A_650 = arith.constant 0 : i32
    %dma_wait3A_651 = tpu.memref_slice %arg9[%add3A_515, %dma_wait3A_650] : memref<16384x128xf32, #tpu.memory_space<hbm>> -> memref<128x128xf32, #tpu.memory_space<hbm>>
    %dma_wait3A_652 = tpu.memref_slice %arg17[%dma_wait3A_645] : memref<6x!tpu.dma_semaphore, #tpu.memory_space<semaphore_mem>> -> memref<1x!tpu.dma_semaphore, #tpu.memory_space<semaphore_mem>>
    %dma_wait3A_653 = tpu.memref_squeeze %dma_wait3A_652 : memref<1x!tpu.dma_semaphore, #tpu.memory_space<semaphore_mem>> -> memref<!tpu.dma_semaphore, #tpu.memory_space<semaphore_mem>>
    %dma_wait3A_654 = arith.constant 0 : i32
    %dma_wait3A_655 = tpu.memref_slice %arg9[%add3A_515, %dma_wait3A_654] : memref<16384x128xf32, #tpu.memory_space<hbm>> -> memref<128x128xf32, #tpu.memory_space<hbm>>
    %dma_wait3A_656 = arith.constant 0 : i32
    %dma_wait3A_657 = arith.constant 0 : i32
    %dma_wait3A_658 = tpu.memref_slice %arg13[%dma_wait3A_644, %dma_wait3A_656, %dma_wait3A_657] : memref<6x128x128xf32, #tpu.memory_space<vmem>> -> memref<1x128x128xf32, #tpu.memory_space<vmem>>
    %dma_wait3A_659 = tpu.memref_squeeze %dma_wait3A_658 : memref<1x128x128xf32, #tpu.memory_space<vmem>> -> memref<128x128xf32, #tpu.memory_space<vmem>>
    tpu.wait_dma2 semaphore(%dma_wait3A_653 : memref<!tpu.dma_semaphore, #tpu.memory_space<semaphore_mem>>) src(%dma_wait3A_659 : memref<128x128xf32, #tpu.memory_space<vmem>>) dst(%dma_wait3A_655 : memref<128x128xf32, #tpu.memory_space<hbm>>)
    %dma_wait3A_660 = arith.constant 4 : i32
    %dma_wait3A_661 = arith.constant 4 : i32
    %dma_wait3A_662 = arith.constant 0 : i32
    %dma_wait3A_663 = arith.constant 0 : i32
    %dma_wait3A_664 = tpu.memref_slice %arg13[%dma_wait3A_660, %dma_wait3A_662, %dma_wait3A_663] : memref<6x128x128xf32, #tpu.memory_space<vmem>> -> memref<1x128x128xf32, #tpu.memory_space<vmem>>
    %dma_wait3A_665 = tpu.memref_squeeze %dma_wait3A_664 : memref<1x128x128xf32, #tpu.memory_space<vmem>> -> memref<128x128xf32, #tpu.memory_space<vmem>>
    %dma_wait3A_666 = arith.constant 0 : i32
    %dma_wait3A_667 = tpu.memref_slice %arg9[%add3A_571, %dma_wait3A_666] : memref<16384x128xf32, #tpu.memory_space<hbm>> -> memref<128x128xf32, #tpu.memory_space<hbm>>
    %dma_wait3A_668 = tpu.memref_slice %arg17[%dma_wait3A_661] : memref<6x!tpu.dma_semaphore, #tpu.memory_space<semaphore_mem>> -> memref<1x!tpu.dma_semaphore, #tpu.memory_space<semaphore_mem>>
    %dma_wait3A_669 = tpu.memref_squeeze %dma_wait3A_668 : memref<1x!tpu.dma_semaphore, #tpu.memory_space<semaphore_mem>> -> memref<!tpu.dma_semaphore, #tpu.memory_space<semaphore_mem>>
    %dma_wait3A_670 = arith.constant 0 : i32
    %dma_wait3A_671 = tpu.memref_slice %arg9[%add3A_571, %dma_wait3A_670] : memref<16384x128xf32, #tpu.memory_space<hbm>> -> memref<128x128xf32, #tpu.memory_space<hbm>>
    %dma_wait3A_672 = arith.constant 0 : i32
    %dma_wait3A_673 = arith.constant 0 : i32
    %dma_wait3A_674 = tpu.memref_slice %arg13[%dma_wait3A_660, %dma_wait3A_672, %dma_wait3A_673] : memref<6x128x128xf32, #tpu.memory_space<vmem>> -> memref<1x128x128xf32, #tpu.memory_space<vmem>>
    %dma_wait3A_675 = tpu.memref_squeeze %dma_wait3A_674 : memref<1x128x128xf32, #tpu.memory_space<vmem>> -> memref<128x128xf32, #tpu.memory_space<vmem>>
    tpu.wait_dma2 semaphore(%dma_wait3A_669 : memref<!tpu.dma_semaphore, #tpu.memory_space<semaphore_mem>>) src(%dma_wait3A_675 : memref<128x128xf32, #tpu.memory_space<vmem>>) dst(%dma_wait3A_671 : memref<128x128xf32, #tpu.memory_space<hbm>>)
    %dma_wait3A_676 = arith.constant 0 : i32
    %dma_wait3A_677 = arith.constant 0 : i32
    %dma_wait3A_678 = arith.constant 0 : i32
    %dma_wait3A_679 = arith.constant 0 : i32
    %dma_wait3A_680 = tpu.memref_slice %arg13[%dma_wait3A_676, %dma_wait3A_678, %dma_wait3A_679] : memref<6x128x128xf32, #tpu.memory_space<vmem>> -> memref<1x128x128xf32, #tpu.memory_space<vmem>>
    %dma_wait3A_681 = tpu.memref_squeeze %dma_wait3A_680 : memref<1x128x128xf32, #tpu.memory_space<vmem>> -> memref<128x128xf32, #tpu.memory_space<vmem>>
    %dma_wait3A_682 = arith.constant 0 : i32
    %dma_wait3A_683 = tpu.memref_slice %arg9[%add3A_627, %dma_wait3A_682] : memref<16384x128xf32, #tpu.memory_space<hbm>> -> memref<128x128xf32, #tpu.memory_space<hbm>>
    %dma_wait3A_684 = tpu.memref_slice %arg17[%dma_wait3A_677] : memref<6x!tpu.dma_semaphore, #tpu.memory_space<semaphore_mem>> -> memref<1x!tpu.dma_semaphore, #tpu.memory_space<semaphore_mem>>
    %dma_wait3A_685 = tpu.memref_squeeze %dma_wait3A_684 : memref<1x!tpu.dma_semaphore, #tpu.memory_space<semaphore_mem>> -> memref<!tpu.dma_semaphore, #tpu.memory_space<semaphore_mem>>
    %dma_wait3A_686 = arith.constant 0 : i32
    %dma_wait3A_687 = tpu.memref_slice %arg9[%add3A_627, %dma_wait3A_686] : memref<16384x128xf32, #tpu.memory_space<hbm>> -> memref<128x128xf32, #tpu.memory_space<hbm>>
    %dma_wait3A_688 = arith.constant 0 : i32
    %dma_wait3A_689 = arith.constant 0 : i32
    %dma_wait3A_690 = tpu.memref_slice %arg13[%dma_wait3A_676, %dma_wait3A_688, %dma_wait3A_689] : memref<6x128x128xf32, #tpu.memory_space<vmem>> -> memref<1x128x128xf32, #tpu.memory_space<vmem>>
    %dma_wait3A_691 = tpu.memref_squeeze %dma_wait3A_690 : memref<1x128x128xf32, #tpu.memory_space<vmem>> -> memref<128x128xf32, #tpu.memory_space<vmem>>
    tpu.wait_dma2 semaphore(%dma_wait3A_685 : memref<!tpu.dma_semaphore, #tpu.memory_space<semaphore_mem>>) src(%dma_wait3A_691 : memref<128x128xf32, #tpu.memory_space<vmem>>) dst(%dma_wait3A_687 : memref<128x128xf32, #tpu.memory_space<hbm>>)
    return
  }
}

module attributes {stable_mosaic.version = 14 : i64} {
  func.func @body(%arg0: memref<1000x128xf32, #tpu.memory_space<vmem>>, %arg1: memref<1000x128xf32, #tpu.memory_space<vmem>>, %arg2: memref<128x384xf32, #tpu.memory_space<vmem>>, %arg3: memref<1x128xf32, #tpu.memory_space<vmem>>, %arg4: memref<1000x128xf32, #tpu.memory_space<vmem>>, %arg5: memref<1000x128xf32, #tpu.memory_space<vmem>>) attributes {dimension_semantics = [], scalar_prefetch = 0 : i64, scratch_operands = 0 : i64, tpu.core_type = #tpu.core_type<tc>} {
    %get3A = arith.constant 0 : index
    %get3A_0 = arith.constant 0 : index
    %get3A_1 = vector.load %arg0[%get3A, %get3A_0] : memref<1000x128xf32, #tpu.memory_space<vmem>>, vector<1000x128xf32>
    %get3A_2 = arith.constant 0 : index
    %get3A_3 = arith.constant 128 : index
    %get3A_4 = vector.load %arg2[%get3A_2, %get3A_3] : memref<128x384xf32, #tpu.memory_space<vmem>>, vector<128x128xf32>
    %dot_general3A = arith.constant dense<0.000000e+00> : vector<1000x128xf32>
    %dot_general3A_5 = tpu.matmul %get3A_1, %get3A_4, %dot_general3A {dimension_numbers = #tpu.dot_dimension_numbers<[1], [1], [0], [0], [0, 0, 1, 0], [], []>, transpose_lhs_hint = false} : vector<1000x128xf32>, vector<128x128xf32>, vector<1000x128xf32> -> vector<1000x128xf32>
    %get3A_6 = arith.constant 0 : index
    %get3A_7 = arith.constant 0 : index
    %get3A_8 = vector.load %arg3[%get3A_6, %get3A_7] : memref<1x128xf32, #tpu.memory_space<vmem>>, vector<1x128xf32>
    %add3A = vector.broadcast %get3A_8 : vector<1x128xf32> to vector<1000x128xf32>
    %add3A_9 = arith.addf %dot_general3A_5, %add3A : vector<1000x128xf32>
    %swap3A = arith.constant 0 : index
    %swap3A_10 = arith.constant 0 : index
    %swap3A_11 = vector.load %arg4[%swap3A, %swap3A_10] : memref<1000x128xf32, #tpu.memory_space<vmem>>, vector<1000x128xf32>
    tpu.vector_store %arg4[%swap3A, %swap3A_10], %add3A_9 {strides = array<i32>} : memref<1000x128xf32, #tpu.memory_space<vmem>>, vector<1000x128xf32>,
    %get3A_12 = arith.constant 0 : index
    %get3A_13 = arith.constant 0 : index
    %get3A_14 = vector.load %arg1[%get3A_12, %get3A_13] : memref<1000x128xf32, #tpu.memory_space<vmem>>, vector<1000x128xf32>
    %get3A_15 = arith.constant 0 : index
    %get3A_16 = arith.constant 256 : index
    %get3A_17 = vector.load %arg2[%get3A_15, %get3A_16] : memref<128x384xf32, #tpu.memory_space<vmem>>, vector<128x128xf32>
    %dot_general3A_18 = arith.constant dense<0.000000e+00> : vector<1000x128xf32>
    %dot_general3A_19 = tpu.matmul %get3A_14, %get3A_17, %dot_general3A_18 {dimension_numbers = #tpu.dot_dimension_numbers<[1], [1], [0], [0], [0, 0, 1, 0], [], []>, transpose_lhs_hint = false} : vector<1000x128xf32>, vector<128x128xf32>, vector<1000x128xf32> -> vector<1000x128xf32>
    %swap3A_20 = arith.constant 0 : index
    %swap3A_21 = arith.constant 0 : index
    %swap3A_22 = vector.load %arg5[%swap3A_20, %swap3A_21] : memref<1000x128xf32, #tpu.memory_space<vmem>>, vector<1000x128xf32>
    tpu.vector_store %arg5[%swap3A_20, %swap3A_21], %dot_general3A_19 {strides = array<i32>} : memref<1000x128xf32, #tpu.memory_space<vmem>>, vector<1000x128xf32>,
    return
  }
}

module attributes {stable_mosaic.version = 14 : i64} {
  func.func @_dense_body(%arg0: i32, %arg1: memref<4096x128xf32, #tpu.memory_space<vmem>>, %arg2: memref<4096x128xf32, #tpu.memory_space<vmem>>, %arg3: memref<128x384xf32, #tpu.memory_space<vmem>>, %arg4: memref<1x128xf32, #tpu.memory_space<vmem>>, %arg5: memref<1x128xf32, #tpu.memory_space<vmem>>, %arg6: memref<128x128xf32, #tpu.memory_space<vmem>>, %arg7: memref<1x128xf32, #tpu.memory_space<vmem>>, %arg8: memref<4096x128xf32, #tpu.memory_space<vmem>>) attributes {dimension_semantics = [#tpu.dimension_semantics<arbitrary>], iteration_bounds = array<i64: 4>, scalar_prefetch = 0 : i64, scratch_operands = 0 : i64, tpu.core_type = #tpu.core_type<tc>, window_params = [{transform_indices = @transform_0, window_bounds = array<i64: 4096, 128>}, {transform_indices = @transform_1, window_bounds = array<i64: 4096, 128>}, {pipeline_mode = #tpu.pipeline_mode<synchronous>, transform_indices = @transform_2, window_bounds = array<i64: 128, 384>}, {pipeline_mode = #tpu.pipeline_mode<synchronous>, transform_indices = @transform_3, window_bounds = array<i64: 1, 128>}, {pipeline_mode = #tpu.pipeline_mode<synchronous>, transform_indices = @transform_4, window_bounds = array<i64: 1, 128>}, {pipeline_mode = #tpu.pipeline_mode<synchronous>, transform_indices = @transform_5, window_bounds = array<i64: 128, 128>}, {pipeline_mode = #tpu.pipeline_mode<synchronous>, transform_indices = @transform_6, window_bounds = array<i64: 1, 128>}, {transform_indices = @transform_7, window_bounds = array<i64: 4096, 128>}]} {
    %get3A = arith.constant 0 : index
    %get3A_0 = arith.constant 0 : index
    %get3A_1 = vector.load %arg1[%get3A, %get3A_0] : memref<4096x128xf32, #tpu.memory_space<vmem>>, vector<4096x128xf32>
    %get3A_2 = arith.constant 0 : index
    %get3A_3 = arith.constant 0 : index
    %get3A_4 = vector.load %arg3[%get3A_2, %get3A_3] : memref<128x384xf32, #tpu.memory_space<vmem>>, vector<128x128xf32>
    %dot_general3A = arith.constant dense<0.000000e+00> : vector<4096x128xf32>
    %dot_general3A_5 = tpu.matmul %get3A_1, %get3A_4, %dot_general3A {dimension_numbers = #tpu.dot_dimension_numbers<[1], [1], [0], [0], [0, 0, 1, 0], [], []>, transpose_lhs_hint = false} : vector<4096x128xf32>, vector<128x128xf32>, vector<4096x128xf32> -> vector<4096x128xf32>
    %get3A_6 = arith.constant 0 : index
    %get3A_7 = arith.constant 0 : index
    %get3A_8 = vector.load %arg2[%get3A_6, %get3A_7] : memref<4096x128xf32, #tpu.memory_space<vmem>>, vector<4096x128xf32>
    %add3A = arith.addf %dot_general3A_5, %get3A_8 : vector<4096x128xf32>
    %reduce_sum3A = arith.constant dense<0.000000e+00> : vector<4096xf32>
    %reduce_sum3A_9 = vector.multi_reduction <add>, %add3A, %reduce_sum3A [1] : vector<4096x128xf32> to vector<4096xf32>
    %broadcast_in_dim3A = vector.shape_cast %reduce_sum3A_9 : vector<4096xf32> to vector<4096x1xf32>
    %div3A = arith.constant 1.280000e+02 : f32
    %div3A_10 = vector.broadcast %div3A : f32 to vector<4096x1xf32>
    %div3A_11 = arith.divf %broadcast_in_dim3A, %div3A_10 : vector<4096x1xf32>
    %sub3A = vector.broadcast %div3A_11 : vector<4096x1xf32> to vector<4096x128xf32>
    %sub3A_12 = arith.subf %add3A, %sub3A : vector<4096x128xf32>
    %mul3A = arith.mulf %sub3A_12, %sub3A_12 : vector<4096x128xf32>
    %reduce_sum3A_13 = arith.constant dense<0.000000e+00> : vector<4096xf32>
    %reduce_sum3A_14 = vector.multi_reduction <add>, %mul3A, %reduce_sum3A_13 [1] : vector<4096x128xf32> to vector<4096xf32>
    %broadcast_in_dim3A_15 = vector.shape_cast %reduce_sum3A_14 : vector<4096xf32> to vector<4096x1xf32>
    %div3A_16 = arith.constant 1.280000e+02 : f32
    %div3A_17 = vector.broadcast %div3A_16 : f32 to vector<4096x1xf32>
    %div3A_18 = arith.divf %broadcast_in_dim3A_15, %div3A_17 : vector<4096x1xf32>
    %add3A_19 = arith.constant 9.99999974E-6 : f32
    %add3A_20 = vector.broadcast %add3A_19 : f32 to vector<4096x1xf32>
    %add3A_21 = arith.addf %div3A_18, %add3A_20 : vector<4096x1xf32>
    %rsqrt3A = math.rsqrt %add3A_21 : vector<4096x1xf32>
    %mul3A_22 = vector.broadcast %rsqrt3A : vector<4096x1xf32> to vector<4096x128xf32>
    %mul3A_23 = arith.mulf %sub3A_12, %mul3A_22 : vector<4096x128xf32>
    %get3A_24 = arith.constant 0 : index
    %get3A_25 = arith.constant 0 : index
    %get3A_26 = vector.load %arg4[%get3A_24, %get3A_25] : memref<1x128xf32, #tpu.memory_space<vmem>>, vector<1x128xf32>
    %mul3A_27 = vector.broadcast %get3A_26 : vector<1x128xf32> to vector<4096x128xf32>
    %mul3A_28 = arith.mulf %mul3A_23, %mul3A_27 : vector<4096x128xf32>
    %get3A_29 = arith.constant 0 : index
    %get3A_30 = arith.constant 0 : index
    %get3A_31 = vector.load %arg5[%get3A_29, %get3A_30] : memref<1x128xf32, #tpu.memory_space<vmem>>, vector<1x128xf32>
    %add3A_32 = vector.broadcast %get3A_31 : vector<1x128xf32> to vector<4096x128xf32>
    %add3A_33 = arith.addf %mul3A_28, %add3A_32 : vector<4096x128xf32>
    %get3A_34 = arith.constant 0 : index
    %get3A_35 = arith.constant 0 : index
    %get3A_36 = vector.load %arg6[%get3A_34, %get3A_35] : memref<128x128xf32, #tpu.memory_space<vmem>>, vector<128x128xf32>
    %dot_general3A_37 = arith.constant dense<0.000000e+00> : vector<4096x128xf32>
    %dot_general3A_38 = tpu.matmul %add3A_33, %get3A_36, %dot_general3A_37 {dimension_numbers = #tpu.dot_dimension_numbers<[1], [1], [0], [0], [0, 0, 1, 0], [], []>, transpose_lhs_hint = false} : vector<4096x128xf32>, vector<128x128xf32>, vector<4096x128xf32> -> vector<4096x128xf32>
    %get3A_39 = arith.constant 0 : index
    %get3A_40 = arith.constant 0 : index
    %get3A_41 = vector.load %arg7[%get3A_39, %get3A_40] : memref<1x128xf32, #tpu.memory_space<vmem>>, vector<1x128xf32>
    %add3A_42 = vector.broadcast %get3A_41 : vector<1x128xf32> to vector<4096x128xf32>
    %add3A_43 = arith.addf %dot_general3A_38, %add3A_42 : vector<4096x128xf32>
    %swap3A = arith.constant 0 : index
    %swap3A_44 = arith.constant 0 : index
    %swap3A_45 = vector.load %arg8[%swap3A, %swap3A_44] : memref<4096x128xf32, #tpu.memory_space<vmem>>, vector<4096x128xf32>
    tpu.vector_store %arg8[%swap3A, %swap3A_44], %add3A_43 {strides = array<i32>} : memref<4096x128xf32, #tpu.memory_space<vmem>>, vector<4096x128xf32>,
    return
  }
  func.func @transform_0(%arg0: i32) -> (i32, i32) {
    %c0_i32 = arith.constant 0 : i32
    %c0_i32_0 = arith.constant 0 : i32
    return %arg0, %c0_i32 : i32, i32
  }
  func.func @transform_1(%arg0: i32) -> (i32, i32) {
    %c0_i32 = arith.constant 0 : i32
    %c0_i32_0 = arith.constant 0 : i32
    return %arg0, %c0_i32 : i32, i32
  }
  func.func @transform_2(%arg0: i32) -> (i32, i32) {
    %c0_i32 = arith.constant 0 : i32
    %c0_i32_0 = arith.constant 0 : i32
    %c0_i32_1 = arith.constant 0 : i32
    return %c0_i32, %c0_i32_0 : i32, i32
  }
  func.func @transform_3(%arg0: i32) -> (i32, i32) {
    %c0_i32 = arith.constant 0 : i32
    %c0_i32_0 = arith.constant 0 : i32
    %c0_i32_1 = arith.constant 0 : i32
    return %c0_i32, %c0_i32_0 : i32, i32
  }
  func.func @transform_4(%arg0: i32) -> (i32, i32) {
    %c0_i32 = arith.constant 0 : i32
    %c0_i32_0 = arith.constant 0 : i32
    %c0_i32_1 = arith.constant 0 : i32
    return %c0_i32, %c0_i32_0 : i32, i32
  }
  func.func @transform_5(%arg0: i32) -> (i32, i32) {
    %c0_i32 = arith.constant 0 : i32
    %c0_i32_0 = arith.constant 0 : i32
    %c0_i32_1 = arith.constant 0 : i32
    return %c0_i32, %c0_i32_0 : i32, i32
  }
  func.func @transform_6(%arg0: i32) -> (i32, i32) {
    %c0_i32 = arith.constant 0 : i32
    %c0_i32_0 = arith.constant 0 : i32
    %c0_i32_1 = arith.constant 0 : i32
    return %c0_i32, %c0_i32_0 : i32, i32
  }
  func.func @transform_7(%arg0: i32) -> (i32, i32) {
    %c0_i32 = arith.constant 0 : i32
    %c0_i32_0 = arith.constant 0 : i32
    return %arg0, %c0_i32 : i32, i32
  }
}

</mosaic_0001>

<sc_bundles>
// kernel: kernel.5.cloned.1.call-start
scs
__scs_entry_jumppad:
0x0: {  	(pc) =	sbr.rel $0x88, $3  }
0x1: {  	(tag) =	ssettag $0x0;
	lr =	simm.s32 $0x1  }
0x2: {  	[smem:$0x3F95] =	sst lr;
	_ =	strace $0xD0000000  }
0x3: {  	_ = 	snop  }
0x4: {  	_ = 	snop  }
0x5: {  	_ = 	snop  }
0x6: {  	_ = 	snop  }
0x7: {  	_ = 	snop  }
__scs_overlays_trampoline_lowered:
0x8: {  	[smem:$0x3FA4] =	sst s0  }
0x9: {  	[smem:$0x3FA5] =	sst s1  }
0xa: {  	[smem:$0x3FA6] =	sst s2  }
0xb: {  	[smem:$0x3FA7] =	sst s3  }
0xc: {  	[smem:$0x3FA8] =	sst s4  }
0xd: {  	[smem:$0x3FA9] =	sst s5  }
0xe: {  	[smem:$0x3FAA] =	sst s6  }
0xf: {  	[smem:$0x3FAB] =	sst s7  }
0x10: {  	[smem:$0x3FAC] =	sst s8  }
0x11: {  	[smem:$0x3FAD] =	sst s9;
	s0 =	simm.s32 @!p0 $0x0  }
0x12: {  	s1 =	sld [smem:$0x3F93];
	s0 =	simm.s32 @p0 $0x1  }
0x13: {  	[smem:$0x3FAE] =	sst s0;
	s0 =	simm.s32 @!p1 $0x0  }
0x14: {  	s2 =	sld [smem:$0x3F92];
	s0 =	simm.s32 @p1 $0x1  }
0x15: {  	[smem:$0x3FAF] =	sst s0;
	s0 =	simm.s32 @!p2 $0x0  }
0x16: {  	s3 =	sld [smem:$0x3FDB];
	s0 =	simm.s32 @p2 $0x1  }
0x17: {  	s4 =	simm.s32 $0x1BF5;
	[smem:$0x3FB1] =	sst s0  }
0x18: {  	s0 =	sld [smem:$0x3F94];
	_ =	swait.ge [sflag:s4], $0x0  }
0x19: {  	s7 =	sld [smem:$0x3F95]  }
0x1a: {  	s8 =	sadd.s32 $0xFFFFE003, lr  }
0x1b: {  	s9 =	sadd.s32 $0xFFFFFEF7, lr;
	s5 =	simm.s32 $0xFFFFFFFF;
	p2 =	slt.u32 s8, $0xFFFFF086  }
0x1c: {  	p1 =	slt.u32 s9, $0xF7A;
	s5 =	simm.s32 @!p2 $0x0  }
0x1d: {  	s5 =	simm.s32 @p1 $0x1;
	p0 =	seq.s32 s7, s2  }
0x1e: {  	s7 =	smul.u32 @!p0 $0xF7A, s2;
	p2 =	seq.s32 @!p0 s5, $0x0  }
0x1f: {  	s9 =	smul.u32 $0xF7A, s1;
	s8 =	simm.s32 @!p0 $0x1BF5;
	p2 =	por !p2, p0  }
0x20: {  	[sflag:s8] =	ssyncset.s32 @!p0 $0xFFFFF086;
	s6 =	sadd.s32 @!p0 s3, s7;
	s7 =	simm.s32 @!p0 $0x108  }
0x21: {  	s3 =	sadd.s32 s3, s9;
	s6 =	sadd.s32 @!p0 $0x88, s6;
	s7 =	simm.s32 @p2 $0x1082  }
0x22: {  	[simem:s7], [sflag:s8] =	dma.local @!p0 [hbm:s6], $0xF7A  }
0x23: {  	s9 =	sor.u32 $0xD0000000, s2;
	s6 =	simm.s32 $0x108;
	_ =	swait.ge @!p0 [sflag:s8], $0x0  }
0x24: {  	s3 =	sadd.s32 $0x88, s3;
	s6 =	simm.s32 @!p1 $0x1082;
	[sflag:s4] =	ssyncset.s32 $0xFFFFF086  }
0x25: {  	[simem:s6], [sflag:s4] =	dma.local [hbm:s3], $0xF7A  }
0x26: {  	[smem:$0x3F95] =	sst s1;
	(tag) =	ssettag s2;
	_ =	strace s9  }
0x27: {  	s1 =	sld [smem:$0x3FA5]  }
0x28: {  	s2 =	sld [smem:$0x3FA6]  }
0x29: {  	s4 =	sld [smem:$0x3FA8]  }
0x2a: {  	p0 =	seq.s32 s5, $0x0;
	s5 =	sld [smem:$0x3FA9]  }
0x2b: {  	s6 =	sld [smem:$0x3FAA]  }
0x2c: {  	s7 =	sld [smem:$0x3FAB]  }
0x2d: {  	s3 =	simm.s32 $0x108;
	s8 =	sld [smem:$0x3FAC]  }
0x2e: {  	s3 =	simm.s32 @!p0 $0x1082;
	s9 =	sld [smem:$0x3FAD]  }
0x2f: {  	lr =	sadd.s32 s0, s3;
	s0 =	sld [smem:$0x3FA4]  }
0x30: {  	s3 =	sld [smem:$0x3FA7]  }
0x31: {  	[smem:$0x3FB0] =	sst s10  }
0x32: {  	s10 =	sld [smem:$0x3FAE];
	_ =	sdelay $0x3  }
0x33: {  	p0 =	seq.s32 s10, $0x1;
	s10 =	sld [smem:$0x3FB0];
	_ =	sdelay $0x3  }
0x34: {  	[smem:$0x3FB0] =	sst s10  }
0x35: {  	s10 =	sld [smem:$0x3FAF];
	_ =	sdelay $0x3  }
0x36: {  	p1 =	seq.s32 s10, $0x1;
	s10 =	sld [smem:$0x3FB0];
	_ =	sdelay $0x3  }
0x37: {  	[smem:$0x3FB0] =	sst s10  }
0x38: {  	s10 =	sld [smem:$0x3FB1]  }
0x39: {  	_ = 	snop;
	(pc) =	sbr.ind lr, $3  }
0x3a: {  	_ = 	snop  }
0x3b: {  	_ = 	snop  }
0x3c: {  	p2 =	seq.s32 s10, $0x1;
	s10 =	sld [smem:$0x3FB0]  }
0x3d: {  	_ =	shalt  }
0x3e: {  	_ =	shalt  }
0x3f: {  	_ =	shalt  }
0x40: {  	_ =	shalt  }
0x41: {  	_ =	shalt  }
0x42: {  	_ =	shalt  }
0x43: {  	_ =	shalt  }
0x44: {  	_ =	shalt  }
0x45: {  	_ =	shalt  }
0x46: {  	_ =	shalt  }
0x47: {  	_ =	shalt  }
0x48: {  	_ =	shalt  }
0x49: {  	_ =	shalt  }
0x4a: {  	_ =	shalt  }
0x4b: {  	_ =	shalt  }
0x4c: {  	_ =	shalt  }
0x4d: {  	_ =	shalt  }
0x4e: {  	_ =	shalt  }
0x4f: {  	_ =	shalt  }
0x50: {  	_ =	shalt  }
0x51: {  	_ =	shalt  }
0x52: {  	_ =	shalt  }
0x53: {  	_ =	shalt  }
0x54: {  	_ =	shalt  }
0x55: {  	_ =	shalt  }
0x56: {  	_ =	shalt  }
0x57: {  	_ =	shalt  }
0x58: {  	_ =	shalt  }
0x59: {  	_ =	shalt  }
0x5a: {  	_ =	shalt  }
0x5b: {  	_ =	shalt  }
0x5c: {  	_ =	shalt  }
0x5d: {  	_ =	shalt  }
0x5e: {  	_ =	shalt  }
0x5f: {  	_ =	shalt  }
0x60: {  	_ =	shalt  }
0x61: {  	_ =	shalt  }
0x62: {  	_ =	shalt  }
0x63: {  	_ =	shalt  }
0x64: {  	_ =	shalt  }
0x65: {  	_ =	shalt  }
0x66: {  	_ =	shalt  }
0x67: {  	_ =	shalt  }
0x68: {  	_ =	shalt  }
0x69: {  	_ =	shalt  }
0x6a: {  	_ =	shalt  }
0x6b: {  	_ =	shalt  }
0x6c: {  	_ =	shalt  }
0x6d: {  	_ =	shalt  }
0x6e: {  	_ =	shalt  }
0x6f: {  	_ =	shalt  }
0x70: {  	_ =	shalt  }
0x71: {  	_ =	shalt  }
0x72: {  	_ =	shalt  }
0x73: {  	_ =	shalt  }
0x74: {  	_ =	shalt  }
0x75: {  	_ =	shalt  }
0x76: {  	_ =	shalt  }
0x77: {  	_ =	shalt  }
0x78: {  	_ =	shalt  }
0x79: {  	_ =	shalt  }
0x7a: {  	_ =	shalt  }
0x7b: {  	_ =	shalt  }
0x7c: {  	_ =	shalt  }
0x7d: {  	_ =	shalt  }
0x7e: {  	_ =	shalt  }
0x7f: {  	_ =	shalt  }
0x80: {  	_ =	shalt  }
0x81: {  	_ =	shalt  }
0x82: {  	_ =	shalt  }
0x83: {  	_ =	shalt  }
0x84: {  	_ =	shalt  }
0x85: {  	_ =	shalt  }
0x86: {  	_ =	shalt  }
0x87: {  	_ =	shalt  }
.Lfunc_end0:
.L_simem_size_0:
called_computation_lowered:
.L_overlay_start_0:
0x88: {  	s2 =	sld [smem:$0x3FD9]  }
0x89: {  	s3 =	sld [smem:$0x3FFE];
	_ =	sdelay $0x1  }
0x8a: {  	s1 =	srdreg.scid  }
0x8b: {  	s0 =	sand.u32 $0x1, s1  }
0x8c: {  	s17 =	sshll.u32 s0, $0xA;
	s2 =	sadd.s32 s3, s2  }
0x8d: {  	s2 =	sadd.s32 s2, s17  }
0x8e: {  	[smem:$0x3FBC] =	sst s2  }
0x8f: {  	_ = 	snop  }
0x90: {  	s2 =	sld [smem:$0x3FC9]  }
0x91: {  	s18 =	sld [smem:$0x3FC8]  }
0x92: {  	s4 =	sld [smem:$0x3FC7]  }
0x93: {  	s5 =	sld [smem:$0x3FC6]  }
0x94: {  	s6 =	sld [smem:$0x3FD0];
	(tm) =	ssettm $0x1  }
0x95: {  	s7 =	sld [smem:$0x3FFB];
	_ =	sdelay $0x3  }
0x96: {  	_ =	strace s7  }
0x97: {  	s7 =	sld [smem:$0x3FFC];
	_ =	sdelay $0x3  }
0x98: {  	_ =	strace s7  }
0x99: {  	s7 =	sld [smem:$0x3FFD];
	_ =	sdelay $0x3  }
0x9a: {  	_ =	strace s7  }
0x9b: {  	_ =	strace $0x8FFFFFFF  }
0x9c: {  	s19 =	sld [smem:$0x3FDB];
	_ =	sdelay $0x1  }
0x9d: {  	s8 =	simm.s32 $_scs_section_size  }
0x9e: {  	s9 =	simm.s32 $_size__tile_overlayer_lowered;
	s10 =	simm.s32 $_tile_overlayer_lowered  }
0x9f: {  	s22 =	simm.s32 $0x1BFF;
	s21 =	sshll.u32 s10, $0x1;
	s7 =	sadd.s32 s8, s19  }
0xa0: {  	s11 =	simm.s32 $0x0;
	s20 =	sshll.u32 s9, $0x1;
	s9 =	sadd.s32 s21, s7  }
0xa1: {  	[timem:s11], [sflag:s22] =	dma.local [hbm:s9], s20  }
0xa2: {  	_ =	swait.ge [sflag:s22], s20  }
0xa3: {  	s8 =	ssub.s32 $0x0, s20;
	[sflag:s22] =	ssyncset.done $0x0  }
0xa4: {  	[sflag:s22] =	ssyncadd.s32 s8;
	_ =	sdelay $0x1  }
0xa5: {  	s23 =	simm.s32 $0x1B8B  }
0xa6: {  	_ =	swait.ge [sflag:s23], $0x1  }
0xa7: {  	[sflag:s23] =	ssyncset.done $0x0  }
0xa8: {  	s25 =	simm.s32 $0x1B8E;
	s24 =	sld [smem:$0x3FFE];
	[sflag:s23] =	ssyncadd.s32 $0xFFFFFFFF  }
0xa9: {  	s26 =	simm.s32 $execute0_lowered;
	[smem:$0x3FD2] =	sst s25  }
0xaa: {  	s9 =	sshll.u32 s26, $0x1;
	_ =	strace $0x80000046;
	[dreg:$0x1] =	wrdreg $0xFFFFFFFF  }
0xab: {  	s28 =	simm.s32 $_size_execute0_lowered;
	s7 =	sadd.s32 s7, s9;
	[dreg:$0x0] =	wrdreg $0x0  }
0xac: {  	s9 =	sshll.u32 s28, $0x1;
	[dreg:$0x2] =	wrdreg s7  }
0xad: {  	[dreg:$0x3] =	wrdreg s9  }
0xae: {  	[dreg:$0x4] =	wrdreg $0xC0  }
0xaf: {  	_ =	task [dreg:s11], $0x5FFFF  }
0xb0: {  	[dreg:$0x1] =	wrdreg $0xFFFFFFFF  }
0xb1: {  	[dreg:$0x0] =	wrdreg $0x60  }
0xb2: {  	[dreg:$0x2] =	wrdreg s2  }
0xb3: {  	[dreg:$0x3] =	wrdreg s18  }
0xb4: {  	[dreg:$0x4] =	wrdreg s4  }
0xb5: {  	[dreg:$0x5] =	wrdreg s5  }
0xb6: {  	[dreg:$0x6] =	wrdreg s24  }
0xb7: {  	[dreg:$0x7] =	wrdreg s6  }
0xb8: {  	[dreg:$0x8] =	wrdreg $0x186000  }
0xb9: {  	[dreg:$0x9] =	wrdreg $0x1A5400  }
0xba: {  	[dreg:$0xa] =	wrdreg $0x9  }
0xbb: {  	_ =	task.clear_ibuf [dreg:s11], $0xBFFFF;
	_ =	strace $0x90000046  }
0xbc: {  	s29 =	simm.s32 $0x9;
	_ =	strace $0x80000048  }
0xbd: {  	_ =	swait.ge [sflag:s29], $0x1  }
0xbe: {  	[sflag:s29] =	ssyncadd.s32 $0xFFFFFFFF  }
0xbf: {  	_ =	strace $0x90000048  }
0xc0: {  	_ =	sfence  }
0xc1: {  	s30 =	sld [smem:$0x0];
	_ =	sdelay $0x2  }
0xc2: {  	s31 =	sshll.u32 s1, $0xD;
	s1 =	sshrl.u32 s1, $0x2  }
0xc3: {  	s3 =	sand.u32 $0x4000, s31;
	s1 =	sadd.s32 s1, s30  }
0xc4: {  	s0 =	sor.u32 s3, s0;
	s1 =	sshll.u32 s1, $0x11  }
0xc5: {  	s0 =	sor.u32 s1, s0  }
0xc6: {  	s0 =	sadd.s32 $0x8F2B, s0  }
0xc7: {  	[sflag:s0] =	ssyncadd.remote.s32 $0x1  }
0xc8: {  	_ =	sfence.sel $0xFFFF  }
0xc9: {  	[dreg:$0x0] =	wrdreg $0xFFFFFFFF;
	(pc) =	sbr.abs _section_cstart, $3  }
0xca: {  	[dreg:$0x1] =	wrdreg $0xFFFFFFFF  }
0xcb: {  	_ =	task.clear_ibuf [dreg:s11], $0x2FFFF;
	_ =	strace $0x9FFFFFFF  }
0xcc: {  	(tm) =	ssettm $0x7FFFFFFF  }
0xcd: {  	_ =	shalt  }
tec
execute0_lowered:
.L_overlay_start_1:
0x0: {  	(tag) =	ssettag $0x1  }
0x1: {  	s0 =	rddreg [dreg:$0x0]  }
0x2: {  	s5 =	rddreg [dreg:$0x1]  }
0x3: {  	s6 =	rddreg [dreg:$0x2]  }
0x4: {  	s1 =	rddreg [dreg:$0x3]  }
0x5: {  	s7 =	rddreg [dreg:$0x4]  }
0x6: {  	s8 =	rddreg [dreg:$0x5]  }
0x7: {  	s2 =	rddreg [dreg:$0x6]  }
0x8: {  	s3 =	rddreg [dreg:$0x7];
	s4 =	simm.s32 $0x0  }
0x9: {  	s9 =	srdreg.scid;
	s16 =	stileid.u32;
	s29 =	simm.s32 $0xC600  }
0xa: {  	s30 =	simm.s32 $0x1;
	s31 =	simm.s32 $0x2;
	s28 =	simm.s32 $0x7  }
0xb: {  	[smem:$0x7FF] =	sst s4;
	s10 =	sadd.s32 $0x2400, s7;
	s15 =	sadd.s32 $0x6400, s7  }
0xc: {  	s9 =	sand.u32 $0x1, s9;
	s7 =	sadd.s32 $0xA400, s7;
	s13 =	sshll.u32 s16, $0x7  }
0xd: {  	s17 =	sshll.u32 s16, $0xE;
	_ =	strace $0x80000047;
	[dreg:$0x9] =	wrdreg s10  }
0xe: {  	p0 =	sne.s32 s16, $0x0;
	s16 =	simm.s32 $0x400;
	[dreg:$0xa] =	wrdreg s15  }
0xf: {  	s11 =	ssub.s32 $0x2, s9;
	s14 =	sshll.u32 s9, $0x6;
	s9 =	sshll.u32 s9, $0xD  }
0x10: {  	s10 =	simm.s32 $0x6;
	s15 =	simm.s32 $0x200;
	s12 =	sshrl.u32 s11, $0x1  }
0x11: {  	s13 =	sor.u32 s14, s13;
	s18 =	sor.u32 s9, s17;
	s11 =	ssub.s32 s11, s12  }
0x12: {  	s0 =	sadd.s32 s0, s13;
	s5 =	sadd.s32 s5, s13;
	s19 =	sadd.s32 s6, s13  }
0x13: {  	s20 =	sadd.s32 s8, s18;
	s21 =	sor.u32 $0x800, s18;
	[dreg:$0xb] =	wrdreg s0  }
0x14: {  	s22 =	sor.u32 $0x1000, s18;
	s9 =	sor.u32 $0x1800, s18;
	[dreg:$0xc] =	wrdreg s5  }
0x15: {  	s6 =	simm.s32 $0x9;
	s12 =	simm.s32 $0x0;
	[dreg:$0xd] =	wrdreg s19  }
0x16: {  	[dreg:$0xe] =	wrdreg s20;
	s23 =	sadd.s32 s8, s21;
	s24 =	sadd.s32 s8, s22  }
0x17: {  	s8 =	sadd.s32 s8, s9;
	s0 =	sadd.s32 s7, s18;
	[dreg:$0xf] =	wrdreg s23  }
0x18: {  	s25 =	sadd.s32 s7, s21;
	s26 =	sadd.s32 s7, s22;
	[dreg:$0x10] =	wrdreg s24  }
0x19: {  	s17 =	sadd.s32 s7, s9;
	s18 =	smax.u32 s11, $0x1;
	[dreg:$0x11] =	wrdreg s8  }
0x1a: {  	s19 =	simm.s32 $0xD;
	s22 =	simm.s32 $0x80;
	[dreg:$0x12] =	wrdreg s0  }
0x1b: {  	s5 =	simm.s32 $0x8;
	s7 =	simm.s32 $0xA;
	[dreg:$0x13] =	wrdreg s25  }
0x1c: {  	s9 =	simm.s32 $0x5;
	s11 =	simm.s32 $0xB;
	[dreg:$0x14] =	wrdreg s26  }
0x1d: {  	s23 =	simm.s32 $0x600;
	s24 =	simm.s32 $0x4600;
	s26 =	simm.s32 $0x8600  }
0x1e: {  	s0 =	simm.s32 $0x3;
	s25 =	simm.s32 $0x4;
	s8 =	simm.s32 $0x10600  }
.LBB2_1:
0x1f: {  	s13 =	rddreg [dreg:$0xb]  }
0x20: {  	[tilespmem:s4], [sflag:$0xD] =	stream.linear.gather [hbm4b:s13+s4], $0x200, $0x38;
	[tilespmem:$0x1C480] =	vst v63  }
0x21: {  	_ =	swait.ge [sflag:s19], $0x200  }
0x22: {  	[sflag:s19] =	ssyncset.done $0x0  }
0x23: {  	s21 =	rddreg [dreg:$0xc];
	[sflag:s19] =	ssyncadd.s32 $0xFFFFFE00  }
0x24: {  	[tilespmem:s15], [sflag:$0xD] =	stream.linear.gather [hbm4b:s21+s4], $0x200, $0x38;
	[tilespmem:$0x1C480] =	vst v63  }
0x25: {  	_ =	swait.ge [sflag:s19], $0x200  }
0x26: {  	[sflag:s19] =	ssyncset.done $0x0  }
0x27: {  	s14 =	rddreg [dreg:$0xd];
	[sflag:s19] =	ssyncadd.s32 $0xFFFFFE00  }
0x28: {  	[tilespmem:s16], [sflag:$0xD] =	stream.linear.gather [hbm4b:s14+s4], $0x200, $0x38;
	[tilespmem:$0x1C480] =	vst v63  }
0x29: {  	_ =	swait.ge [sflag:s19], $0x200  }
0x2a: {  	[sflag:s19] =	ssyncset.done $0x0  }
0x2b: {  	[sflag:s19] =	ssyncadd.s32 $0xFFFFFE00  }
0x2c: {  	[tilespmem:s23], [sflag:$0x1] =	stream.indirect.gather [hbm4b:s1+s22], $0x80, s4, s22, $0xb8;
	[tilespmem:$0x1C480] =	vst v63  }
0x2d: {  	_ = 	snop  }
0x2e: {  	[tilespmem:s24], [sflag:$0x2] =	stream.indirect.gather [hbm4b:s1+s22], $0x80, s22, s22, $0xb8;
	[tilespmem:$0x1C480] =	vst v63  }
0x2f: {  	s20 =	simm.s32 $0x100  }
0x30: {  	[tilespmem:s26], [sflag:$0x3] =	stream.indirect.gather [hbm4b:s1+s22], $0x80, s20, s22, $0xb8;
	[tilespmem:$0x1C480] =	vst v63  }
0x31: {  	s21 =	simm.s32 $0x180  }
0x32: {  	[tilespmem:s29], [sflag:$0x4] =	stream.indirect.gather [hbm4b:s1+s22], $0x80, s21, s22, $0xb8;
	[tilespmem:$0x1C480] =	vst v63  }
0x33: {  	s13 =	sshrl.u32 @!p0 s2, $0x3;
	s20 =	simm.s32 @!p0 $0x1C0E;
	s21 =	rddreg [dreg:$0x9]  }
0x34: {  	[spmem:s13], [sflag:s20] =	dma.local @!p0 [hbm:s21], $0x3E80  }
0x35: {  	s13 =	simm.s32 @!p0 $0xE  }
0x36: {  	_ =	swait.ge @!p0 [sflag:s13], $0x3E80  }
0x37: {  	[sflag:s13] =	ssyncset.done @!p0 $0x0  }
0x38: {  	s21 =	sshrl.u32 @!p0 s3, $0x3;
	s14 =	rddreg [dreg:$0xa];
	[sflag:s13] =	ssyncadd.s32 @!p0 $0xFFFFC180  }
0x39: {  	[spmem:s21], [sflag:s20] =	dma.local @!p0 [hbm:s14], $0x3E80  }
0x3a: {  	_ =	swait.ge @!p0 [sflag:s13], $0x3E80  }
0x3b: {  	[sflag:s13] =	ssyncset.done @!p0 $0x0  }
0x3c: {  	[sflag:s13] =	ssyncadd.s32 @!p0 $0xFFFFC180  }
0x3d: {  	_ =	swait.ge [sflag:s30], $0x4000  }
0x3e: {  	[sflag:s30] =	ssyncset.done $0x0  }
0x3f: {  	s14 =	rddreg [dreg:$0xe];
	[sflag:s30] =	ssyncadd.s32 $0xFFFFC000  }
0x40: {  	[hbm4b:s14+s4] =	stream.linear.scatter [tilespmem:s23], [sflag:$0x7], $0x4000, $0x38;
	[tilespmem:$0x1C480] =	vst v63  }
0x41: {  	_ =	swait.ge [sflag:s31], $0x4000  }
0x42: {  	[sflag:s31] =	ssyncset.done $0x0  }
0x43: {  	s20 =	rddreg [dreg:$0xf];
	[sflag:s31] =	ssyncadd.s32 $0xFFFFC000  }
0x44: {  	[hbm4b:s20+s4] =	stream.linear.scatter [tilespmem:s24], [sflag:$0x8], $0x4000, $0x38;
	[tilespmem:$0x1C480] =	vst v63  }
0x45: {  	_ =	swait.ge [sflag:s0], $0x4000  }
0x46: {  	[sflag:s0] =	ssyncset.done $0x0  }
0x47: {  	s21 =	rddreg [dreg:$0x10];
	[sflag:s0] =	ssyncadd.s32 $0xFFFFC000  }
0x48: {  	[hbm4b:s21+s4] =	stream.linear.scatter [tilespmem:s26], [sflag:$0x9], $0x4000, $0x38;
	[tilespmem:$0x1C480] =	vst v63  }
0x49: {  	_ =	swait.ge [sflag:s25], $0x4000  }
0x4a: {  	[sflag:s25] =	ssyncset.done $0x0  }
0x4b: {  	s14 =	rddreg [dreg:$0x11];
	[sflag:s25] =	ssyncadd.s32 $0xFFFFC000  }
0x4c: {  	[hbm4b:s14+s4] =	stream.linear.scatter [tilespmem:s29], [sflag:$0xA], $0x4000, $0x38;
	[tilespmem:$0x1C480] =	vst v63  }
0x4d: {  	[bflag:$0x0] =	sbarrier.arrive $0xFFFF  }
0x4e: {  	_ =	swait.ge [sflag:s28], $0x4000  }
0x4f: {  	[sflag:s28] =	ssyncset.done $0x0  }
0x50: {  	[sflag:s28] =	ssyncadd.s32 $0xFFFFC000  }
0x51: {  	_ =	swait.ge [sflag:s5], $0x4000  }
0x52: {  	[sflag:s5] =	ssyncset.done $0x0  }
0x53: {  	[sflag:s5] =	ssyncadd.s32 $0xFFFFC000  }
0x54: {  	[tilespmem:s23], [sflag:$0x1] =	stream.indirect.gather [spmem:s2], $0x80, s15, s22, $0xb8;
	[tilespmem:$0x1C480] =	vst v63  }
0x55: {  	_ = 	snop  }
0x56: {  	[tilespmem:s24], [sflag:$0x2] =	stream.indirect.gather [spmem:s3], $0x80, s16, s22, $0xb8;
	[tilespmem:$0x1C480] =	vst v63  }
0x57: {  	_ =	swait.ge [sflag:s6], $0x4000  }
0x58: {  	[sflag:s6] =	ssyncset.done $0x0  }
0x59: {  	[sflag:s6] =	ssyncadd.s32 $0xFFFFC000  }
0x5a: {  	_ =	swait.ge [sflag:s7], $0x4000  }
0x5b: {  	[sflag:s7] =	ssyncset.done $0x0  }
0x5c: {  	s20 =	simm.s32 $0x280;
	[sflag:s7] =	ssyncadd.s32 $0xFFFFC000  }
0x5d: {  	[tilespmem:s26], [sflag:$0x3] =	stream.indirect.gather [spmem:s2], $0x80, s20, s22, $0xb8;
	[tilespmem:$0x1C480] =	vst v63  }
0x5e: {  	s21 =	simm.s32 $0x480  }
0x5f: {  	[tilespmem:s29], [sflag:$0x4] =	stream.indirect.gather [spmem:s3], $0x80, s21, s22, $0xb8;
	[tilespmem:$0x1C480] =	vst v63  }
0x60: {  	s14 =	simm.s32 $0x300  }
0x61: {  	[tilespmem:s8], [sflag:$0x5] =	stream.indirect.gather [spmem:s2], $0x80, s14, s22, $0xb8;
	[tilespmem:$0x1C480] =	vst v63  }
0x62: {  	s20 =	simm.s32 $0x500;
	s21 =	simm.s32 $0x14600  }
0x63: {  	[tilespmem:s21], [sflag:$0x6] =	stream.indirect.gather [spmem:s3], $0x80, s20, s22, $0xb8;
	[tilespmem:$0x1C480] =	vst v63  }
0x64: {  	_ =	swait.ge [sflag:s30], $0x4000  }
0x65: {  	[sflag:s30] =	ssyncset.done $0x0  }
0x66: {  	[sflag:s30] =	ssyncadd.s32 $0xFFFFC000  }
0x67: {  	_ =	swait.ge [sflag:s31], $0x4000  }
0x68: {  	[sflag:s31] =	ssyncset.done $0x0  }
0x69: {  	s20 =	simm.s32 $0x0;
	[sflag:s31] =	ssyncadd.s32 $0xFFFFC000  }
0x6a: {  	v7 =	vld [tilespmem:s20+$0x4600]  }
0x6b: {  	v11 =	vld [tilespmem:s20+$0x4610]  }
0x6c: {  	v5 =	vld [tilespmem:s20+$0x4620]  }
0x6d: {  	v4 =	vld [tilespmem:s20+$0x4630]  }
0x6e: {  	v3 =	vld [tilespmem:s20+$0x4640]  }
0x6f: {  	v2 =	vld [tilespmem:s20+$0x4650]  }
0x70: {  	v1 =	vld [tilespmem:s20+$0x4660]  }
0x71: {  	v0 =	vld [tilespmem:s20+$0x4670]  }
0x72: {  	v12 =	vld [tilespmem:s20+$0x600]  }
0x73: {  	v13 =	vld [tilespmem:s20+$0x610]  }
0x74: {  	v10 =	vld [tilespmem:s20+$0x620]  }
0x75: {  	v9 =	vld [tilespmem:s20+$0x630]  }
0x76: {  	v8 =	vld [tilespmem:s20+$0x640]  }
0x77: {  	v6 =	vld [tilespmem:s20+$0x650];
	v12 =	vadd.f32 v7, v12  }
0x78: {  	s13 =	simm.s32 $0x200;
	v11 =	vadd.f32 v11, v13;
	v7 =	vld [tilespmem:s20+$0x660]  }
.LBB2_2:
0x79: {  	s21 =	sshra.s32 s13, $0x2;
	p1 =	sne.s32 s13, $0xFE00;
	[tilespmem:s20+$0x600] =	vst v12;
	v5 =	vadd.f32 v5, v10;
	v10 =	vld [tilespmem:s20+$0x670]  }
0x7a: {  	v12 =	vld [tilespmem:s21+$0x4600];
	[tilespmem:s20+$0x610] =	vst v11;
	v4 =	vadd.f32 v4, v9  }
0x7b: {  	v11 =	vld [tilespmem:s21+$0x4610];
	[tilespmem:s20+$0x620] =	vst v5;
	v3 =	vadd.f32 v3, v8  }
0x7c: {  	v5 =	vld [tilespmem:s21+$0x4620];
	[tilespmem:s20+$0x630] =	vst v4;
	v2 =	vadd.f32 v2, v6  }
0x7d: {  	v4 =	vld [tilespmem:s21+$0x4630];
	[tilespmem:s20+$0x640] =	vst v3;
	v1 =	vadd.f32 v1, v7  }
0x7e: {  	v3 =	vld [tilespmem:s21+$0x4640];
	[tilespmem:s20+$0x650] =	vst v2;
	v0 =	vadd.f32 v0, v10  }
0x7f: {  	v2 =	vld [tilespmem:s21+$0x4650];
	[tilespmem:s20+$0x660] =	vst v1  }
0x80: {  	v1 =	vld [tilespmem:s21+$0x4660];
	[tilespmem:s20+$0x670] =	vst v0;
	s20 =	smov.u32 s21  }
0x81: {  	v0 =	vld [tilespmem:s20+$0x4670]  }
0x82: {  	v6 =	vld [tilespmem:s20+$0x600]  }
0x83: {  	v7 =	vld [tilespmem:s20+$0x610]  }
.Ltmp0:
0x84: {  	v10 =	vld [tilespmem:s20+$0x620];
	(pc) =	sbr.rel @p1 .LBB2_2-.Ltmp0, $4  }
0x85: {  	v9 =	vld [tilespmem:s20+$0x630]  }
0x86: {  	v8 =	vld [tilespmem:s20+$0x640]  }
0x87: {  	v12 =	vadd.f32 v12, v6;
	v6 =	vld [tilespmem:s20+$0x650]  }
0x88: {  	s13 =	sadd.s32 $0x200, s13;
	v11 =	vadd.f32 v11, v7;
	v7 =	vld [tilespmem:s20+$0x660]  }
0x89: {  	[tilespmem:s20+$0x600] =	vst v12;
	v5 =	vadd.f32 v5, v10;
	v10 =	vld [tilespmem:s20+$0x670]  }
0x8a: {  	[tilespmem:s20+$0x610] =	vst v11;
	v4 =	vadd.f32 v4, v9  }
0x8b: {  	[tilespmem:s20+$0x620] =	vst v5;
	v3 =	vadd.f32 v3, v8  }
0x8c: {  	[tilespmem:s20+$0x630] =	vst v4;
	v2 =	vadd.f32 v2, v6  }
0x8d: {  	[tilespmem:s20+$0x640] =	vst v3;
	v1 =	vadd.f32 v1, v7  }
0x8e: {  	[tilespmem:s20+$0x650] =	vst v2;
	v0 =	vadd.f32 v0, v10  }
0x8f: {  	[tilespmem:s20+$0x660] =	vst v1  }
0x90: {  	s13 =	simm.s32 $0x0;
	s14 =	rddreg [dreg:$0x12];
	[tilespmem:s20+$0x670] =	vst v0  }
0x91: {  	[hbm4b:s14+s13] =	stream.linear.scatter [tilespmem:s23], [sflag:$0x7], $0x4000, $0x38;
	[tilespmem:$0x1C480] =	vst v63  }
0x92: {  	_ =	swait.ge [sflag:s28], $0x4000  }
0x93: {  	[sflag:s28] =	ssyncset.done $0x0  }
0x94: {  	s20 =	simm.s32 $0x380;
	[sflag:s28] =	ssyncadd.s32 $0xFFFFC000  }
0x95: {  	[tilespmem:s23], [sflag:$0x1] =	stream.indirect.gather [spmem:s2], $0x80, s20, s22, $0xb8;
	[tilespmem:$0x1C480] =	vst v63  }
0x96: {  	s21 =	simm.s32 $0x580  }
0x97: {  	[tilespmem:s24], [sflag:$0x2] =	stream.indirect.gather [spmem:s3], $0x80, s21, s22, $0xb8;
	[tilespmem:$0x1C480] =	vst v63  }
0x98: {  	_ =	swait.ge [sflag:s0], $0x4000  }
0x99: {  	[sflag:s0] =	ssyncset.done $0x0  }
0x9a: {  	[sflag:s0] =	ssyncadd.s32 $0xFFFFC000  }
0x9b: {  	_ =	swait.ge [sflag:s25], $0x4000  }
0x9c: {  	[sflag:s25] =	ssyncset.done $0x0  }
0x9d: {  	s20 =	simm.s32 $0x0;
	[sflag:s25] =	ssyncadd.s32 $0xFFFFC000  }
0x9e: {  	v7 =	vld [tilespmem:s20+$0xC600]  }
0x9f: {  	v11 =	vld [tilespmem:s20+$0xC610]  }
0xa0: {  	v5 =	vld [tilespmem:s20+$0xC620]  }
0xa1: {  	v4 =	vld [tilespmem:s20+$0xC630]  }
0xa2: {  	v3 =	vld [tilespmem:s20+$0xC640]  }
0xa3: {  	v2 =	vld [tilespmem:s20+$0xC650]  }
0xa4: {  	v1 =	vld [tilespmem:s20+$0xC660]  }
0xa5: {  	v0 =	vld [tilespmem:s20+$0xC670]  }
0xa6: {  	v12 =	vld [tilespmem:s20+$0x8600]  }
0xa7: {  	v13 =	vld [tilespmem:s20+$0x8610]  }
0xa8: {  	v10 =	vld [tilespmem:s20+$0x8620]  }
0xa9: {  	v9 =	vld [tilespmem:s20+$0x8630]  }
0xaa: {  	v8 =	vld [tilespmem:s20+$0x8640]  }
0xab: {  	v6 =	vld [tilespmem:s20+$0x8650];
	v12 =	vadd.f32 v7, v12  }
0xac: {  	s13 =	simm.s32 $0x200;
	v11 =	vadd.f32 v11, v13;
	v7 =	vld [tilespmem:s20+$0x8660]  }
.LBB2_4:
0xad: {  	s21 =	sshra.s32 s13, $0x2;
	p1 =	sne.s32 s13, $0xFE00;
	[tilespmem:s20+$0x8600] =	vst v12;
	v5 =	vadd.f32 v5, v10;
	v10 =	vld [tilespmem:s20+$0x8670]  }
0xae: {  	v12 =	vld [tilespmem:s21+$0xC600];
	[tilespmem:s20+$0x8610] =	vst v11;
	v4 =	vadd.f32 v4, v9  }
0xaf: {  	v11 =	vld [tilespmem:s21+$0xC610];
	[tilespmem:s20+$0x8620] =	vst v5;
	v3 =	vadd.f32 v3, v8  }
0xb0: {  	v5 =	vld [tilespmem:s21+$0xC620];
	[tilespmem:s20+$0x8630] =	vst v4;
	v2 =	vadd.f32 v2, v6  }
0xb1: {  	v4 =	vld [tilespmem:s21+$0xC630];
	[tilespmem:s20+$0x8640] =	vst v3;
	v1 =	vadd.f32 v1, v7  }
0xb2: {  	v3 =	vld [tilespmem:s21+$0xC640];
	[tilespmem:s20+$0x8650] =	vst v2;
	v0 =	vadd.f32 v0, v10  }
0xb3: {  	v2 =	vld [tilespmem:s21+$0xC650];
	[tilespmem:s20+$0x8660] =	vst v1  }
0xb4: {  	v1 =	vld [tilespmem:s21+$0xC660];
	[tilespmem:s20+$0x8670] =	vst v0;
	s20 =	smov.u32 s21  }
0xb5: {  	v0 =	vld [tilespmem:s20+$0xC670]  }
0xb6: {  	v6 =	vld [tilespmem:s20+$0x8600]  }
0xb7: {  	v7 =	vld [tilespmem:s20+$0x8610]  }
.Ltmp1:
0xb8: {  	v10 =	vld [tilespmem:s20+$0x8620];
	(pc) =	sbr.rel @p1 .LBB2_4-.Ltmp1, $4  }
0xb9: {  	v9 =	vld [tilespmem:s20+$0x8630]  }
0xba: {  	v8 =	vld [tilespmem:s20+$0x8640]  }
0xbb: {  	v12 =	vadd.f32 v12, v6;
	v6 =	vld [tilespmem:s20+$0x8650]  }
0xbc: {  	s13 =	sadd.s32 $0x200, s13;
	v11 =	vadd.f32 v11, v7;
	v7 =	vld [tilespmem:s20+$0x8660]  }
0xbd: {  	[tilespmem:s20+$0x8600] =	vst v12;
	v5 =	vadd.f32 v5, v10;
	v10 =	vld [tilespmem:s20+$0x8670]  }
0xbe: {  	[tilespmem:s20+$0x8610] =	vst v11;
	v4 =	vadd.f32 v4, v9  }
0xbf: {  	[tilespmem:s20+$0x8620] =	vst v5;
	v3 =	vadd.f32 v3, v8  }
0xc0: {  	[tilespmem:s20+$0x8630] =	vst v4;
	v2 =	vadd.f32 v2, v6  }
0xc1: {  	[tilespmem:s20+$0x8640] =	vst v3;
	v1 =	vadd.f32 v1, v7  }
0xc2: {  	[tilespmem:s20+$0x8650] =	vst v2;
	v0 =	vadd.f32 v0, v10  }
0xc3: {  	[tilespmem:s20+$0x8660] =	vst v1  }
0xc4: {  	s13 =	simm.s32 $0x0;
	s14 =	rddreg [dreg:$0x13];
	[tilespmem:s20+$0x8670] =	vst v0  }
0xc5: {  	[hbm4b:s14+s13] =	stream.linear.scatter [tilespmem:s26], [sflag:$0x9], $0x4000, $0x38;
	[tilespmem:$0x1C480] =	vst v63  }
0xc6: {  	_ =	swait.ge [sflag:s9], $0x4000  }
0xc7: {  	[sflag:s9] =	ssyncset.done $0x0  }
0xc8: {  	[sflag:s9] =	ssyncadd.s32 $0xFFFFC000  }
0xc9: {  	_ =	swait.ge [sflag:s10], $0x4000  }
0xca: {  	[sflag:s10] =	ssyncset.done $0x0  }
0xcb: {  	s20 =	simm.s32 $0x0;
	[sflag:s10] =	ssyncadd.s32 $0xFFFFC000  }
0xcc: {  	v7 =	vld [tilespmem:s20+$0x14600]  }
0xcd: {  	v11 =	vld [tilespmem:s20+$0x14610]  }
0xce: {  	v5 =	vld [tilespmem:s20+$0x14620]  }
0xcf: {  	v4 =	vld [tilespmem:s20+$0x14630]  }
0xd0: {  	v3 =	vld [tilespmem:s20+$0x14640]  }
0xd1: {  	v2 =	vld [tilespmem:s20+$0x14650]  }
0xd2: {  	v1 =	vld [tilespmem:s20+$0x14660]  }
0xd3: {  	v0 =	vld [tilespmem:s20+$0x14670]  }
0xd4: {  	v12 =	vld [tilespmem:s20+$0x10600]  }
0xd5: {  	v13 =	vld [tilespmem:s20+$0x10610]  }
0xd6: {  	v10 =	vld [tilespmem:s20+$0x10620]  }
0xd7: {  	v9 =	vld [tilespmem:s20+$0x10630]  }
0xd8: {  	v8 =	vld [tilespmem:s20+$0x10640]  }
0xd9: {  	v6 =	vld [tilespmem:s20+$0x10650];
	v12 =	vadd.f32 v7, v12  }
0xda: {  	s13 =	simm.s32 $0x200;
	v11 =	vadd.f32 v11, v13;
	v7 =	vld [tilespmem:s20+$0x10660]  }
.LBB2_6:
0xdb: {  	s21 =	sshra.s32 s13, $0x2;
	p1 =	sne.s32 s13, $0xFE00;
	[tilespmem:s20+$0x10600] =	vst v12;
	v5 =	vadd.f32 v5, v10;
	v10 =	vld [tilespmem:s20+$0x10670]  }
0xdc: {  	v12 =	vld [tilespmem:s21+$0x14600];
	[tilespmem:s20+$0x10610] =	vst v11;
	v4 =	vadd.f32 v4, v9  }
0xdd: {  	v11 =	vld [tilespmem:s21+$0x14610];
	[tilespmem:s20+$0x10620] =	vst v5;
	v3 =	vadd.f32 v3, v8  }
0xde: {  	v5 =	vld [tilespmem:s21+$0x14620];
	[tilespmem:s20+$0x10630] =	vst v4;
	v2 =	vadd.f32 v2, v6  }
0xdf: {  	v4 =	vld [tilespmem:s21+$0x14630];
	[tilespmem:s20+$0x10640] =	vst v3;
	v1 =	vadd.f32 v1, v7  }
0xe0: {  	v3 =	vld [tilespmem:s21+$0x14640];
	[tilespmem:s20+$0x10650] =	vst v2;
	v0 =	vadd.f32 v0, v10  }
0xe1: {  	v2 =	vld [tilespmem:s21+$0x14650];
	[tilespmem:s20+$0x10660] =	vst v1  }
0xe2: {  	v1 =	vld [tilespmem:s21+$0x14660];
	[tilespmem:s20+$0x10670] =	vst v0;
	s20 =	smov.u32 s21  }
0xe3: {  	v0 =	vld [tilespmem:s20+$0x14670]  }
0xe4: {  	v6 =	vld [tilespmem:s20+$0x10600]  }
0xe5: {  	v7 =	vld [tilespmem:s20+$0x10610]  }
.Ltmp2:
0xe6: {  	v10 =	vld [tilespmem:s20+$0x10620];
	(pc) =	sbr.rel @p1 .LBB2_6-.Ltmp2, $4  }
0xe7: {  	v9 =	vld [tilespmem:s20+$0x10630]  }
0xe8: {  	v8 =	vld [tilespmem:s20+$0x10640]  }
0xe9: {  	v12 =	vadd.f32 v12, v6;
	v6 =	vld [tilespmem:s20+$0x10650]  }
0xea: {  	s13 =	sadd.s32 $0x200, s13;
	v11 =	vadd.f32 v11, v7;
	v7 =	vld [tilespmem:s20+$0x10660]  }
0xeb: {  	[tilespmem:s20+$0x10600] =	vst v12;
	v5 =	vadd.f32 v5, v10;
	v10 =	vld [tilespmem:s20+$0x10670]  }
0xec: {  	[tilespmem:s20+$0x10610] =	vst v11;
	v4 =	vadd.f32 v4, v9  }
0xed: {  	[tilespmem:s20+$0x10620] =	vst v5;
	v3 =	vadd.f32 v3, v8  }
0xee: {  	[tilespmem:s20+$0x10630] =	vst v4;
	v2 =	vadd.f32 v2, v6  }
0xef: {  	[tilespmem:s20+$0x10640] =	vst v3;
	v1 =	vadd.f32 v1, v7  }
0xf0: {  	[tilespmem:s20+$0x10650] =	vst v2;
	v0 =	vadd.f32 v0, v10  }
0xf1: {  	[tilespmem:s20+$0x10660] =	vst v1  }
0xf2: {  	s13 =	simm.s32 $0x0;
	s14 =	rddreg [dreg:$0x14];
	[tilespmem:s20+$0x10670] =	vst v0  }
0xf3: {  	[hbm4b:s14+s13] =	stream.linear.scatter [tilespmem:s8], [sflag:$0xB], $0x4000, $0x38;
	[tilespmem:$0x1C480] =	vst v63  }
0xf4: {  	_ =	swait.ge [sflag:s30], $0x4000  }
0xf5: {  	[sflag:s30] =	ssyncset.done $0x0  }
0xf6: {  	[sflag:s30] =	ssyncadd.s32 $0xFFFFC000  }
0xf7: {  	_ =	swait.ge [sflag:s31], $0x4000  }
0xf8: {  	[sflag:s31] =	ssyncset.done $0x0  }
0xf9: {  	s20 =	simm.s32 $0x0;
	[sflag:s31] =	ssyncadd.s32 $0xFFFFC000  }
0xfa: {  	v7 =	vld [tilespmem:s20+$0x4600]  }
0xfb: {  	v11 =	vld [tilespmem:s20+$0x4610]  }
0xfc: {  	v5 =	vld [tilespmem:s20+$0x4620]  }
0xfd: {  	v4 =	vld [tilespmem:s20+$0x4630]  }
0xfe: {  	v3 =	vld [tilespmem:s20+$0x4640]  }
0xff: {  	v2 =	vld [tilespmem:s20+$0x4650]  }
0x100: {  	v1 =	vld [tilespmem:s20+$0x4660]  }
0x101: {  	v0 =	vld [tilespmem:s20+$0x4670]  }
0x102: {  	v12 =	vld [tilespmem:s20+$0x600]  }
0x103: {  	v13 =	vld [tilespmem:s20+$0x610]  }
0x104: {  	v10 =	vld [tilespmem:s20+$0x620]  }
0x105: {  	v9 =	vld [tilespmem:s20+$0x630]  }
0x106: {  	v8 =	vld [tilespmem:s20+$0x640]  }
0x107: {  	v6 =	vld [tilespmem:s20+$0x650];
	v12 =	vadd.f32 v7, v12  }
0x108: {  	s13 =	simm.s32 $0x200;
	v11 =	vadd.f32 v11, v13;
	v7 =	vld [tilespmem:s20+$0x660]  }
.LBB2_8:
0x109: {  	s21 =	sshra.s32 s13, $0x2;
	p1 =	sne.s32 s13, $0xFE00;
	[tilespmem:s20+$0x600] =	vst v12;
	v5 =	vadd.f32 v5, v10;
	v10 =	vld [tilespmem:s20+$0x670]  }
0x10a: {  	v12 =	vld [tilespmem:s21+$0x4600];
	[tilespmem:s20+$0x610] =	vst v11;
	v4 =	vadd.f32 v4, v9  }
0x10b: {  	v11 =	vld [tilespmem:s21+$0x4610];
	[tilespmem:s20+$0x620] =	vst v5;
	v3 =	vadd.f32 v3, v8  }
0x10c: {  	v5 =	vld [tilespmem:s21+$0x4620];
	[tilespmem:s20+$0x630] =	vst v4;
	v2 =	vadd.f32 v2, v6  }
0x10d: {  	v4 =	vld [tilespmem:s21+$0x4630];
	[tilespmem:s20+$0x640] =	vst v3;
	v1 =	vadd.f32 v1, v7  }
0x10e: {  	v3 =	vld [tilespmem:s21+$0x4640];
	[tilespmem:s20+$0x650] =	vst v2;
	v0 =	vadd.f32 v0, v10  }
0x10f: {  	v2 =	vld [tilespmem:s21+$0x4650];
	[tilespmem:s20+$0x660] =	vst v1  }
0x110: {  	v1 =	vld [tilespmem:s21+$0x4660];
	[tilespmem:s20+$0x670] =	vst v0;
	s20 =	smov.u32 s21  }
0x111: {  	v0 =	vld [tilespmem:s20+$0x4670]  }
0x112: {  	v6 =	vld [tilespmem:s20+$0x600]  }
0x113: {  	v7 =	vld [tilespmem:s20+$0x610]  }
.Ltmp3:
0x114: {  	v10 =	vld [tilespmem:s20+$0x620];
	(pc) =	sbr.rel @p1 .LBB2_8-.Ltmp3, $4  }
0x115: {  	v9 =	vld [tilespmem:s20+$0x630]  }
0x116: {  	v8 =	vld [tilespmem:s20+$0x640]  }
0x117: {  	v12 =	vadd.f32 v12, v6;
	v6 =	vld [tilespmem:s20+$0x650]  }
0x118: {  	s13 =	sadd.s32 $0x200, s13;
	v11 =	vadd.f32 v11, v7;
	v7 =	vld [tilespmem:s20+$0x660]  }
0x119: {  	[tilespmem:s20+$0x600] =	vst v12;
	v5 =	vadd.f32 v5, v10;
	v63 =	vld [tilespmem:s20+$0x670]  }
0x11a: {  	[tilespmem:s20+$0x610] =	vst v11;
	v4 =	vadd.f32 v4, v9  }
0x11b: {  	[tilespmem:s20+$0x620] =	vst v5;
	v3 =	vadd.f32 v3, v8  }
0x11c: {  	[tilespmem:s20+$0x630] =	vst v4;
	v2 =	vadd.f32 v2, v6  }
0x11d: {  	[tilespmem:s20+$0x640] =	vst v3;
	v1 =	vadd.f32 v1, v7  }
0x11e: {  	[tilespmem:s20+$0x650] =	vst v2;
	v0 =	vadd.f32 v0, v63  }
0x11f: {  	[tilespmem:s20+$0x660] =	vst v1  }
0x120: {  	[tilespmem:s20+$0x670] =	vst v0  }
0x121: {  	[hbm4b:s17+s4] =	stream.linear.scatter [tilespmem:s23], [sflag:$0x7], $0x4000, $0x38;
	[tilespmem:$0x1C480] =	vst v63  }
0x122: {  	_ =	swait.ge [sflag:s6], $0x4000  }
0x123: {  	[sflag:s6] =	ssyncset.done $0x0  }
0x124: {  	s12 =	sadd.s32 $0x1, s12;
	[sflag:s6] =	ssyncadd.s32 $0xFFFFC000  }
0x125: {  	p1 =	sne.s32 s12, s18;
	_ =	swait.ge [sflag:s11], $0x4000  }
.Ltmp4:
0x126: {  	[sflag:s11] =	ssyncset.done $0x0;
	(pc) =	sbr.rel @p1 .LBB2_1-.Ltmp4, $4  }
0x127: {  	[sflag:s11] =	ssyncadd.s32 $0xFFFFC000  }
0x128: {  	_ =	swait.ge [sflag:s28], $0x4000  }
0x129: {  	[sflag:s28] =	ssyncset.done $0x0  }
0x12a: {  	[sflag:s28] =	ssyncadd.s32 $0xFFFFC000  }
0x12b: {  	_ =	sfence.sel $0x180000  }
0x12c: {  	[bflag:$0x0] =	sbarrier.arrive $0xFFFF  }
0x12d: {  	_ =	strace $0x90000047  }
0x12e: {  	[bflag:$0x2] =	sbarrier.arrive $0xFFFF  }
0x12f: {  	s0 =	rddreg [dreg:$0x8]  }
0x130: {  	s0 =	sadd.s32 @!p0 $0x100000, s0  }
0x131: {  	[sflag:s0] =	ssyncadd.tile.s32 @!p0 $0x1;
	_ =	shalt  }
.Lfunc_end2:
_tile_overlayer_lowered:
.L_overlay_start_2:
0x132: {  	(tag) =	ssettag $0x2  }
0x133: {  	s0 =	rddreg [dreg:$0x0];
	s2 =	stileid.u32  }
0x134: {  	s1 =	rddreg [dreg:$0x1];
	p0 =	sne.s32 s2, $0x0  }
0x135: {  	s3 =	rddreg [dreg:$0x2];
	[bflag:$0x3] =	sbarrier.arrive $0xFFFF;
	s2 =	simm.s32 @!p0 $0x1C0E  }
0x136: {  	[timem:s3], [sflag:s2] =	dma.local @!p0 [hbm:s0], s1  }
0x137: {  	s0 =	simm.s32 @!p0 $0xE  }
0x138: {  	_ =	swait.ge @!p0 [sflag:s0], s1  }
0x139: {  	s1 =	ssub.s32 @!p0 $0x0, s1;
	[sflag:s0] =	ssyncset.done @!p0 $0x0  }
0x13a: {  	[sflag:s0] =	ssyncadd.s32 @!p0 s1  }
0x13b: {  	[bflag:$0x3] =	sbarrier.arrive $0xFFFF  }
0x13c: {  	_ =	shalt  }

</sc_bundles>
